<compile_context>
chip_gen: v7x
topology: tpu7x:2x2x1
jax: 0.10.2.dev20260603
libtpu: 0.0.44.dev20260713+nightly
codegen_flags: <defaults>
</compile_context>

<pallas_src>
import jax
import jax.numpy as jnp
from jax import lax
from jax.experimental import pallas as pl
from jax.experimental.pallas import tpu as pltpu
from jax.experimental.pallas import tpu_sc as plsc

N = 10000
NP = 10240
E = 320000
D = 128

NC = 2
NS = 16
NW = NC * NS

CH = 20
ROWS = E // CH
RW = ROWS // NW
NB = 10
LOOK = NB - 2
EW = E // NW
TROWS = NP // NS

BR = 512
GRID = NP // BR


def _sc_deg_body(edge_hbm, cnt_hbm, comb_hbm, sloc, dloc, cloc, cnt):
  c = lax.axis_index("c")
  s = lax.axis_index("s")
  wid = c * NS + s
  pltpu.sync_copy(edge_hbm.at[pl.ds(wid * EW, EW)], sloc)
  pltpu.sync_copy(edge_hbm.at[pl.ds(E + wid * EW, EW)], dloc)

  def zero(i, carry):
    cnt[pl.ds(i * 16, 16)] = jnp.zeros((16,), jnp.float32)
    return carry

  lax.fori_loop(0, NP // 16, zero, 0)

  ones = jnp.full((16,), 1.0, jnp.float32)

  def body(i, carry):
    sl = pl.ds(i * 16, 16)
    d = dloc[sl]
    cloc[sl] = lax.bitwise_or(sloc[sl], lax.shift_left(d, 16))
    plsc.addupdate_scatter(cnt, [d], ones)
    return carry

  lax.fori_loop(0, EW // 16, body, 0)
  pltpu.sync_copy(cnt, cnt_hbm.at[wid])
  pltpu.sync_copy(cloc, comb_hbm.at[wid])


_sc_deg = pl.kernel(
    _sc_deg_body,
    out_type=(jax.ShapeDtypeStruct((NW, NP), jnp.float32),
              jax.ShapeDtypeStruct((NW, EW), jnp.int32)),
    mesh=plsc.VectorSubcoreMesh(core_axis_name="c", subcore_axis_name="s"),
    scratch_types=[
        pltpu.VMEM((EW,), jnp.int32),
        pltpu.VMEM((EW,), jnp.int32),
        pltpu.VMEM((EW,), jnp.int32),
        pltpu.VMEM((NP,), jnp.float32),
    ],
    compiler_params=pltpu.CompilerParams(needs_layout_passes=False),
)


def _tc_transform_body(cnt_ref, x_ref, w_ref, hp_ref):
  deg = jnp.sum(cnt_ref[...], axis=0) + 1.0
  g = lax.rsqrt(deg)
  h = jnp.dot(x_ref[...], w_ref[...], preferred_element_type=jnp.float32)
  hp_ref[...] = h * g[:, None]


def _tc_transform(cnt, x_p, weight):
  return pl.pallas_call(
      _tc_transform_body,
      grid=(GRID,),
      in_specs=[
          pl.BlockSpec((NW, BR), lambda i: (0, i)),
          pl.BlockSpec((BR, D), lambda i: (i, 0)),
          pl.BlockSpec((D, D), lambda i: (0, 0)),
      ],
      out_specs=pl.BlockSpec((BR, D), lambda i: (i, 0)),
      out_shape=jax.ShapeDtypeStruct((NP, D), jnp.float32),
  )(cnt, x_p, weight)


def _sc_scatter_body(hp_hbm, comb_hbm, acc_hbm, *scratch):
  c = lax.axis_index("c")
  s = lax.axis_index("s")
  wid = c * NS + s
  combv = scratch[0]
  srcis = list(scratch[1:1 + NB])
  dstis = list(scratch[1 + NB:1 + 2 * NB])
  bufs = list(scratch[1 + 2 * NB:1 + 3 * NB])
  semgs = list(scratch[1 + 3 * NB:1 + 4 * NB])
  semss = list(scratch[1 + 4 * NB:1 + 5 * NB])
  acc_sh = scratch[1 + 5 * NB]
  buf0 = bufs[0]

  pltpu.sync_copy(comb_hbm.at[wid], combv)

  def zrow(i, carry):
    for l in range(D // 16):
      buf0[i, pl.ds(l * 16, 16)] = jnp.zeros((16,), jnp.float32)
    return carry

  lax.fori_loop(0, 16, zrow, 0)
  for k in range(TROWS // 16):
    pltpu.sync_copy(buf0.at[pl.ds(0, 16)],
                    acc_sh.at[pl.ds(s * TROWS + k * 16, 16)])
  plsc.subcore_barrier()

  iota16 = lax.iota(jnp.int32, 16)
  tail16 = iota16 + (CH - 16)

  def unpack(j, srci, dsti):
    base = j * CH
    for st in range(0, CH - 16, 16):
      v = plsc.load_gather(combv, [base + st + iota16])
      srci[pl.ds(st, 16)] = lax.bitwise_and(v, 0xFFFF)
      dsti[pl.ds(st, 16)] = lax.shift_right_logical(v, 16)
    v = plsc.load_gather(combv, [base + tail16])
    plsc.store_scatter(srci, [tail16], lax.bitwise_and(v, 0xFFFF))
    plsc.store_scatter(dsti, [tail16], lax.shift_right_logical(v, 16))

  def gather_start(srci, buf, sem):
    pltpu.async_copy(hp_hbm.at[srci], buf, sem)

  def gather_wait(srci, buf, sem):
    pltpu.make_async_copy(hp_hbm.at[srci], buf, sem).wait()

  def scat_start(dsti, buf, sem):
    pltpu.async_copy(buf, acc_sh.at[dsti], sem, add=True)

  def scat_wait(dsti, buf, sem):
    pltpu.make_async_copy(buf, acc_sh.at[dsti], sem).wait()

  for j0 in range(LOOK):
    unpack(j0, srcis[j0], dstis[j0])
    gather_start(srcis[j0], bufs[j0], semgs[j0])

  NQ = RW // NB

  def group(q, carry):
    for t in range(NB):
      j = NB * q + t
      bw = (t + LOOK) % NB
      gather_wait(srcis[t], bufs[t], semgs[t])
      scat_start(dstis[t], bufs[t], semss[t])
      if t < 2:
        @pl.when(q > 0)
        def _():
          scat_wait(dstis[bw], bufs[bw], semss[bw])

        unpack(j + LOOK, srcis[bw], dstis[bw])
        gather_start(srcis[bw], bufs[bw], semgs[bw])
      else:
        scat_wait(dstis[bw], bufs[bw], semss[bw])

        @pl.when(q < NQ - 1)
        def _():
          unpack(j + LOOK, srcis[bw], dstis[bw])
          gather_start(srcis[bw], bufs[bw], semgs[bw])
    return carry

  lax.fori_loop(0, NQ, group, 0)

  scat_wait(dstis[(RW - 2) % NB], bufs[(RW - 2) % NB], semss[(RW - 2) % NB])
  scat_wait(dstis[(RW - 1) % NB], bufs[(RW - 1) % NB], semss[(RW - 1) % NB])
  plsc.subcore_barrier()
  pltpu.sync_copy(acc_sh.at[pl.ds(s * TROWS, TROWS)],
                  acc_hbm.at[c, pl.ds(s * TROWS, TROWS)])


_sc_scatter = pl.kernel(
    _sc_scatter_body,
    out_type=jax.ShapeDtypeStruct((NC, NP, D), jnp.float32),
    mesh=plsc.VectorSubcoreMesh(core_axis_name="c", subcore_axis_name="s"),
    scratch_types=(
        [pltpu.VMEM((RW * CH,), jnp.int32)]
        + [pltpu.VMEM((CH,), jnp.int32)] * (2 * NB)
        + [pltpu.VMEM((CH, D), jnp.float32)] * NB
        + [pltpu.SemaphoreType.DMA] * (2 * NB)
        + [pltpu.VMEM_SHARED((NP, D), jnp.float32)]
    ),
    compiler_params=pltpu.CompilerParams(needs_layout_passes=False),
)


def _tc_combine_body(cnt_ref, a0_ref, a1_ref, hp_ref, b_ref, out_ref):
  deg = jnp.sum(cnt_ref[...], axis=0) + 1.0
  g = lax.rsqrt(deg)
  acc = a0_ref[0] + a1_ref[0] + hp_ref[...]
  out_ref[...] = g[:, None] * acc + b_ref[...]


def _tc_combine(cnt, accp, hp, bias2d):
  return pl.pallas_call(
      _tc_combine_body,
      grid=(GRID,),
      in_specs=[
          pl.BlockSpec((NW, BR), lambda i: (0, i)),
          pl.BlockSpec((1, BR, D), lambda i: (0, i, 0)),
          pl.BlockSpec((1, BR, D), lambda i: (1, i, 0)),
          pl.BlockSpec((BR, D), lambda i: (i, 0)),
          pl.BlockSpec((1, D), lambda i: (0, 0)),
      ],
      out_specs=pl.BlockSpec((BR, D), lambda i: (i, 0)),
      out_shape=jax.ShapeDtypeStruct((N, D), jnp.float32),
  )(cnt, accp, accp, hp, bias2d)


@jax.jit
def kernel(x, edge_index, weight, bias):
  cnt, comb = _sc_deg(edge_index.reshape(2 * E))
  x_p = jnp.pad(x, ((0, NP - N), (0, 0)))
  hp = _tc_transform(cnt, x_p, weight)
  accp = _sc_scatter(hp, comb)
  return _tc_combine(cnt, accp, hp, bias.reshape(1, D))

# --- scband reference (transcript-rebuilt; emitter-appended) ---
"""Pipeline reference for scband-custom-graph-conv-dgl-23776938951360 (READ-ONLY COPY).

The authoritative reference and input builder live on the scoring server;
editing this copy changes nothing except your own understanding.
"""

import jax, jax.numpy as jnp
import numpy as np

N = 10000
E = 320000
D_IN = 128
D_OUT = 128


def setup_inputs(seed: int = 0) -> dict:
    key = jax.random.key(seed)
    k1, k2, k3 = jax.random.split(key, 3)
    x = jax.random.normal(k1, (N, D_IN), dtype=jnp.float32)
    edge_index = jax.random.randint(k2, (2, E), 0, N, dtype=jnp.int32)
    # xavier_uniform for weight
    limit = float(np.sqrt(6.0 / (D_IN + D_OUT)))
    weight = jax.random.uniform(k3, (D_IN, D_OUT), dtype=jnp.float32, minval=-limit, maxval=limit)
    bias = jnp.zeros((D_OUT,), dtype=jnp.float32)
    return {"x": x, "edge_index": edge_index, "weight": weight, "bias": bias}


def reference(x, edge_index, weight, bias):
    n = x.shape[0]
    # linear transform
    h = x @ weight
    src = edge_index[0]
    dst = edge_index[1]
    # add self loops (dgl.add_self_loop appends N self-loop edges)
    loop = jnp.arange(n, dtype=src.dtype)
    src_full = jnp.concatenate([src, loop], axis=0)
    dst_full = jnp.concatenate([dst, loop], axis=0)
    # edge weights: ones for original edges, loop_weight=1.0 (improved=False)
    ew = jnp.ones((src_full.shape[0],), dtype=jnp.float32)
    # deg = sum of incoming edge weights at dst (copy_e + sum reduce)
    deg = jax.ops.segment_sum(ew, dst_full, num_segments=n)
    deg_inv_sqrt = jnp.power(deg, -0.5)
    deg_inv_sqrt = jnp.where(jnp.isinf(deg_inv_sqrt), 0.0, deg_inv_sqrt)
    # norm_w = norm[src] * w * norm[dst]
    norm_w = deg_inv_sqrt[src_full] * ew * deg_inv_sqrt[dst_full]
    # message passing: u_mul_e then sum at dst
    m = h[src_full] * norm_w[:, None]
    out = jax.ops.segment_sum(m, dst_full, num_segments=n)
    out = out + bias
    return out

if __name__ == "__main__":
    import jax
    _d = setup_inputs()
    print(jax.jit(kernel)(*tuple(_d.values())))

</pallas_src>

<mosaic_0001>
#map = affine_map<(d0, d1) -> (0)>
#map1 = affine_map<(d0, d1) -> (0, 0)>
module attributes {stable_mosaic.version = 14 : i64} {
  func.func @_sc_deg_body(%arg0: i32, %arg1: i32, %arg2: memref<640000xi32, #tpu.memory_space<hbm>>, %arg3: memref<32x10240xf32, #tpu.memory_space<hbm>>, %arg4: memref<32x10000xi32, #tpu.memory_space<hbm>>, %arg5: memref<10000xi32, #tpu.memory_space<vmem>>, %arg6: memref<10000xi32, #tpu.memory_space<vmem>>, %arg7: memref<10000xi32, #tpu.memory_space<vmem>>, %arg8: memref<10240xf32, #tpu.memory_space<vmem>>) attributes {dimension_semantics = [#tpu.dimension_semantics<core_parallel>, #tpu.dimension_semantics<subcore_parallel>], iteration_bounds = array<i64: 2, 16>, scalar_prefetch = 0 : i64, scratch_operands = 4 : i64, tpu.core_type = #tpu.core_type<sc_vector_subcore>, window_params = [{transform_indices = #map}, {transform_indices = #map1}, {transform_indices = #map1}]} {
    %mul3A = arith.constant 16 : i32
    %mul3A_0 = arith.muli %arg0, %mul3A : i32
    %add3A = arith.addi %mul3A_0, %arg1 : i32
    %mul3A_1 = arith.constant 10000 : i32
    %mul3A_2 = arith.muli %add3A, %mul3A_1 : i32
    "tpu.region"() ({
      %run_scoped3A = tpu.sem_alloc : memref<!tpu.dma_semaphore, #tpu.memory_space<semaphore_mem>>
      %dma_start3A = tpu.memref_slice %arg2[%mul3A_2] : memref<640000xi32, #tpu.memory_space<hbm>> -> memref<10000xi32, #tpu.memory_space<hbm>>
      %dma_start3A_19 = tpu.memref_slice %arg2[%mul3A_2] : memref<640000xi32, #tpu.memory_space<hbm>> -> memref<10000xi32, #tpu.memory_space<hbm>>
      tpu.enqueue_dma source(%dma_start3A_19 : memref<10000xi32, #tpu.memory_space<hbm>>) target(%arg5 : memref<10000xi32, #tpu.memory_space<vmem>>) target_semaphore(%run_scoped3A : memref<!tpu.dma_semaphore, #tpu.memory_space<semaphore_mem>>)
      %dma_wait3A = tpu.memref_slice %arg2[%mul3A_2] : memref<640000xi32, #tpu.memory_space<hbm>> -> memref<10000xi32, #tpu.memory_space<hbm>>
      %dma_wait3A_20 = tpu.memref_slice %arg2[%mul3A_2] : memref<640000xi32, #tpu.memory_space<hbm>> -> memref<10000xi32, #tpu.memory_space<hbm>>
      tpu.wait_dma2 semaphore(%run_scoped3A : memref<!tpu.dma_semaphore, #tpu.memory_space<semaphore_mem>>) src(%dma_wait3A_20 : memref<10000xi32, #tpu.memory_space<hbm>>) dst(%arg5 : memref<10000xi32, #tpu.memory_space<vmem>>)
      tpu.yield
    }) : () -> ()
    %mul3A_3 = arith.constant 10000 : i32
    %mul3A_4 = arith.muli %add3A, %mul3A_3 : i32
    %add3A_5 = arith.constant 320000 : i32
    %add3A_6 = arith.addi %add3A_5, %mul3A_4 : i32
    "tpu.region"() ({
      %run_scoped3A = tpu.sem_alloc : memref<!tpu.dma_semaphore, #tpu.memory_space<semaphore_mem>>
      %dma_start3A = tpu.memref_slice %arg2[%add3A_6] : memref<640000xi32, #tpu.memory_space<hbm>> -> memref<10000xi32, #tpu.memory_space<hbm>>
      %dma_start3A_19 = tpu.memref_slice %arg2[%add3A_6] : memref<640000xi32, #tpu.memory_space<hbm>> -> memref<10000xi32, #tpu.memory_space<hbm>>
      tpu.enqueue_dma source(%dma_start3A_19 : memref<10000xi32, #tpu.memory_space<hbm>>) target(%arg6 : memref<10000xi32, #tpu.memory_space<vmem>>) target_semaphore(%run_scoped3A : memref<!tpu.dma_semaphore, #tpu.memory_space<semaphore_mem>>)
      %dma_wait3A = tpu.memref_slice %arg2[%add3A_6] : memref<640000xi32, #tpu.memory_space<hbm>> -> memref<10000xi32, #tpu.memory_space<hbm>>
      %dma_wait3A_20 = tpu.memref_slice %arg2[%add3A_6] : memref<640000xi32, #tpu.memory_space<hbm>> -> memref<10000xi32, #tpu.memory_space<hbm>>
      tpu.wait_dma2 semaphore(%run_scoped3A : memref<!tpu.dma_semaphore, #tpu.memory_space<semaphore_mem>>) src(%dma_wait3A_20 : memref<10000xi32, #tpu.memory_space<hbm>>) dst(%arg6 : memref<10000xi32, #tpu.memory_space<vmem>>)
      tpu.yield
    }) : () -> ()
    %scan3A = arith.constant 0 : i32
    %scan3A_7 = arith.constant 0 : i32
    %scan3A_8 = arith.constant 640 : i32
    %scan3A_9 = arith.addi %scan3A_7, %scan3A_8 : i32
    %scan3A_10 = arith.constant 1 : i32
    scf.for %scan3A_19 = %scan3A_7 to %scan3A_9 step %scan3A_10  : i32 {
      %broadcast_in_dim3A_20 = arith.constant 0.000000e+00 : f32
      %broadcast_in_dim3A_21 = vector.broadcast %broadcast_in_dim3A_20 : f32 to vector<16xf32>
      %mul3A_22 = arith.constant 16 : i32
      %mul3A_23 = arith.muli %scan3A_19, %mul3A_22 : i32
      %swap3A = arith.index_cast %mul3A_23 : i32 to index
      %swap3A_24 = tpu.vector_load %arg8[%swap3A] {strides = array<i32>} : memref<10240xf32, #tpu.memory_space<vmem>>, vector<16xf32>,
      tpu.vector_store %arg8[%swap3A], %broadcast_in_dim3A_21 {strides = array<i32>} : memref<10240xf32, #tpu.memory_space<vmem>>, vector<16xf32>,
    }
    %scan3A_11 = arith.constant 640 : i32
    %broadcast_in_dim3A = arith.constant 1.000000e+00 : f32
    %broadcast_in_dim3A_12 = vector.broadcast %broadcast_in_dim3A : f32 to vector<16xf32>
    %scan3A_13 = arith.constant 0 : i32
    %scan3A_14 = arith.constant 0 : i32
    %scan3A_15 = arith.constant 625 : i32
    %scan3A_16 = arith.addi %scan3A_14, %scan3A_15 : i32
    %scan3A_17 = arith.constant 1 : i32
    scf.for %scan3A_19 = %scan3A_14 to %scan3A_16 step %scan3A_17  : i32 {
      %mul3A_20 = arith.constant 16 : i32
      %mul3A_21 = arith.muli %scan3A_19, %mul3A_20 : i32
      %get3A = arith.index_cast %mul3A_21 : i32 to index
      %get3A_22 = tpu.vector_load %arg6[%get3A] {strides = array<i32>} : memref<10000xi32, #tpu.memory_space<vmem>>, vector<16xi32>,
      %get3A_23 = arith.index_cast %mul3A_21 : i32 to index
      %get3A_24 = tpu.vector_load %arg5[%get3A_23] {strides = array<i32>} : memref<10000xi32, #tpu.memory_space<vmem>>, vector<16xi32>,
      %shift_left3A = arith.constant 16 : i32
      %shift_left3A_25 = vector.broadcast %shift_left3A : i32 to vector<16xi32>
      %shift_left3A_26 = arith.shli %get3A_22, %shift_left3A_25 : vector<16xi32>
      %or3A = arith.ori %get3A_24, %shift_left3A_26 : vector<16xi32>
      %swap3A = arith.index_cast %mul3A_21 : i32 to index
      %swap3A_27 = tpu.vector_load %arg7[%swap3A] {strides = array<i32>} : memref<10000xi32, #tpu.memory_space<vmem>>, vector<16xi32>,
      tpu.vector_store %arg7[%swap3A], %or3A {strides = array<i32>} : memref<10000xi32, #tpu.memory_space<vmem>>, vector<16xi32>,
      tpu.vector_store_idx %arg8[%get3A_22], %broadcast_in_dim3A_12 {add = true} : memref<10240xf32, #tpu.memory_space<vmem>>[vector<16xi32>], vector<16xf32>,
    }
    %scan3A_18 = arith.constant 625 : i32
    "tpu.region"() ({
      %run_scoped3A = tpu.sem_alloc : memref<!tpu.dma_semaphore, #tpu.memory_space<semaphore_mem>>
      %dma_start3A = arith.constant 0 : i32
      %dma_start3A_19 = tpu.memref_slice %arg3[%add3A, %dma_start3A] : memref<32x10240xf32, #tpu.memory_space<hbm>> -> memref<1x10240xf32, #tpu.memory_space<hbm>>
      %dma_start3A_20 = tpu.memref_squeeze %dma_start3A_19 : memref<1x10240xf32, #tpu.memory_space<hbm>> -> memref<10240xf32, #tpu.memory_space<hbm>>
      %dma_start3A_21 = arith.constant 0 : i32
      %dma_start3A_22 = tpu.memref_slice %arg3[%add3A, %dma_start3A_21] : memref<32x10240xf32, #tpu.memory_space<hbm>> -> memref<1x10240xf32, #tpu.memory_space<hbm>>
      %dma_start3A_23 = tpu.memref_squeeze %dma_start3A_22 : memref<1x10240xf32, #tpu.memory_space<hbm>> -> memref<10240xf32, #tpu.memory_space<hbm>>
      tpu.enqueue_dma source(%arg8 : memref<10240xf32, #tpu.memory_space<vmem>>) target(%dma_start3A_23 : memref<10240xf32, #tpu.memory_space<hbm>>) target_semaphore(%run_scoped3A : memref<!tpu.dma_semaphore, #tpu.memory_space<semaphore_mem>>)
      %dma_wait3A = arith.constant 0 : i32
      %dma_wait3A_24 = tpu.memref_slice %arg3[%add3A, %dma_wait3A] : memref<32x10240xf32, #tpu.memory_space<hbm>> -> memref<1x10240xf32, #tpu.memory_space<hbm>>
      %dma_wait3A_25 = tpu.memref_squeeze %dma_wait3A_24 : memref<1x10240xf32, #tpu.memory_space<hbm>> -> memref<10240xf32, #tpu.memory_space<hbm>>
      %dma_wait3A_26 = arith.constant 0 : i32
      %dma_wait3A_27 = tpu.memref_slice %arg3[%add3A, %dma_wait3A_26] : memref<32x10240xf32, #tpu.memory_space<hbm>> -> memref<1x10240xf32, #tpu.memory_space<hbm>>
      %dma_wait3A_28 = tpu.memref_squeeze %dma_wait3A_27 : memref<1x10240xf32, #tpu.memory_space<hbm>> -> memref<10240xf32, #tpu.memory_space<hbm>>
      tpu.wait_dma2 semaphore(%run_scoped3A : memref<!tpu.dma_semaphore, #tpu.memory_space<semaphore_mem>>) src(%arg8 : memref<10240xf32, #tpu.memory_space<vmem>>) dst(%dma_wait3A_28 : memref<10240xf32, #tpu.memory_space<hbm>>)
      tpu.yield
    }) : () -> ()
    "tpu.region"() ({
      %run_scoped3A = tpu.sem_alloc : memref<!tpu.dma_semaphore, #tpu.memory_space<semaphore_mem>>
      %dma_start3A = arith.constant 0 : i32
      %dma_start3A_19 = tpu.memref_slice %arg4[%add3A, %dma_start3A] : memref<32x10000xi32, #tpu.memory_space<hbm>> -> memref<1x10000xi32, #tpu.memory_space<hbm>>
      %dma_start3A_20 = tpu.memref_squeeze %dma_start3A_19 : memref<1x10000xi32, #tpu.memory_space<hbm>> -> memref<10000xi32, #tpu.memory_space<hbm>>
      %dma_start3A_21 = arith.constant 0 : i32
      %dma_start3A_22 = tpu.memref_slice %arg4[%add3A, %dma_start3A_21] : memref<32x10000xi32, #tpu.memory_space<hbm>> -> memref<1x10000xi32, #tpu.memory_space<hbm>>
      %dma_start3A_23 = tpu.memref_squeeze %dma_start3A_22 : memref<1x10000xi32, #tpu.memory_space<hbm>> -> memref<10000xi32, #tpu.memory_space<hbm>>
      tpu.enqueue_dma source(%arg7 : memref<10000xi32, #tpu.memory_space<vmem>>) target(%dma_start3A_23 : memref<10000xi32, #tpu.memory_space<hbm>>) target_semaphore(%run_scoped3A : memref<!tpu.dma_semaphore, #tpu.memory_space<semaphore_mem>>)
      %dma_wait3A = arith.constant 0 : i32
      %dma_wait3A_24 = tpu.memref_slice %arg4[%add3A, %dma_wait3A] : memref<32x10000xi32, #tpu.memory_space<hbm>> -> memref<1x10000xi32, #tpu.memory_space<hbm>>
      %dma_wait3A_25 = tpu.memref_squeeze %dma_wait3A_24 : memref<1x10000xi32, #tpu.memory_space<hbm>> -> memref<10000xi32, #tpu.memory_space<hbm>>
      %dma_wait3A_26 = arith.constant 0 : i32
      %dma_wait3A_27 = tpu.memref_slice %arg4[%add3A, %dma_wait3A_26] : memref<32x10000xi32, #tpu.memory_space<hbm>> -> memref<1x10000xi32, #tpu.memory_space<hbm>>
      %dma_wait3A_28 = tpu.memref_squeeze %dma_wait3A_27 : memref<1x10000xi32, #tpu.memory_space<hbm>> -> memref<10000xi32, #tpu.memory_space<hbm>>
      tpu.wait_dma2 semaphore(%run_scoped3A : memref<!tpu.dma_semaphore, #tpu.memory_space<semaphore_mem>>) src(%arg7 : memref<10000xi32, #tpu.memory_space<vmem>>) dst(%dma_wait3A_28 : memref<10000xi32, #tpu.memory_space<hbm>>)
      tpu.yield
    }) : () -> ()
    return
  }
}

#map = affine_map<(d0, d1) -> (0, 0)>
#map1 = affine_map<(d0, d1) -> (0, 0, 0)>
module attributes {stable_mosaic.version = 14 : i64} {
  func.func @_sc_scatter_body(%arg0: i32, %arg1: i32, %arg2: memref<10240x128xf32, #tpu.memory_space<hbm>>, %arg3: memref<32x10000xi32, #tpu.memory_space<hbm>>, %arg4: memref<2x10240x128xf32, #tpu.memory_space<hbm>>, %arg5: memref<10000xi32, #tpu.memory_space<vmem>>, %arg6: memref<20xi32, #tpu.memory_space<vmem>>, %arg7: memref<20xi32, #tpu.memory_space<vmem>>, %arg8: memref<20xi32, #tpu.memory_space<vmem>>, %arg9: memref<20xi32, #tpu.memory_space<vmem>>, %arg10: memref<20xi32, #tpu.memory_space<vmem>>, %arg11: memref<20xi32, #tpu.memory_space<vmem>>, %arg12: memref<20xi32, #tpu.memory_space<vmem>>, %arg13: memref<20xi32, #tpu.memory_space<vmem>>, %arg14: memref<20xi32, #tpu.memory_space<vmem>>, %arg15: memref<20xi32, #tpu.memory_space<vmem>>, %arg16: memref<20xi32, #tpu.memory_space<vmem>>, %arg17: memref<20xi32, #tpu.memory_space<vmem>>, %arg18: memref<20xi32, #tpu.memory_space<vmem>>, %arg19: memref<20xi32, #tpu.memory_space<vmem>>, %arg20: memref<20xi32, #tpu.memory_space<vmem>>, %arg21: memref<20xi32, #tpu.memory_space<vmem>>, %arg22: memref<20xi32, #tpu.memory_space<vmem>>, %arg23: memref<20xi32, #tpu.memory_space<vmem>>, %arg24: memref<20xi32, #tpu.memory_space<vmem>>, %arg25: memref<20xi32, #tpu.memory_space<vmem>>, %arg26: memref<20x128xf32, #tpu.memory_space<vmem>>, %arg27: memref<20x128xf32, #tpu.memory_space<vmem>>, %arg28: memref<20x128xf32, #tpu.memory_space<vmem>>, %arg29: memref<20x128xf32, #tpu.memory_space<vmem>>, %arg30: memref<20x128xf32, #tpu.memory_space<vmem>>, %arg31: memref<20x128xf32, #tpu.memory_space<vmem>>, %arg32: memref<20x128xf32, #tpu.memory_space<vmem>>, %arg33: memref<20x128xf32, #tpu.memory_space<vmem>>, %arg34: memref<20x128xf32, #tpu.memory_space<vmem>>, %arg35: memref<20x128xf32, #tpu.memory_space<vmem>>, %arg36: memref<!tpu.dma_semaphore, #tpu.memory_space<semaphore_mem>>, %arg37: memref<!tpu.dma_semaphore, #tpu.memory_space<semaphore_mem>>, %arg38: memref<!tpu.dma_semaphore, #tpu.memory_space<semaphore_mem>>, %arg39: memref<!tpu.dma_semaphore, #tpu.memory_space<semaphore_mem>>, %arg40: memref<!tpu.dma_semaphore, #tpu.memory_space<semaphore_mem>>, %arg41: memref<!tpu.dma_semaphore, #tpu.memory_space<semaphore_mem>>, %arg42: memref<!tpu.dma_semaphore, #tpu.memory_space<semaphore_mem>>, %arg43: memref<!tpu.dma_semaphore, #tpu.memory_space<semaphore_mem>>, %arg44: memref<!tpu.dma_semaphore, #tpu.memory_space<semaphore_mem>>, %arg45: memref<!tpu.dma_semaphore, #tpu.memory_space<semaphore_mem>>, %arg46: memref<!tpu.dma_semaphore, #tpu.memory_space<semaphore_mem>>, %arg47: memref<!tpu.dma_semaphore, #tpu.memory_space<semaphore_mem>>, %arg48: memref<!tpu.dma_semaphore, #tpu.memory_space<semaphore_mem>>, %arg49: memref<!tpu.dma_semaphore, #tpu.memory_space<semaphore_mem>>, %arg50: memref<!tpu.dma_semaphore, #tpu.memory_space<semaphore_mem>>, %arg51: memref<!tpu.dma_semaphore, #tpu.memory_space<semaphore_mem>>, %arg52: memref<!tpu.dma_semaphore, #tpu.memory_space<semaphore_mem>>, %arg53: memref<!tpu.dma_semaphore, #tpu.memory_space<semaphore_mem>>, %arg54: memref<!tpu.dma_semaphore, #tpu.memory_space<semaphore_mem>>, %arg55: memref<!tpu.dma_semaphore, #tpu.memory_space<semaphore_mem>>, %arg56: memref<10240x128xf32, #tpu.memory_space<vmem_shared>>) attributes {dimension_semantics = [#tpu.dimension_semantics<core_parallel>, #tpu.dimension_semantics<subcore_parallel>], iteration_bounds = array<i64: 2, 16>, scalar_prefetch = 0 : i64, scratch_operands = 52 : i64, tpu.core_type = #tpu.core_type<sc_vector_subcore>, window_params = [{transform_indices = #map}, {transform_indices = #map}, {transform_indices = #map1}]} {
    %mul3A = arith.constant 16 : i32
    %mul3A_0 = arith.muli %arg0, %mul3A : i32
    %add3A = arith.addi %mul3A_0, %arg1 : i32
    "tpu.region"() ({
      %run_scoped3A = tpu.sem_alloc : memref<!tpu.dma_semaphore, #tpu.memory_space<semaphore_mem>>
      %dma_start3A_396 = arith.constant 0 : i32
      %dma_start3A_397 = tpu.memref_slice %arg3[%add3A, %dma_start3A_396] : memref<32x10000xi32, #tpu.memory_space<hbm>> -> memref<1x10000xi32, #tpu.memory_space<hbm>>
      %dma_start3A_398 = tpu.memref_squeeze %dma_start3A_397 : memref<1x10000xi32, #tpu.memory_space<hbm>> -> memref<10000xi32, #tpu.memory_space<hbm>>
      %dma_start3A_399 = arith.constant 0 : i32
      %dma_start3A_400 = tpu.memref_slice %arg3[%add3A, %dma_start3A_399] : memref<32x10000xi32, #tpu.memory_space<hbm>> -> memref<1x10000xi32, #tpu.memory_space<hbm>>
      %dma_start3A_401 = tpu.memref_squeeze %dma_start3A_400 : memref<1x10000xi32, #tpu.memory_space<hbm>> -> memref<10000xi32, #tpu.memory_space<hbm>>
      tpu.enqueue_dma source(%dma_start3A_401 : memref<10000xi32, #tpu.memory_space<hbm>>) target(%arg5 : memref<10000xi32, #tpu.memory_space<vmem>>) target_semaphore(%run_scoped3A : memref<!tpu.dma_semaphore, #tpu.memory_space<semaphore_mem>>)
      %dma_wait3A_402 = arith.constant 0 : i32
      %dma_wait3A_403 = tpu.memref_slice %arg3[%add3A, %dma_wait3A_402] : memref<32x10000xi32, #tpu.memory_space<hbm>> -> memref<1x10000xi32, #tpu.memory_space<hbm>>
      %dma_wait3A_404 = tpu.memref_squeeze %dma_wait3A_403 : memref<1x10000xi32, #tpu.memory_space<hbm>> -> memref<10000xi32, #tpu.memory_space<hbm>>
      %dma_wait3A_405 = arith.constant 0 : i32
      %dma_wait3A_406 = tpu.memref_slice %arg3[%add3A, %dma_wait3A_405] : memref<32x10000xi32, #tpu.memory_space<hbm>> -> memref<1x10000xi32, #tpu.memory_space<hbm>>
      %dma_wait3A_407 = tpu.memref_squeeze %dma_wait3A_406 : memref<1x10000xi32, #tpu.memory_space<hbm>> -> memref<10000xi32, #tpu.memory_space<hbm>>
      tpu.wait_dma2 semaphore(%run_scoped3A : memref<!tpu.dma_semaphore, #tpu.memory_space<semaphore_mem>>) src(%dma_wait3A_407 : memref<10000xi32, #tpu.memory_space<hbm>>) dst(%arg5 : memref<10000xi32, #tpu.memory_space<vmem>>)
      tpu.yield
    }) : () -> ()
    %scan3A = arith.constant 0 : i32
    %scan3A_1 = arith.constant 0 : i32
    %scan3A_2 = arith.constant 16 : i32
    %scan3A_3 = arith.addi %scan3A_1, %scan3A_2 : i32
    %scan3A_4 = arith.constant 1 : i32
    scf.for %scan3A_396 = %scan3A_1 to %scan3A_3 step %scan3A_4  : i32 {
      %broadcast_in_dim3A = arith.constant 0.000000e+00 : f32
      %broadcast_in_dim3A_397 = vector.broadcast %broadcast_in_dim3A : f32 to vector<16xf32>
      %swap3A_398 = arith.index_cast %scan3A_396 : i32 to index
      %swap3A_399 = arith.constant 0 : index
      %swap3A_400 = tpu.vector_load %arg26[%swap3A_398, %swap3A_399] {strides = array<i32>} : memref<20x128xf32, #tpu.memory_space<vmem>>, vector<16xf32>,
      tpu.vector_store %arg26[%swap3A_398, %swap3A_399], %broadcast_in_dim3A_397 {strides = array<i32>} : memref<20x128xf32, #tpu.memory_space<vmem>>, vector<16xf32>,
      %broadcast_in_dim3A_401 = arith.constant 0.000000e+00 : f32
      %broadcast_in_dim3A_402 = vector.broadcast %broadcast_in_dim3A_401 : f32 to vector<16xf32>
      %swap3A_403 = arith.index_cast %scan3A_396 : i32 to index
      %swap3A_404 = arith.constant 16 : index
      %swap3A_405 = tpu.vector_load %arg26[%swap3A_403, %swap3A_404] {strides = array<i32>} : memref<20x128xf32, #tpu.memory_space<vmem>>, vector<16xf32>,
      tpu.vector_store %arg26[%swap3A_403, %swap3A_404], %broadcast_in_dim3A_402 {strides = array<i32>} : memref<20x128xf32, #tpu.memory_space<vmem>>, vector<16xf32>,
      %broadcast_in_dim3A_406 = arith.constant 0.000000e+00 : f32
      %broadcast_in_dim3A_407 = vector.broadcast %broadcast_in_dim3A_406 : f32 to vector<16xf32>
      %swap3A_408 = arith.index_cast %scan3A_396 : i32 to index
      %swap3A_409 = arith.constant 32 : index
      %swap3A_410 = tpu.vector_load %arg26[%swap3A_408, %swap3A_409] {strides = array<i32>} : memref<20x128xf32, #tpu.memory_space<vmem>>, vector<16xf32>,
      tpu.vector_store %arg26[%swap3A_408, %swap3A_409], %broadcast_in_dim3A_407 {strides = array<i32>} : memref<20x128xf32, #tpu.memory_space<vmem>>, vector<16xf32>,
      %broadcast_in_dim3A_411 = arith.constant 0.000000e+00 : f32
      %broadcast_in_dim3A_412 = vector.broadcast %broadcast_in_dim3A_411 : f32 to vector<16xf32>
      %swap3A_413 = arith.index_cast %scan3A_396 : i32 to index
      %swap3A_414 = arith.constant 48 : index
      %swap3A_415 = tpu.vector_load %arg26[%swap3A_413, %swap3A_414] {strides = array<i32>} : memref<20x128xf32, #tpu.memory_space<vmem>>, vector<16xf32>,
      tpu.vector_store %arg26[%swap3A_413, %swap3A_414], %broadcast_in_dim3A_412 {strides = array<i32>} : memref<20x128xf32, #tpu.memory_space<vmem>>, vector<16xf32>,
      %broadcast_in_dim3A_416 = arith.constant 0.000000e+00 : f32
      %broadcast_in_dim3A_417 = vector.broadcast %broadcast_in_dim3A_416 : f32 to vector<16xf32>
      %swap3A_418 = arith.index_cast %scan3A_396 : i32 to index
      %swap3A_419 = arith.constant 64 : index
      %swap3A_420 = tpu.vector_load %arg26[%swap3A_418, %swap3A_419] {strides = array<i32>} : memref<20x128xf32, #tpu.memory_space<vmem>>, vector<16xf32>,
      tpu.vector_store %arg26[%swap3A_418, %swap3A_419], %broadcast_in_dim3A_417 {strides = array<i32>} : memref<20x128xf32, #tpu.memory_space<vmem>>, vector<16xf32>,
      %broadcast_in_dim3A_421 = arith.constant 0.000000e+00 : f32
      %broadcast_in_dim3A_422 = vector.broadcast %broadcast_in_dim3A_421 : f32 to vector<16xf32>
      %swap3A_423 = arith.index_cast %scan3A_396 : i32 to index
      %swap3A_424 = arith.constant 80 : index
      %swap3A_425 = tpu.vector_load %arg26[%swap3A_423, %swap3A_424] {strides = array<i32>} : memref<20x128xf32, #tpu.memory_space<vmem>>, vector<16xf32>,
      tpu.vector_store %arg26[%swap3A_423, %swap3A_424], %broadcast_in_dim3A_422 {strides = array<i32>} : memref<20x128xf32, #tpu.memory_space<vmem>>, vector<16xf32>,
      %broadcast_in_dim3A_426 = arith.constant 0.000000e+00 : f32
      %broadcast_in_dim3A_427 = vector.broadcast %broadcast_in_dim3A_426 : f32 to vector<16xf32>
      %swap3A_428 = arith.index_cast %scan3A_396 : i32 to index
      %swap3A_429 = arith.constant 96 : index
      %swap3A_430 = tpu.vector_load %arg26[%swap3A_428, %swap3A_429] {strides = array<i32>} : memref<20x128xf32, #tpu.memory_space<vmem>>, vector<16xf32>,
      tpu.vector_store %arg26[%swap3A_428, %swap3A_429], %broadcast_in_dim3A_427 {strides = array<i32>} : memref<20x128xf32, #tpu.memory_space<vmem>>, vector<16xf32>,
      %broadcast_in_dim3A_431 = arith.constant 0.000000e+00 : f32
      %broadcast_in_dim3A_432 = vector.broadcast %broadcast_in_dim3A_431 : f32 to vector<16xf32>
      %swap3A_433 = arith.index_cast %scan3A_396 : i32 to index
      %swap3A_434 = arith.constant 112 : index
      %swap3A_435 = tpu.vector_load %arg26[%swap3A_433, %swap3A_434] {strides = array<i32>} : memref<20x128xf32, #tpu.memory_space<vmem>>, vector<16xf32>,
      tpu.vector_store %arg26[%swap3A_433, %swap3A_434], %broadcast_in_dim3A_432 {strides = array<i32>} : memref<20x128xf32, #tpu.memory_space<vmem>>, vector<16xf32>,
    }
    %scan3A_5 = arith.constant 16 : i32
    %mul3A_6 = arith.constant 640 : i32
    %mul3A_7 = arith.muli %arg1, %mul3A_6 : i32
    %add3A_8 = arith.constant 0 : i32
    %add3A_9 = arith.addi %mul3A_7, %add3A_8 : i32
    "tpu.region"() ({
      %run_scoped3A = tpu.sem_alloc : memref<!tpu.dma_semaphore, #tpu.memory_space<semaphore_mem>>
      %dma_start3A_396 = arith.constant 0 : i32
      %dma_start3A_397 = arith.constant 0 : i32
      %dma_start3A_398 = tpu.memref_slice %arg26[%dma_start3A_396, %dma_start3A_397] : memref<20x128xf32, #tpu.memory_space<vmem>> -> memref<16x128xf32, #tpu.memory_space<vmem>>
      %dma_start3A_399 = arith.constant 0 : i32
      %dma_start3A_400 = tpu.memref_slice %arg56[%add3A_9, %dma_start3A_399] : memref<10240x128xf32, #tpu.memory_space<vmem_shared>> -> memref<16x128xf32, #tpu.memory_space<vmem_shared>>
      %dma_start3A_401 = arith.constant 0 : i32
      %dma_start3A_402 = tpu.memref_slice %arg56[%add3A_9, %dma_start3A_401] : memref<10240x128xf32, #tpu.memory_space<vmem_shared>> -> memref<16x128xf32, #tpu.memory_space<vmem_shared>>
      %dma_start3A_403 = arith.constant 0 : i32
      %dma_start3A_404 = arith.constant 0 : i32
      %dma_start3A_405 = tpu.memref_slice %arg26[%dma_start3A_403, %dma_start3A_404] : memref<20x128xf32, #tpu.memory_space<vmem>> -> memref<16x128xf32, #tpu.memory_space<vmem>>
      tpu.enqueue_dma source(%dma_start3A_405 : memref<16x128xf32, #tpu.memory_space<vmem>>) target(%dma_start3A_402 : memref<16x128xf32, #tpu.memory_space<vmem_shared>>) target_semaphore(%run_scoped3A : memref<!tpu.dma_semaphore, #tpu.memory_space<semaphore_mem>>)
      %dma_wait3A_406 = arith.constant 0 : i32
      %dma_wait3A_407 = arith.constant 0 : i32
      %dma_wait3A_408 = tpu.memref_slice %arg26[%dma_wait3A_406, %dma_wait3A_407] : memref<20x128xf32, #tpu.memory_space<vmem>> -> memref<16x128xf32, #tpu.memory_space<vmem>>
      %dma_wait3A_409 = arith.constant 0 : i32
      %dma_wait3A_410 = tpu.memref_slice %arg56[%add3A_9, %dma_wait3A_409] : memref<10240x128xf32, #tpu.memory_space<vmem_shared>> -> memref<16x128xf32, #tpu.memory_space<vmem_shared>>
      %dma_wait3A_411 = arith.constant 0 : i32
      %dma_wait3A_412 = tpu.memref_slice %arg56[%add3A_9, %dma_wait3A_411] : memref<10240x128xf32, #tpu.memory_space<vmem_shared>> -> memref<16x128xf32, #tpu.memory_space<vmem_shared>>
      %dma_wait3A_413 = arith.constant 0 : i32
      %dma_wait3A_414 = arith.constant 0 : i32
      %dma_wait3A_415 = tpu.memref_slice %arg26[%dma_wait3A_413, %dma_wait3A_414] : memref<20x128xf32, #tpu.memory_space<vmem>> -> memref<16x128xf32, #tpu.memory_space<vmem>>
      tpu.wait_dma2 semaphore(%run_scoped3A : memref<!tpu.dma_semaphore, #tpu.memory_space<semaphore_mem>>) src(%dma_wait3A_415 : memref<16x128xf32, #tpu.memory_space<vmem>>) dst(%dma_wait3A_412 : memref<16x128xf32, #tpu.memory_space<vmem_shared>>)
      tpu.yield
    }) : () -> ()
    %mul3A_10 = arith.constant 640 : i32
    %mul3A_11 = arith.muli %arg1, %mul3A_10 : i32
    %add3A_12 = arith.constant 16 : i32
    %add3A_13 = arith.addi %mul3A_11, %add3A_12 : i32
    "tpu.region"() ({
      %run_scoped3A = tpu.sem_alloc : memref<!tpu.dma_semaphore, #tpu.memory_space<semaphore_mem>>
      %dma_start3A_396 = arith.constant 0 : i32
      %dma_start3A_397 = arith.constant 0 : i32
      %dma_start3A_398 = tpu.memref_slice %arg26[%dma_start3A_396, %dma_start3A_397] : memref<20x128xf32, #tpu.memory_space<vmem>> -> memref<16x128xf32, #tpu.memory_space<vmem>>
      %dma_start3A_399 = arith.constant 0 : i32
      %dma_start3A_400 = tpu.memref_slice %arg56[%add3A_13, %dma_start3A_399] : memref<10240x128xf32, #tpu.memory_space<vmem_shared>> -> memref<16x128xf32, #tpu.memory_space<vmem_shared>>
      %dma_start3A_401 = arith.constant 0 : i32
      %dma_start3A_402 = tpu.memref_slice %arg56[%add3A_13, %dma_start3A_401] : memref<10240x128xf32, #tpu.memory_space<vmem_shared>> -> memref<16x128xf32, #tpu.memory_space<vmem_shared>>
      %dma_start3A_403 = arith.constant 0 : i32
      %dma_start3A_404 = arith.constant 0 : i32
      %dma_start3A_405 = tpu.memref_slice %arg26[%dma_start3A_403, %dma_start3A_404] : memref<20x128xf32, #tpu.memory_space<vmem>> -> memref<16x128xf32, #tpu.memory_space<vmem>>
      tpu.enqueue_dma source(%dma_start3A_405 : memref<16x128xf32, #tpu.memory_space<vmem>>) target(%dma_start3A_402 : memref<16x128xf32, #tpu.memory_space<vmem_shared>>) target_semaphore(%run_scoped3A : memref<!tpu.dma_semaphore, #tpu.memory_space<semaphore_mem>>)
      %dma_wait3A_406 = arith.constant 0 : i32
      %dma_wait3A_407 = arith.constant 0 : i32
      %dma_wait3A_408 = tpu.memref_slice %arg26[%dma_wait3A_406, %dma_wait3A_407] : memref<20x128xf32, #tpu.memory_space<vmem>> -> memref<16x128xf32, #tpu.memory_space<vmem>>
      %dma_wait3A_409 = arith.constant 0 : i32
      %dma_wait3A_410 = tpu.memref_slice %arg56[%add3A_13, %dma_wait3A_409] : memref<10240x128xf32, #tpu.memory_space<vmem_shared>> -> memref<16x128xf32, #tpu.memory_space<vmem_shared>>
      %dma_wait3A_411 = arith.constant 0 : i32
      %dma_wait3A_412 = tpu.memref_slice %arg56[%add3A_13, %dma_wait3A_411] : memref<10240x128xf32, #tpu.memory_space<vmem_shared>> -> memref<16x128xf32, #tpu.memory_space<vmem_shared>>
      %dma_wait3A_413 = arith.constant 0 : i32
      %dma_wait3A_414 = arith.constant 0 : i32
      %dma_wait3A_415 = tpu.memref_slice %arg26[%dma_wait3A_413, %dma_wait3A_414] : memref<20x128xf32, #tpu.memory_space<vmem>> -> memref<16x128xf32, #tpu.memory_space<vmem>>
      tpu.wait_dma2 semaphore(%run_scoped3A : memref<!tpu.dma_semaphore, #tpu.memory_space<semaphore_mem>>) src(%dma_wait3A_415 : memref<16x128xf32, #tpu.memory_space<vmem>>) dst(%dma_wait3A_412 : memref<16x128xf32, #tpu.memory_space<vmem_shared>>)
      tpu.yield
    }) : () -> ()
    %mul3A_14 = arith.constant 640 : i32
    %mul3A_15 = arith.muli %arg1, %mul3A_14 : i32
    %add3A_16 = arith.constant 32 : i32
    %add3A_17 = arith.addi %mul3A_15, %add3A_16 : i32
    "tpu.region"() ({
      %run_scoped3A = tpu.sem_alloc : memref<!tpu.dma_semaphore, #tpu.memory_space<semaphore_mem>>
      %dma_start3A_396 = arith.constant 0 : i32
      %dma_start3A_397 = arith.constant 0 : i32
      %dma_start3A_398 = tpu.memref_slice %arg26[%dma_start3A_396, %dma_start3A_397] : memref<20x128xf32, #tpu.memory_space<vmem>> -> memref<16x128xf32, #tpu.memory_space<vmem>>
      %dma_start3A_399 = arith.constant 0 : i32
      %dma_start3A_400 = tpu.memref_slice %arg56[%add3A_17, %dma_start3A_399] : memref<10240x128xf32, #tpu.memory_space<vmem_shared>> -> memref<16x128xf32, #tpu.memory_space<vmem_shared>>
      %dma_start3A_401 = arith.constant 0 : i32
      %dma_start3A_402 = tpu.memref_slice %arg56[%add3A_17, %dma_start3A_401] : memref<10240x128xf32, #tpu.memory_space<vmem_shared>> -> memref<16x128xf32, #tpu.memory_space<vmem_shared>>
      %dma_start3A_403 = arith.constant 0 : i32
      %dma_start3A_404 = arith.constant 0 : i32
      %dma_start3A_405 = tpu.memref_slice %arg26[%dma_start3A_403, %dma_start3A_404] : memref<20x128xf32, #tpu.memory_space<vmem>> -> memref<16x128xf32, #tpu.memory_space<vmem>>
      tpu.enqueue_dma source(%dma_start3A_405 : memref<16x128xf32, #tpu.memory_space<vmem>>) target(%dma_start3A_402 : memref<16x128xf32, #tpu.memory_space<vmem_shared>>) target_semaphore(%run_scoped3A : memref<!tpu.dma_semaphore, #tpu.memory_space<semaphore_mem>>)
      %dma_wait3A_406 = arith.constant 0 : i32
      %dma_wait3A_407 = arith.constant 0 : i32
      %dma_wait3A_408 = tpu.memref_slice %arg26[%dma_wait3A_406, %dma_wait3A_407] : memref<20x128xf32, #tpu.memory_space<vmem>> -> memref<16x128xf32, #tpu.memory_space<vmem>>
      %dma_wait3A_409 = arith.constant 0 : i32
      %dma_wait3A_410 = tpu.memref_slice %arg56[%add3A_17, %dma_wait3A_409] : memref<10240x128xf32, #tpu.memory_space<vmem_shared>> -> memref<16x128xf32, #tpu.memory_space<vmem_shared>>
      %dma_wait3A_411 = arith.constant 0 : i32
      %dma_wait3A_412 = tpu.memref_slice %arg56[%add3A_17, %dma_wait3A_411] : memref<10240x128xf32, #tpu.memory_space<vmem_shared>> -> memref<16x128xf32, #tpu.memory_space<vmem_shared>>
      %dma_wait3A_413 = arith.constant 0 : i32
      %dma_wait3A_414 = arith.constant 0 : i32
      %dma_wait3A_415 = tpu.memref_slice %arg26[%dma_wait3A_413, %dma_wait3A_414] : memref<20x128xf32, #tpu.memory_space<vmem>> -> memref<16x128xf32, #tpu.memory_space<vmem>>
      tpu.wait_dma2 semaphore(%run_scoped3A : memref<!tpu.dma_semaphore, #tpu.memory_space<semaphore_mem>>) src(%dma_wait3A_415 : memref<16x128xf32, #tpu.memory_space<vmem>>) dst(%dma_wait3A_412 : memref<16x128xf32, #tpu.memory_space<vmem_shared>>)
      tpu.yield
    }) : () -> ()
    %mul3A_18 = arith.constant 640 : i32
    %mul3A_19 = arith.muli %arg1, %mul3A_18 : i32
    %add3A_20 = arith.constant 48 : i32
    %add3A_21 = arith.addi %mul3A_19, %add3A_20 : i32
    "tpu.region"() ({
      %run_scoped3A = tpu.sem_alloc : memref<!tpu.dma_semaphore, #tpu.memory_space<semaphore_mem>>
      %dma_start3A_396 = arith.constant 0 : i32
      %dma_start3A_397 = arith.constant 0 : i32
      %dma_start3A_398 = tpu.memref_slice %arg26[%dma_start3A_396, %dma_start3A_397] : memref<20x128xf32, #tpu.memory_space<vmem>> -> memref<16x128xf32, #tpu.memory_space<vmem>>
      %dma_start3A_399 = arith.constant 0 : i32
      %dma_start3A_400 = tpu.memref_slice %arg56[%add3A_21, %dma_start3A_399] : memref<10240x128xf32, #tpu.memory_space<vmem_shared>> -> memref<16x128xf32, #tpu.memory_space<vmem_shared>>
      %dma_start3A_401 = arith.constant 0 : i32
      %dma_start3A_402 = tpu.memref_slice %arg56[%add3A_21, %dma_start3A_401] : memref<10240x128xf32, #tpu.memory_space<vmem_shared>> -> memref<16x128xf32, #tpu.memory_space<vmem_shared>>
      %dma_start3A_403 = arith.constant 0 : i32
      %dma_start3A_404 = arith.constant 0 : i32
      %dma_start3A_405 = tpu.memref_slice %arg26[%dma_start3A_403, %dma_start3A_404] : memref<20x128xf32, #tpu.memory_space<vmem>> -> memref<16x128xf32, #tpu.memory_space<vmem>>
      tpu.enqueue_dma source(%dma_start3A_405 : memref<16x128xf32, #tpu.memory_space<vmem>>) target(%dma_start3A_402 : memref<16x128xf32, #tpu.memory_space<vmem_shared>>) target_semaphore(%run_scoped3A : memref<!tpu.dma_semaphore, #tpu.memory_space<semaphore_mem>>)
      %dma_wait3A_406 = arith.constant 0 : i32
      %dma_wait3A_407 = arith.constant 0 : i32
      %dma_wait3A_408 = tpu.memref_slice %arg26[%dma_wait3A_406, %dma_wait3A_407] : memref<20x128xf32, #tpu.memory_space<vmem>> -> memref<16x128xf32, #tpu.memory_space<vmem>>
      %dma_wait3A_409 = arith.constant 0 : i32
      %dma_wait3A_410 = tpu.memref_slice %arg56[%add3A_21, %dma_wait3A_409] : memref<10240x128xf32, #tpu.memory_space<vmem_shared>> -> memref<16x128xf32, #tpu.memory_space<vmem_shared>>
      %dma_wait3A_411 = arith.constant 0 : i32
      %dma_wait3A_412 = tpu.memref_slice %arg56[%add3A_21, %dma_wait3A_411] : memref<10240x128xf32, #tpu.memory_space<vmem_shared>> -> memref<16x128xf32, #tpu.memory_space<vmem_shared>>
      %dma_wait3A_413 = arith.constant 0 : i32
      %dma_wait3A_414 = arith.constant 0 : i32
      %dma_wait3A_415 = tpu.memref_slice %arg26[%dma_wait3A_413, %dma_wait3A_414] : memref<20x128xf32, #tpu.memory_space<vmem>> -> memref<16x128xf32, #tpu.memory_space<vmem>>
      tpu.wait_dma2 semaphore(%run_scoped3A : memref<!tpu.dma_semaphore, #tpu.memory_space<semaphore_mem>>) src(%dma_wait3A_415 : memref<16x128xf32, #tpu.memory_space<vmem>>) dst(%dma_wait3A_412 : memref<16x128xf32, #tpu.memory_space<vmem_shared>>)
      tpu.yield
    }) : () -> ()
    %mul3A_22 = arith.constant 640 : i32
    %mul3A_23 = arith.muli %arg1, %mul3A_22 : i32
    %add3A_24 = arith.constant 64 : i32
    %add3A_25 = arith.addi %mul3A_23, %add3A_24 : i32
    "tpu.region"() ({
      %run_scoped3A = tpu.sem_alloc : memref<!tpu.dma_semaphore, #tpu.memory_space<semaphore_mem>>
      %dma_start3A_396 = arith.constant 0 : i32
      %dma_start3A_397 = arith.constant 0 : i32
      %dma_start3A_398 = tpu.memref_slice %arg26[%dma_start3A_396, %dma_start3A_397] : memref<20x128xf32, #tpu.memory_space<vmem>> -> memref<16x128xf32, #tpu.memory_space<vmem>>
      %dma_start3A_399 = arith.constant 0 : i32
      %dma_start3A_400 = tpu.memref_slice %arg56[%add3A_25, %dma_start3A_399] : memref<10240x128xf32, #tpu.memory_space<vmem_shared>> -> memref<16x128xf32, #tpu.memory_space<vmem_shared>>
      %dma_start3A_401 = arith.constant 0 : i32
      %dma_start3A_402 = tpu.memref_slice %arg56[%add3A_25, %dma_start3A_401] : memref<10240x128xf32, #tpu.memory_space<vmem_shared>> -> memref<16x128xf32, #tpu.memory_space<vmem_shared>>
      %dma_start3A_403 = arith.constant 0 : i32
      %dma_start3A_404 = arith.constant 0 : i32
      %dma_start3A_405 = tpu.memref_slice %arg26[%dma_start3A_403, %dma_start3A_404] : memref<20x128xf32, #tpu.memory_space<vmem>> -> memref<16x128xf32, #tpu.memory_space<vmem>>
      tpu.enqueue_dma source(%dma_start3A_405 : memref<16x128xf32, #tpu.memory_space<vmem>>) target(%dma_start3A_402 : memref<16x128xf32, #tpu.memory_space<vmem_shared>>) target_semaphore(%run_scoped3A : memref<!tpu.dma_semaphore, #tpu.memory_space<semaphore_mem>>)
      %dma_wait3A_406 = arith.constant 0 : i32
      %dma_wait3A_407 = arith.constant 0 : i32
      %dma_wait3A_408 = tpu.memref_slice %arg26[%dma_wait3A_406, %dma_wait3A_407] : memref<20x128xf32, #tpu.memory_space<vmem>> -> memref<16x128xf32, #tpu.memory_space<vmem>>
      %dma_wait3A_409 = arith.constant 0 : i32
      %dma_wait3A_410 = tpu.memref_slice %arg56[%add3A_25, %dma_wait3A_409] : memref<10240x128xf32, #tpu.memory_space<vmem_shared>> -> memref<16x128xf32, #tpu.memory_space<vmem_shared>>
      %dma_wait3A_411 = arith.constant 0 : i32
      %dma_wait3A_412 = tpu.memref_slice %arg56[%add3A_25, %dma_wait3A_411] : memref<10240x128xf32, #tpu.memory_space<vmem_shared>> -> memref<16x128xf32, #tpu.memory_space<vmem_shared>>
      %dma_wait3A_413 = arith.constant 0 : i32
      %dma_wait3A_414 = arith.constant 0 : i32
      %dma_wait3A_415 = tpu.memref_slice %arg26[%dma_wait3A_413, %dma_wait3A_414] : memref<20x128xf32, #tpu.memory_space<vmem>> -> memref<16x128xf32, #tpu.memory_space<vmem>>
      tpu.wait_dma2 semaphore(%run_scoped3A : memref<!tpu.dma_semaphore, #tpu.memory_space<semaphore_mem>>) src(%dma_wait3A_415 : memref<16x128xf32, #tpu.memory_space<vmem>>) dst(%dma_wait3A_412 : memref<16x128xf32, #tpu.memory_space<vmem_shared>>)
      tpu.yield
    }) : () -> ()
    %mul3A_26 = arith.constant 640 : i32
    %mul3A_27 = arith.muli %arg1, %mul3A_26 : i32
    %add3A_28 = arith.constant 80 : i32
    %add3A_29 = arith.addi %mul3A_27, %add3A_28 : i32
    "tpu.region"() ({
      %run_scoped3A = tpu.sem_alloc : memref<!tpu.dma_semaphore, #tpu.memory_space<semaphore_mem>>
      %dma_start3A_396 = arith.constant 0 : i32
      %dma_start3A_397 = arith.constant 0 : i32
      %dma_start3A_398 = tpu.memref_slice %arg26[%dma_start3A_396, %dma_start3A_397] : memref<20x128xf32, #tpu.memory_space<vmem>> -> memref<16x128xf32, #tpu.memory_space<vmem>>
      %dma_start3A_399 = arith.constant 0 : i32
      %dma_start3A_400 = tpu.memref_slice %arg56[%add3A_29, %dma_start3A_399] : memref<10240x128xf32, #tpu.memory_space<vmem_shared>> -> memref<16x128xf32, #tpu.memory_space<vmem_shared>>
      %dma_start3A_401 = arith.constant 0 : i32
      %dma_start3A_402 = tpu.memref_slice %arg56[%add3A_29, %dma_start3A_401] : memref<10240x128xf32, #tpu.memory_space<vmem_shared>> -> memref<16x128xf32, #tpu.memory_space<vmem_shared>>
      %dma_start3A_403 = arith.constant 0 : i32
      %dma_start3A_404 = arith.constant 0 : i32
      %dma_start3A_405 = tpu.memref_slice %arg26[%dma_start3A_403, %dma_start3A_404] : memref<20x128xf32, #tpu.memory_space<vmem>> -> memref<16x128xf32, #tpu.memory_space<vmem>>
      tpu.enqueue_dma source(%dma_start3A_405 : memref<16x128xf32, #tpu.memory_space<vmem>>) target(%dma_start3A_402 : memref<16x128xf32, #tpu.memory_space<vmem_shared>>) target_semaphore(%run_scoped3A : memref<!tpu.dma_semaphore, #tpu.memory_space<semaphore_mem>>)
      %dma_wait3A_406 = arith.constant 0 : i32
      %dma_wait3A_407 = arith.constant 0 : i32
      %dma_wait3A_408 = tpu.memref_slice %arg26[%dma_wait3A_406, %dma_wait3A_407] : memref<20x128xf32, #tpu.memory_space<vmem>> -> memref<16x128xf32, #tpu.memory_space<vmem>>
      %dma_wait3A_409 = arith.constant 0 : i32
      %dma_wait3A_410 = tpu.memref_slice %arg56[%add3A_29, %dma_wait3A_409] : memref<10240x128xf32, #tpu.memory_space<vmem_shared>> -> memref<16x128xf32, #tpu.memory_space<vmem_shared>>
      %dma_wait3A_411 = arith.constant 0 : i32
      %dma_wait3A_412 = tpu.memref_slice %arg56[%add3A_29, %dma_wait3A_411] : memref<10240x128xf32, #tpu.memory_space<vmem_shared>> -> memref<16x128xf32, #tpu.memory_space<vmem_shared>>
      %dma_wait3A_413 = arith.constant 0 : i32
      %dma_wait3A_414 = arith.constant 0 : i32
      %dma_wait3A_415 = tpu.memref_slice %arg26[%dma_wait3A_413, %dma_wait3A_414] : memref<20x128xf32, #tpu.memory_space<vmem>> -> memref<16x128xf32, #tpu.memory_space<vmem>>
      tpu.wait_dma2 semaphore(%run_scoped3A : memref<!tpu.dma_semaphore, #tpu.memory_space<semaphore_mem>>) src(%dma_wait3A_415 : memref<16x128xf32, #tpu.memory_space<vmem>>) dst(%dma_wait3A_412 : memref<16x128xf32, #tpu.memory_space<vmem_shared>>)
      tpu.yield
    }) : () -> ()
    %mul3A_30 = arith.constant 640 : i32
    %mul3A_31 = arith.muli %arg1, %mul3A_30 : i32
    %add3A_32 = arith.constant 96 : i32
    %add3A_33 = arith.addi %mul3A_31, %add3A_32 : i32
    "tpu.region"() ({
      %run_scoped3A = tpu.sem_alloc : memref<!tpu.dma_semaphore, #tpu.memory_space<semaphore_mem>>
      %dma_start3A_396 = arith.constant 0 : i32
      %dma_start3A_397 = arith.constant 0 : i32
      %dma_start3A_398 = tpu.memref_slice %arg26[%dma_start3A_396, %dma_start3A_397] : memref<20x128xf32, #tpu.memory_space<vmem>> -> memref<16x128xf32, #tpu.memory_space<vmem>>
      %dma_start3A_399 = arith.constant 0 : i32
      %dma_start3A_400 = tpu.memref_slice %arg56[%add3A_33, %dma_start3A_399] : memref<10240x128xf32, #tpu.memory_space<vmem_shared>> -> memref<16x128xf32, #tpu.memory_space<vmem_shared>>
      %dma_start3A_401 = arith.constant 0 : i32
      %dma_start3A_402 = tpu.memref_slice %arg56[%add3A_33, %dma_start3A_401] : memref<10240x128xf32, #tpu.memory_space<vmem_shared>> -> memref<16x128xf32, #tpu.memory_space<vmem_shared>>
      %dma_start3A_403 = arith.constant 0 : i32
      %dma_start3A_404 = arith.constant 0 : i32
      %dma_start3A_405 = tpu.memref_slice %arg26[%dma_start3A_403, %dma_start3A_404] : memref<20x128xf32, #tpu.memory_space<vmem>> -> memref<16x128xf32, #tpu.memory_space<vmem>>
      tpu.enqueue_dma source(%dma_start3A_405 : memref<16x128xf32, #tpu.memory_space<vmem>>) target(%dma_start3A_402 : memref<16x128xf32, #tpu.memory_space<vmem_shared>>) target_semaphore(%run_scoped3A : memref<!tpu.dma_semaphore, #tpu.memory_space<semaphore_mem>>)
      %dma_wait3A_406 = arith.constant 0 : i32
      %dma_wait3A_407 = arith.constant 0 : i32
      %dma_wait3A_408 = tpu.memref_slice %arg26[%dma_wait3A_406, %dma_wait3A_407] : memref<20x128xf32, #tpu.memory_space<vmem>> -> memref<16x128xf32, #tpu.memory_space<vmem>>
      %dma_wait3A_409 = arith.constant 0 : i32
      %dma_wait3A_410 = tpu.memref_slice %arg56[%add3A_33, %dma_wait3A_409] : memref<10240x128xf32, #tpu.memory_space<vmem_shared>> -> memref<16x128xf32, #tpu.memory_space<vmem_shared>>
      %dma_wait3A_411 = arith.constant 0 : i32
      %dma_wait3A_412 = tpu.memref_slice %arg56[%add3A_33, %dma_wait3A_411] : memref<10240x128xf32, #tpu.memory_space<vmem_shared>> -> memref<16x128xf32, #tpu.memory_space<vmem_shared>>
      %dma_wait3A_413 = arith.constant 0 : i32
      %dma_wait3A_414 = arith.constant 0 : i32
      %dma_wait3A_415 = tpu.memref_slice %arg26[%dma_wait3A_413, %dma_wait3A_414] : memref<20x128xf32, #tpu.memory_space<vmem>> -> memref<16x128xf32, #tpu.memory_space<vmem>>
      tpu.wait_dma2 semaphore(%run_scoped3A : memref<!tpu.dma_semaphore, #tpu.memory_space<semaphore_mem>>) src(%dma_wait3A_415 : memref<16x128xf32, #tpu.memory_space<vmem>>) dst(%dma_wait3A_412 : memref<16x128xf32, #tpu.memory_space<vmem_shared>>)
      tpu.yield
    }) : () -> ()
    %mul3A_34 = arith.constant 640 : i32
    %mul3A_35 = arith.muli %arg1, %mul3A_34 : i32
    %add3A_36 = arith.constant 112 : i32
    %add3A_37 = arith.addi %mul3A_35, %add3A_36 : i32
    "tpu.region"() ({
      %run_scoped3A = tpu.sem_alloc : memref<!tpu.dma_semaphore, #tpu.memory_space<semaphore_mem>>
      %dma_start3A_396 = arith.constant 0 : i32
      %dma_start3A_397 = arith.constant 0 : i32
      %dma_start3A_398 = tpu.memref_slice %arg26[%dma_start3A_396, %dma_start3A_397] : memref<20x128xf32, #tpu.memory_space<vmem>> -> memref<16x128xf32, #tpu.memory_space<vmem>>
      %dma_start3A_399 = arith.constant 0 : i32
      %dma_start3A_400 = tpu.memref_slice %arg56[%add3A_37, %dma_start3A_399] : memref<10240x128xf32, #tpu.memory_space<vmem_shared>> -> memref<16x128xf32, #tpu.memory_space<vmem_shared>>
      %dma_start3A_401 = arith.constant 0 : i32
      %dma_start3A_402 = tpu.memref_slice %arg56[%add3A_37, %dma_start3A_401] : memref<10240x128xf32, #tpu.memory_space<vmem_shared>> -> memref<16x128xf32, #tpu.memory_space<vmem_shared>>
      %dma_start3A_403 = arith.constant 0 : i32
      %dma_start3A_404 = arith.constant 0 : i32
      %dma_start3A_405 = tpu.memref_slice %arg26[%dma_start3A_403, %dma_start3A_404] : memref<20x128xf32, #tpu.memory_space<vmem>> -> memref<16x128xf32, #tpu.memory_space<vmem>>
      tpu.enqueue_dma source(%dma_start3A_405 : memref<16x128xf32, #tpu.memory_space<vmem>>) target(%dma_start3A_402 : memref<16x128xf32, #tpu.memory_space<vmem_shared>>) target_semaphore(%run_scoped3A : memref<!tpu.dma_semaphore, #tpu.memory_space<semaphore_mem>>)
      %dma_wait3A_406 = arith.constant 0 : i32
      %dma_wait3A_407 = arith.constant 0 : i32
      %dma_wait3A_408 = tpu.memref_slice %arg26[%dma_wait3A_406, %dma_wait3A_407] : memref<20x128xf32, #tpu.memory_space<vmem>> -> memref<16x128xf32, #tpu.memory_space<vmem>>
      %dma_wait3A_409 = arith.constant 0 : i32
      %dma_wait3A_410 = tpu.memref_slice %arg56[%add3A_37, %dma_wait3A_409] : memref<10240x128xf32, #tpu.memory_space<vmem_shared>> -> memref<16x128xf32, #tpu.memory_space<vmem_shared>>
      %dma_wait3A_411 = arith.constant 0 : i32
      %dma_wait3A_412 = tpu.memref_slice %arg56[%add3A_37, %dma_wait3A_411] : memref<10240x128xf32, #tpu.memory_space<vmem_shared>> -> memref<16x128xf32, #tpu.memory_space<vmem_shared>>
      %dma_wait3A_413 = arith.constant 0 : i32
      %dma_wait3A_414 = arith.constant 0 : i32
      %dma_wait3A_415 = tpu.memref_slice %arg26[%dma_wait3A_413, %dma_wait3A_414] : memref<20x128xf32, #tpu.memory_space<vmem>> -> memref<16x128xf32, #tpu.memory_space<vmem>>
      tpu.wait_dma2 semaphore(%run_scoped3A : memref<!tpu.dma_semaphore, #tpu.memory_space<semaphore_mem>>) src(%dma_wait3A_415 : memref<16x128xf32, #tpu.memory_space<vmem>>) dst(%dma_wait3A_412 : memref<16x128xf32, #tpu.memory_space<vmem_shared>>)
      tpu.yield
    }) : () -> ()
    %mul3A_38 = arith.constant 640 : i32
    %mul3A_39 = arith.muli %arg1, %mul3A_38 : i32
    %add3A_40 = arith.constant 128 : i32
    %add3A_41 = arith.addi %mul3A_39, %add3A_40 : i32
    "tpu.region"() ({
      %run_scoped3A = tpu.sem_alloc : memref<!tpu.dma_semaphore, #tpu.memory_space<semaphore_mem>>
      %dma_start3A_396 = arith.constant 0 : i32
      %dma_start3A_397 = arith.constant 0 : i32
      %dma_start3A_398 = tpu.memref_slice %arg26[%dma_start3A_396, %dma_start3A_397] : memref<20x128xf32, #tpu.memory_space<vmem>> -> memref<16x128xf32, #tpu.memory_space<vmem>>
      %dma_start3A_399 = arith.constant 0 : i32
      %dma_start3A_400 = tpu.memref_slice %arg56[%add3A_41, %dma_start3A_399] : memref<10240x128xf32, #tpu.memory_space<vmem_shared>> -> memref<16x128xf32, #tpu.memory_space<vmem_shared>>
      %dma_start3A_401 = arith.constant 0 : i32
      %dma_start3A_402 = tpu.memref_slice %arg56[%add3A_41, %dma_start3A_401] : memref<10240x128xf32, #tpu.memory_space<vmem_shared>> -> memref<16x128xf32, #tpu.memory_space<vmem_shared>>
      %dma_start3A_403 = arith.constant 0 : i32
      %dma_start3A_404 = arith.constant 0 : i32
      %dma_start3A_405 = tpu.memref_slice %arg26[%dma_start3A_403, %dma_start3A_404] : memref<20x128xf32, #tpu.memory_space<vmem>> -> memref<16x128xf32, #tpu.memory_space<vmem>>
      tpu.enqueue_dma source(%dma_start3A_405 : memref<16x128xf32, #tpu.memory_space<vmem>>) target(%dma_start3A_402 : memref<16x128xf32, #tpu.memory_space<vmem_shared>>) target_semaphore(%run_scoped3A : memref<!tpu.dma_semaphore, #tpu.memory_space<semaphore_mem>>)
      %dma_wait3A_406 = arith.constant 0 : i32
      %dma_wait3A_407 = arith.constant 0 : i32
      %dma_wait3A_408 = tpu.memref_slice %arg26[%dma_wait3A_406, %dma_wait3A_407] : memref<20x128xf32, #tpu.memory_space<vmem>> -> memref<16x128xf32, #tpu.memory_space<vmem>>
      %dma_wait3A_409 = arith.constant 0 : i32
      %dma_wait3A_410 = tpu.memref_slice %arg56[%add3A_41, %dma_wait3A_409] : memref<10240x128xf32, #tpu.memory_space<vmem_shared>> -> memref<16x128xf32, #tpu.memory_space<vmem_shared>>
      %dma_wait3A_411 = arith.constant 0 : i32
      %dma_wait3A_412 = tpu.memref_slice %arg56[%add3A_41, %dma_wait3A_411] : memref<10240x128xf32, #tpu.memory_space<vmem_shared>> -> memref<16x128xf32, #tpu.memory_space<vmem_shared>>
      %dma_wait3A_413 = arith.constant 0 : i32
      %dma_wait3A_414 = arith.constant 0 : i32
      %dma_wait3A_415 = tpu.memref_slice %arg26[%dma_wait3A_413, %dma_wait3A_414] : memref<20x128xf32, #tpu.memory_space<vmem>> -> memref<16x128xf32, #tpu.memory_space<vmem>>
      tpu.wait_dma2 semaphore(%run_scoped3A : memref<!tpu.dma_semaphore, #tpu.memory_space<semaphore_mem>>) src(%dma_wait3A_415 : memref<16x128xf32, #tpu.memory_space<vmem>>) dst(%dma_wait3A_412 : memref<16x128xf32, #tpu.memory_space<vmem_shared>>)
      tpu.yield
    }) : () -> ()
    %mul3A_42 = arith.constant 640 : i32
    %mul3A_43 = arith.muli %arg1, %mul3A_42 : i32
    %add3A_44 = arith.constant 144 : i32
    %add3A_45 = arith.addi %mul3A_43, %add3A_44 : i32
    "tpu.region"() ({
      %run_scoped3A = tpu.sem_alloc : memref<!tpu.dma_semaphore, #tpu.memory_space<semaphore_mem>>
      %dma_start3A_396 = arith.constant 0 : i32
      %dma_start3A_397 = arith.constant 0 : i32
      %dma_start3A_398 = tpu.memref_slice %arg26[%dma_start3A_396, %dma_start3A_397] : memref<20x128xf32, #tpu.memory_space<vmem>> -> memref<16x128xf32, #tpu.memory_space<vmem>>
      %dma_start3A_399 = arith.constant 0 : i32
      %dma_start3A_400 = tpu.memref_slice %arg56[%add3A_45, %dma_start3A_399] : memref<10240x128xf32, #tpu.memory_space<vmem_shared>> -> memref<16x128xf32, #tpu.memory_space<vmem_shared>>
      %dma_start3A_401 = arith.constant 0 : i32
      %dma_start3A_402 = tpu.memref_slice %arg56[%add3A_45, %dma_start3A_401] : memref<10240x128xf32, #tpu.memory_space<vmem_shared>> -> memref<16x128xf32, #tpu.memory_space<vmem_shared>>
      %dma_start3A_403 = arith.constant 0 : i32
      %dma_start3A_404 = arith.constant 0 : i32
      %dma_start3A_405 = tpu.memref_slice %arg26[%dma_start3A_403, %dma_start3A_404] : memref<20x128xf32, #tpu.memory_space<vmem>> -> memref<16x128xf32, #tpu.memory_space<vmem>>
      tpu.enqueue_dma source(%dma_start3A_405 : memref<16x128xf32, #tpu.memory_space<vmem>>) target(%dma_start3A_402 : memref<16x128xf32, #tpu.memory_space<vmem_shared>>) target_semaphore(%run_scoped3A : memref<!tpu.dma_semaphore, #tpu.memory_space<semaphore_mem>>)
      %dma_wait3A_406 = arith.constant 0 : i32
      %dma_wait3A_407 = arith.constant 0 : i32
      %dma_wait3A_408 = tpu.memref_slice %arg26[%dma_wait3A_406, %dma_wait3A_407] : memref<20x128xf32, #tpu.memory_space<vmem>> -> memref<16x128xf32, #tpu.memory_space<vmem>>
      %dma_wait3A_409 = arith.constant 0 : i32
      %dma_wait3A_410 = tpu.memref_slice %arg56[%add3A_45, %dma_wait3A_409] : memref<10240x128xf32, #tpu.memory_space<vmem_shared>> -> memref<16x128xf32, #tpu.memory_space<vmem_shared>>
      %dma_wait3A_411 = arith.constant 0 : i32
      %dma_wait3A_412 = tpu.memref_slice %arg56[%add3A_45, %dma_wait3A_411] : memref<10240x128xf32, #tpu.memory_space<vmem_shared>> -> memref<16x128xf32, #tpu.memory_space<vmem_shared>>
      %dma_wait3A_413 = arith.constant 0 : i32
      %dma_wait3A_414 = arith.constant 0 : i32
      %dma_wait3A_415 = tpu.memref_slice %arg26[%dma_wait3A_413, %dma_wait3A_414] : memref<20x128xf32, #tpu.memory_space<vmem>> -> memref<16x128xf32, #tpu.memory_space<vmem>>
      tpu.wait_dma2 semaphore(%run_scoped3A : memref<!tpu.dma_semaphore, #tpu.memory_space<semaphore_mem>>) src(%dma_wait3A_415 : memref<16x128xf32, #tpu.memory_space<vmem>>) dst(%dma_wait3A_412 : memref<16x128xf32, #tpu.memory_space<vmem_shared>>)
      tpu.yield
    }) : () -> ()
    %mul3A_46 = arith.constant 640 : i32
    %mul3A_47 = arith.muli %arg1, %mul3A_46 : i32
    %add3A_48 = arith.constant 160 : i32
    %add3A_49 = arith.addi %mul3A_47, %add3A_48 : i32
    "tpu.region"() ({
      %run_scoped3A = tpu.sem_alloc : memref<!tpu.dma_semaphore, #tpu.memory_space<semaphore_mem>>
      %dma_start3A_396 = arith.constant 0 : i32
      %dma_start3A_397 = arith.constant 0 : i32
      %dma_start3A_398 = tpu.memref_slice %arg26[%dma_start3A_396, %dma_start3A_397] : memref<20x128xf32, #tpu.memory_space<vmem>> -> memref<16x128xf32, #tpu.memory_space<vmem>>
      %dma_start3A_399 = arith.constant 0 : i32
      %dma_start3A_400 = tpu.memref_slice %arg56[%add3A_49, %dma_start3A_399] : memref<10240x128xf32, #tpu.memory_space<vmem_shared>> -> memref<16x128xf32, #tpu.memory_space<vmem_shared>>
      %dma_start3A_401 = arith.constant 0 : i32
      %dma_start3A_402 = tpu.memref_slice %arg56[%add3A_49, %dma_start3A_401] : memref<10240x128xf32, #tpu.memory_space<vmem_shared>> -> memref<16x128xf32, #tpu.memory_space<vmem_shared>>
      %dma_start3A_403 = arith.constant 0 : i32
      %dma_start3A_404 = arith.constant 0 : i32
      %dma_start3A_405 = tpu.memref_slice %arg26[%dma_start3A_403, %dma_start3A_404] : memref<20x128xf32, #tpu.memory_space<vmem>> -> memref<16x128xf32, #tpu.memory_space<vmem>>
      tpu.enqueue_dma source(%dma_start3A_405 : memref<16x128xf32, #tpu.memory_space<vmem>>) target(%dma_start3A_402 : memref<16x128xf32, #tpu.memory_space<vmem_shared>>) target_semaphore(%run_scoped3A : memref<!tpu.dma_semaphore, #tpu.memory_space<semaphore_mem>>)
      %dma_wait3A_406 = arith.constant 0 : i32
      %dma_wait3A_407 = arith.constant 0 : i32
      %dma_wait3A_408 = tpu.memref_slice %arg26[%dma_wait3A_406, %dma_wait3A_407] : memref<20x128xf32, #tpu.memory_space<vmem>> -> memref<16x128xf32, #tpu.memory_space<vmem>>
      %dma_wait3A_409 = arith.constant 0 : i32
      %dma_wait3A_410 = tpu.memref_slice %arg56[%add3A_49, %dma_wait3A_409] : memref<10240x128xf32, #tpu.memory_space<vmem_shared>> -> memref<16x128xf32, #tpu.memory_space<vmem_shared>>
      %dma_wait3A_411 = arith.constant 0 : i32
      %dma_wait3A_412 = tpu.memref_slice %arg56[%add3A_49, %dma_wait3A_411] : memref<10240x128xf32, #tpu.memory_space<vmem_shared>> -> memref<16x128xf32, #tpu.memory_space<vmem_shared>>
      %dma_wait3A_413 = arith.constant 0 : i32
      %dma_wait3A_414 = arith.constant 0 : i32
      %dma_wait3A_415 = tpu.memref_slice %arg26[%dma_wait3A_413, %dma_wait3A_414] : memref<20x128xf32, #tpu.memory_space<vmem>> -> memref<16x128xf32, #tpu.memory_space<vmem>>
      tpu.wait_dma2 semaphore(%run_scoped3A : memref<!tpu.dma_semaphore, #tpu.memory_space<semaphore_mem>>) src(%dma_wait3A_415 : memref<16x128xf32, #tpu.memory_space<vmem>>) dst(%dma_wait3A_412 : memref<16x128xf32, #tpu.memory_space<vmem_shared>>)
      tpu.yield
    }) : () -> ()
    %mul3A_50 = arith.constant 640 : i32
    %mul3A_51 = arith.muli %arg1, %mul3A_50 : i32
    %add3A_52 = arith.constant 176 : i32
    %add3A_53 = arith.addi %mul3A_51, %add3A_52 : i32
    "tpu.region"() ({
      %run_scoped3A = tpu.sem_alloc : memref<!tpu.dma_semaphore, #tpu.memory_space<semaphore_mem>>
      %dma_start3A_396 = arith.constant 0 : i32
      %dma_start3A_397 = arith.constant 0 : i32
      %dma_start3A_398 = tpu.memref_slice %arg26[%dma_start3A_396, %dma_start3A_397] : memref<20x128xf32, #tpu.memory_space<vmem>> -> memref<16x128xf32, #tpu.memory_space<vmem>>
      %dma_start3A_399 = arith.constant 0 : i32
      %dma_start3A_400 = tpu.memref_slice %arg56[%add3A_53, %dma_start3A_399] : memref<10240x128xf32, #tpu.memory_space<vmem_shared>> -> memref<16x128xf32, #tpu.memory_space<vmem_shared>>
      %dma_start3A_401 = arith.constant 0 : i32
      %dma_start3A_402 = tpu.memref_slice %arg56[%add3A_53, %dma_start3A_401] : memref<10240x128xf32, #tpu.memory_space<vmem_shared>> -> memref<16x128xf32, #tpu.memory_space<vmem_shared>>
      %dma_start3A_403 = arith.constant 0 : i32
      %dma_start3A_404 = arith.constant 0 : i32
      %dma_start3A_405 = tpu.memref_slice %arg26[%dma_start3A_403, %dma_start3A_404] : memref<20x128xf32, #tpu.memory_space<vmem>> -> memref<16x128xf32, #tpu.memory_space<vmem>>
      tpu.enqueue_dma source(%dma_start3A_405 : memref<16x128xf32, #tpu.memory_space<vmem>>) target(%dma_start3A_402 : memref<16x128xf32, #tpu.memory_space<vmem_shared>>) target_semaphore(%run_scoped3A : memref<!tpu.dma_semaphore, #tpu.memory_space<semaphore_mem>>)
      %dma_wait3A_406 = arith.constant 0 : i32
      %dma_wait3A_407 = arith.constant 0 : i32
      %dma_wait3A_408 = tpu.memref_slice %arg26[%dma_wait3A_406, %dma_wait3A_407] : memref<20x128xf32, #tpu.memory_space<vmem>> -> memref<16x128xf32, #tpu.memory_space<vmem>>
      %dma_wait3A_409 = arith.constant 0 : i32
      %dma_wait3A_410 = tpu.memref_slice %arg56[%add3A_53, %dma_wait3A_409] : memref<10240x128xf32, #tpu.memory_space<vmem_shared>> -> memref<16x128xf32, #tpu.memory_space<vmem_shared>>
      %dma_wait3A_411 = arith.constant 0 : i32
      %dma_wait3A_412 = tpu.memref_slice %arg56[%add3A_53, %dma_wait3A_411] : memref<10240x128xf32, #tpu.memory_space<vmem_shared>> -> memref<16x128xf32, #tpu.memory_space<vmem_shared>>
      %dma_wait3A_413 = arith.constant 0 : i32
      %dma_wait3A_414 = arith.constant 0 : i32
      %dma_wait3A_415 = tpu.memref_slice %arg26[%dma_wait3A_413, %dma_wait3A_414] : memref<20x128xf32, #tpu.memory_space<vmem>> -> memref<16x128xf32, #tpu.memory_space<vmem>>
      tpu.wait_dma2 semaphore(%run_scoped3A : memref<!tpu.dma_semaphore, #tpu.memory_space<semaphore_mem>>) src(%dma_wait3A_415 : memref<16x128xf32, #tpu.memory_space<vmem>>) dst(%dma_wait3A_412 : memref<16x128xf32, #tpu.memory_space<vmem_shared>>)
      tpu.yield
    }) : () -> ()
    %mul3A_54 = arith.constant 640 : i32
    %mul3A_55 = arith.muli %arg1, %mul3A_54 : i32
    %add3A_56 = arith.constant 192 : i32
    %add3A_57 = arith.addi %mul3A_55, %add3A_56 : i32
    "tpu.region"() ({
      %run_scoped3A = tpu.sem_alloc : memref<!tpu.dma_semaphore, #tpu.memory_space<semaphore_mem>>
      %dma_start3A_396 = arith.constant 0 : i32
      %dma_start3A_397 = arith.constant 0 : i32
      %dma_start3A_398 = tpu.memref_slice %arg26[%dma_start3A_396, %dma_start3A_397] : memref<20x128xf32, #tpu.memory_space<vmem>> -> memref<16x128xf32, #tpu.memory_space<vmem>>
      %dma_start3A_399 = arith.constant 0 : i32
      %dma_start3A_400 = tpu.memref_slice %arg56[%add3A_57, %dma_start3A_399] : memref<10240x128xf32, #tpu.memory_space<vmem_shared>> -> memref<16x128xf32, #tpu.memory_space<vmem_shared>>
      %dma_start3A_401 = arith.constant 0 : i32
      %dma_start3A_402 = tpu.memref_slice %arg56[%add3A_57, %dma_start3A_401] : memref<10240x128xf32, #tpu.memory_space<vmem_shared>> -> memref<16x128xf32, #tpu.memory_space<vmem_shared>>
      %dma_start3A_403 = arith.constant 0 : i32
      %dma_start3A_404 = arith.constant 0 : i32
      %dma_start3A_405 = tpu.memref_slice %arg26[%dma_start3A_403, %dma_start3A_404] : memref<20x128xf32, #tpu.memory_space<vmem>> -> memref<16x128xf32, #tpu.memory_space<vmem>>
      tpu.enqueue_dma source(%dma_start3A_405 : memref<16x128xf32, #tpu.memory_space<vmem>>) target(%dma_start3A_402 : memref<16x128xf32, #tpu.memory_space<vmem_shared>>) target_semaphore(%run_scoped3A : memref<!tpu.dma_semaphore, #tpu.memory_space<semaphore_mem>>)
      %dma_wait3A_406 = arith.constant 0 : i32
      %dma_wait3A_407 = arith.constant 0 : i32
      %dma_wait3A_408 = tpu.memref_slice %arg26[%dma_wait3A_406, %dma_wait3A_407] : memref<20x128xf32, #tpu.memory_space<vmem>> -> memref<16x128xf32, #tpu.memory_space<vmem>>
      %dma_wait3A_409 = arith.constant 0 : i32
      %dma_wait3A_410 = tpu.memref_slice %arg56[%add3A_57, %dma_wait3A_409] : memref<10240x128xf32, #tpu.memory_space<vmem_shared>> -> memref<16x128xf32, #tpu.memory_space<vmem_shared>>
      %dma_wait3A_411 = arith.constant 0 : i32
      %dma_wait3A_412 = tpu.memref_slice %arg56[%add3A_57, %dma_wait3A_411] : memref<10240x128xf32, #tpu.memory_space<vmem_shared>> -> memref<16x128xf32, #tpu.memory_space<vmem_shared>>
      %dma_wait3A_413 = arith.constant 0 : i32
      %dma_wait3A_414 = arith.constant 0 : i32
      %dma_wait3A_415 = tpu.memref_slice %arg26[%dma_wait3A_413, %dma_wait3A_414] : memref<20x128xf32, #tpu.memory_space<vmem>> -> memref<16x128xf32, #tpu.memory_space<vmem>>
      tpu.wait_dma2 semaphore(%run_scoped3A : memref<!tpu.dma_semaphore, #tpu.memory_space<semaphore_mem>>) src(%dma_wait3A_415 : memref<16x128xf32, #tpu.memory_space<vmem>>) dst(%dma_wait3A_412 : memref<16x128xf32, #tpu.memory_space<vmem_shared>>)
      tpu.yield
    }) : () -> ()
    %mul3A_58 = arith.constant 640 : i32
    %mul3A_59 = arith.muli %arg1, %mul3A_58 : i32
    %add3A_60 = arith.constant 208 : i32
    %add3A_61 = arith.addi %mul3A_59, %add3A_60 : i32
    "tpu.region"() ({
      %run_scoped3A = tpu.sem_alloc : memref<!tpu.dma_semaphore, #tpu.memory_space<semaphore_mem>>
      %dma_start3A_396 = arith.constant 0 : i32
      %dma_start3A_397 = arith.constant 0 : i32
      %dma_start3A_398 = tpu.memref_slice %arg26[%dma_start3A_396, %dma_start3A_397] : memref<20x128xf32, #tpu.memory_space<vmem>> -> memref<16x128xf32, #tpu.memory_space<vmem>>
      %dma_start3A_399 = arith.constant 0 : i32
      %dma_start3A_400 = tpu.memref_slice %arg56[%add3A_61, %dma_start3A_399] : memref<10240x128xf32, #tpu.memory_space<vmem_shared>> -> memref<16x128xf32, #tpu.memory_space<vmem_shared>>
      %dma_start3A_401 = arith.constant 0 : i32
      %dma_start3A_402 = tpu.memref_slice %arg56[%add3A_61, %dma_start3A_401] : memref<10240x128xf32, #tpu.memory_space<vmem_shared>> -> memref<16x128xf32, #tpu.memory_space<vmem_shared>>
      %dma_start3A_403 = arith.constant 0 : i32
      %dma_start3A_404 = arith.constant 0 : i32
      %dma_start3A_405 = tpu.memref_slice %arg26[%dma_start3A_403, %dma_start3A_404] : memref<20x128xf32, #tpu.memory_space<vmem>> -> memref<16x128xf32, #tpu.memory_space<vmem>>
      tpu.enqueue_dma source(%dma_start3A_405 : memref<16x128xf32, #tpu.memory_space<vmem>>) target(%dma_start3A_402 : memref<16x128xf32, #tpu.memory_space<vmem_shared>>) target_semaphore(%run_scoped3A : memref<!tpu.dma_semaphore, #tpu.memory_space<semaphore_mem>>)
      %dma_wait3A_406 = arith.constant 0 : i32
      %dma_wait3A_407 = arith.constant 0 : i32
      %dma_wait3A_408 = tpu.memref_slice %arg26[%dma_wait3A_406, %dma_wait3A_407] : memref<20x128xf32, #tpu.memory_space<vmem>> -> memref<16x128xf32, #tpu.memory_space<vmem>>
      %dma_wait3A_409 = arith.constant 0 : i32
      %dma_wait3A_410 = tpu.memref_slice %arg56[%add3A_61, %dma_wait3A_409] : memref<10240x128xf32, #tpu.memory_space<vmem_shared>> -> memref<16x128xf32, #tpu.memory_space<vmem_shared>>
      %dma_wait3A_411 = arith.constant 0 : i32
      %dma_wait3A_412 = tpu.memref_slice %arg56[%add3A_61, %dma_wait3A_411] : memref<10240x128xf32, #tpu.memory_space<vmem_shared>> -> memref<16x128xf32, #tpu.memory_space<vmem_shared>>
      %dma_wait3A_413 = arith.constant 0 : i32
      %dma_wait3A_414 = arith.constant 0 : i32
      %dma_wait3A_415 = tpu.memref_slice %arg26[%dma_wait3A_413, %dma_wait3A_414] : memref<20x128xf32, #tpu.memory_space<vmem>> -> memref<16x128xf32, #tpu.memory_space<vmem>>
      tpu.wait_dma2 semaphore(%run_scoped3A : memref<!tpu.dma_semaphore, #tpu.memory_space<semaphore_mem>>) src(%dma_wait3A_415 : memref<16x128xf32, #tpu.memory_space<vmem>>) dst(%dma_wait3A_412 : memref<16x128xf32, #tpu.memory_space<vmem_shared>>)
      tpu.yield
    }) : () -> ()
    %mul3A_62 = arith.constant 640 : i32
    %mul3A_63 = arith.muli %arg1, %mul3A_62 : i32
    %add3A_64 = arith.constant 224 : i32
    %add3A_65 = arith.addi %mul3A_63, %add3A_64 : i32
    "tpu.region"() ({
      %run_scoped3A = tpu.sem_alloc : memref<!tpu.dma_semaphore, #tpu.memory_space<semaphore_mem>>
      %dma_start3A_396 = arith.constant 0 : i32
      %dma_start3A_397 = arith.constant 0 : i32
      %dma_start3A_398 = tpu.memref_slice %arg26[%dma_start3A_396, %dma_start3A_397] : memref<20x128xf32, #tpu.memory_space<vmem>> -> memref<16x128xf32, #tpu.memory_space<vmem>>
      %dma_start3A_399 = arith.constant 0 : i32
      %dma_start3A_400 = tpu.memref_slice %arg56[%add3A_65, %dma_start3A_399] : memref<10240x128xf32, #tpu.memory_space<vmem_shared>> -> memref<16x128xf32, #tpu.memory_space<vmem_shared>>
      %dma_start3A_401 = arith.constant 0 : i32
      %dma_start3A_402 = tpu.memref_slice %arg56[%add3A_65, %dma_start3A_401] : memref<10240x128xf32, #tpu.memory_space<vmem_shared>> -> memref<16x128xf32, #tpu.memory_space<vmem_shared>>
      %dma_start3A_403 = arith.constant 0 : i32
      %dma_start3A_404 = arith.constant 0 : i32
      %dma_start3A_405 = tpu.memref_slice %arg26[%dma_start3A_403, %dma_start3A_404] : memref<20x128xf32, #tpu.memory_space<vmem>> -> memref<16x128xf32, #tpu.memory_space<vmem>>
      tpu.enqueue_dma source(%dma_start3A_405 : memref<16x128xf32, #tpu.memory_space<vmem>>) target(%dma_start3A_402 : memref<16x128xf32, #tpu.memory_space<vmem_shared>>) target_semaphore(%run_scoped3A : memref<!tpu.dma_semaphore, #tpu.memory_space<semaphore_mem>>)
      %dma_wait3A_406 = arith.constant 0 : i32
      %dma_wait3A_407 = arith.constant 0 : i32
      %dma_wait3A_408 = tpu.memref_slice %arg26[%dma_wait3A_406, %dma_wait3A_407] : memref<20x128xf32, #tpu.memory_space<vmem>> -> memref<16x128xf32, #tpu.memory_space<vmem>>
      %dma_wait3A_409 = arith.constant 0 : i32
      %dma_wait3A_410 = tpu.memref_slice %arg56[%add3A_65, %dma_wait3A_409] : memref<10240x128xf32, #tpu.memory_space<vmem_shared>> -> memref<16x128xf32, #tpu.memory_space<vmem_shared>>
      %dma_wait3A_411 = arith.constant 0 : i32
      %dma_wait3A_412 = tpu.memref_slice %arg56[%add3A_65, %dma_wait3A_411] : memref<10240x128xf32, #tpu.memory_space<vmem_shared>> -> memref<16x128xf32, #tpu.memory_space<vmem_shared>>
      %dma_wait3A_413 = arith.constant 0 : i32
      %dma_wait3A_414 = arith.constant 0 : i32
      %dma_wait3A_415 = tpu.memref_slice %arg26[%dma_wait3A_413, %dma_wait3A_414] : memref<20x128xf32, #tpu.memory_space<vmem>> -> memref<16x128xf32, #tpu.memory_space<vmem>>
      tpu.wait_dma2 semaphore(%run_scoped3A : memref<!tpu.dma_semaphore, #tpu.memory_space<semaphore_mem>>) src(%dma_wait3A_415 : memref<16x128xf32, #tpu.memory_space<vmem>>) dst(%dma_wait3A_412 : memref<16x128xf32, #tpu.memory_space<vmem_shared>>)
      tpu.yield
    }) : () -> ()
    %mul3A_66 = arith.constant 640 : i32
    %mul3A_67 = arith.muli %arg1, %mul3A_66 : i32
    %add3A_68 = arith.constant 240 : i32
    %add3A_69 = arith.addi %mul3A_67, %add3A_68 : i32
    "tpu.region"() ({
      %run_scoped3A = tpu.sem_alloc : memref<!tpu.dma_semaphore, #tpu.memory_space<semaphore_mem>>
      %dma_start3A_396 = arith.constant 0 : i32
      %dma_start3A_397 = arith.constant 0 : i32
      %dma_start3A_398 = tpu.memref_slice %arg26[%dma_start3A_396, %dma_start3A_397] : memref<20x128xf32, #tpu.memory_space<vmem>> -> memref<16x128xf32, #tpu.memory_space<vmem>>
      %dma_start3A_399 = arith.constant 0 : i32
      %dma_start3A_400 = tpu.memref_slice %arg56[%add3A_69, %dma_start3A_399] : memref<10240x128xf32, #tpu.memory_space<vmem_shared>> -> memref<16x128xf32, #tpu.memory_space<vmem_shared>>
      %dma_start3A_401 = arith.constant 0 : i32
      %dma_start3A_402 = tpu.memref_slice %arg56[%add3A_69, %dma_start3A_401] : memref<10240x128xf32, #tpu.memory_space<vmem_shared>> -> memref<16x128xf32, #tpu.memory_space<vmem_shared>>
      %dma_start3A_403 = arith.constant 0 : i32
      %dma_start3A_404 = arith.constant 0 : i32
      %dma_start3A_405 = tpu.memref_slice %arg26[%dma_start3A_403, %dma_start3A_404] : memref<20x128xf32, #tpu.memory_space<vmem>> -> memref<16x128xf32, #tpu.memory_space<vmem>>
      tpu.enqueue_dma source(%dma_start3A_405 : memref<16x128xf32, #tpu.memory_space<vmem>>) target(%dma_start3A_402 : memref<16x128xf32, #tpu.memory_space<vmem_shared>>) target_semaphore(%run_scoped3A : memref<!tpu.dma_semaphore, #tpu.memory_space<semaphore_mem>>)
      %dma_wait3A_406 = arith.constant 0 : i32
      %dma_wait3A_407 = arith.constant 0 : i32
      %dma_wait3A_408 = tpu.memref_slice %arg26[%dma_wait3A_406, %dma_wait3A_407] : memref<20x128xf32, #tpu.memory_space<vmem>> -> memref<16x128xf32, #tpu.memory_space<vmem>>
      %dma_wait3A_409 = arith.constant 0 : i32
      %dma_wait3A_410 = tpu.memref_slice %arg56[%add3A_69, %dma_wait3A_409] : memref<10240x128xf32, #tpu.memory_space<vmem_shared>> -> memref<16x128xf32, #tpu.memory_space<vmem_shared>>
      %dma_wait3A_411 = arith.constant 0 : i32
      %dma_wait3A_412 = tpu.memref_slice %arg56[%add3A_69, %dma_wait3A_411] : memref<10240x128xf32, #tpu.memory_space<vmem_shared>> -> memref<16x128xf32, #tpu.memory_space<vmem_shared>>
      %dma_wait3A_413 = arith.constant 0 : i32
      %dma_wait3A_414 = arith.constant 0 : i32
      %dma_wait3A_415 = tpu.memref_slice %arg26[%dma_wait3A_413, %dma_wait3A_414] : memref<20x128xf32, #tpu.memory_space<vmem>> -> memref<16x128xf32, #tpu.memory_space<vmem>>
      tpu.wait_dma2 semaphore(%run_scoped3A : memref<!tpu.dma_semaphore, #tpu.memory_space<semaphore_mem>>) src(%dma_wait3A_415 : memref<16x128xf32, #tpu.memory_space<vmem>>) dst(%dma_wait3A_412 : memref<16x128xf32, #tpu.memory_space<vmem_shared>>)
      tpu.yield
    }) : () -> ()
    %mul3A_70 = arith.constant 640 : i32
    %mul3A_71 = arith.muli %arg1, %mul3A_70 : i32
    %add3A_72 = arith.constant 256 : i32
    %add3A_73 = arith.addi %mul3A_71, %add3A_72 : i32
    "tpu.region"() ({
      %run_scoped3A = tpu.sem_alloc : memref<!tpu.dma_semaphore, #tpu.memory_space<semaphore_mem>>
      %dma_start3A_396 = arith.constant 0 : i32
      %dma_start3A_397 = arith.constant 0 : i32
      %dma_start3A_398 = tpu.memref_slice %arg26[%dma_start3A_396, %dma_start3A_397] : memref<20x128xf32, #tpu.memory_space<vmem>> -> memref<16x128xf32, #tpu.memory_space<vmem>>
      %dma_start3A_399 = arith.constant 0 : i32
      %dma_start3A_400 = tpu.memref_slice %arg56[%add3A_73, %dma_start3A_399] : memref<10240x128xf32, #tpu.memory_space<vmem_shared>> -> memref<16x128xf32, #tpu.memory_space<vmem_shared>>
      %dma_start3A_401 = arith.constant 0 : i32
      %dma_start3A_402 = tpu.memref_slice %arg56[%add3A_73, %dma_start3A_401] : memref<10240x128xf32, #tpu.memory_space<vmem_shared>> -> memref<16x128xf32, #tpu.memory_space<vmem_shared>>
      %dma_start3A_403 = arith.constant 0 : i32
      %dma_start3A_404 = arith.constant 0 : i32
      %dma_start3A_405 = tpu.memref_slice %arg26[%dma_start3A_403, %dma_start3A_404] : memref<20x128xf32, #tpu.memory_space<vmem>> -> memref<16x128xf32, #tpu.memory_space<vmem>>
      tpu.enqueue_dma source(%dma_start3A_405 : memref<16x128xf32, #tpu.memory_space<vmem>>) target(%dma_start3A_402 : memref<16x128xf32, #tpu.memory_space<vmem_shared>>) target_semaphore(%run_scoped3A : memref<!tpu.dma_semaphore, #tpu.memory_space<semaphore_mem>>)
      %dma_wait3A_406 = arith.constant 0 : i32
      %dma_wait3A_407 = arith.constant 0 : i32
      %dma_wait3A_408 = tpu.memref_slice %arg26[%dma_wait3A_406, %dma_wait3A_407] : memref<20x128xf32, #tpu.memory_space<vmem>> -> memref<16x128xf32, #tpu.memory_space<vmem>>
      %dma_wait3A_409 = arith.constant 0 : i32
      %dma_wait3A_410 = tpu.memref_slice %arg56[%add3A_73, %dma_wait3A_409] : memref<10240x128xf32, #tpu.memory_space<vmem_shared>> -> memref<16x128xf32, #tpu.memory_space<vmem_shared>>
      %dma_wait3A_411 = arith.constant 0 : i32
      %dma_wait3A_412 = tpu.memref_slice %arg56[%add3A_73, %dma_wait3A_411] : memref<10240x128xf32, #tpu.memory_space<vmem_shared>> -> memref<16x128xf32, #tpu.memory_space<vmem_shared>>
      %dma_wait3A_413 = arith.constant 0 : i32
      %dma_wait3A_414 = arith.constant 0 : i32
      %dma_wait3A_415 = tpu.memref_slice %arg26[%dma_wait3A_413, %dma_wait3A_414] : memref<20x128xf32, #tpu.memory_space<vmem>> -> memref<16x128xf32, #tpu.memory_space<vmem>>
      tpu.wait_dma2 semaphore(%run_scoped3A : memref<!tpu.dma_semaphore, #tpu.memory_space<semaphore_mem>>) src(%dma_wait3A_415 : memref<16x128xf32, #tpu.memory_space<vmem>>) dst(%dma_wait3A_412 : memref<16x128xf32, #tpu.memory_space<vmem_shared>>)
      tpu.yield
    }) : () -> ()
    %mul3A_74 = arith.constant 640 : i32
    %mul3A_75 = arith.muli %arg1, %mul3A_74 : i32
    %add3A_76 = arith.constant 272 : i32
    %add3A_77 = arith.addi %mul3A_75, %add3A_76 : i32
    "tpu.region"() ({
      %run_scoped3A = tpu.sem_alloc : memref<!tpu.dma_semaphore, #tpu.memory_space<semaphore_mem>>
      %dma_start3A_396 = arith.constant 0 : i32
      %dma_start3A_397 = arith.constant 0 : i32
      %dma_start3A_398 = tpu.memref_slice %arg26[%dma_start3A_396, %dma_start3A_397] : memref<20x128xf32, #tpu.memory_space<vmem>> -> memref<16x128xf32, #tpu.memory_space<vmem>>
      %dma_start3A_399 = arith.constant 0 : i32
      %dma_start3A_400 = tpu.memref_slice %arg56[%add3A_77, %dma_start3A_399] : memref<10240x128xf32, #tpu.memory_space<vmem_shared>> -> memref<16x128xf32, #tpu.memory_space<vmem_shared>>
      %dma_start3A_401 = arith.constant 0 : i32
      %dma_start3A_402 = tpu.memref_slice %arg56[%add3A_77, %dma_start3A_401] : memref<10240x128xf32, #tpu.memory_space<vmem_shared>> -> memref<16x128xf32, #tpu.memory_space<vmem_shared>>
      %dma_start3A_403 = arith.constant 0 : i32
      %dma_start3A_404 = arith.constant 0 : i32
      %dma_start3A_405 = tpu.memref_slice %arg26[%dma_start3A_403, %dma_start3A_404] : memref<20x128xf32, #tpu.memory_space<vmem>> -> memref<16x128xf32, #tpu.memory_space<vmem>>
      tpu.enqueue_dma source(%dma_start3A_405 : memref<16x128xf32, #tpu.memory_space<vmem>>) target(%dma_start3A_402 : memref<16x128xf32, #tpu.memory_space<vmem_shared>>) target_semaphore(%run_scoped3A : memref<!tpu.dma_semaphore, #tpu.memory_space<semaphore_mem>>)
      %dma_wait3A_406 = arith.constant 0 : i32
      %dma_wait3A_407 = arith.constant 0 : i32
      %dma_wait3A_408 = tpu.memref_slice %arg26[%dma_wait3A_406, %dma_wait3A_407] : memref<20x128xf32, #tpu.memory_space<vmem>> -> memref<16x128xf32, #tpu.memory_space<vmem>>
      %dma_wait3A_409 = arith.constant 0 : i32
      %dma_wait3A_410 = tpu.memref_slice %arg56[%add3A_77, %dma_wait3A_409] : memref<10240x128xf32, #tpu.memory_space<vmem_shared>> -> memref<16x128xf32, #tpu.memory_space<vmem_shared>>
      %dma_wait3A_411 = arith.constant 0 : i32
      %dma_wait3A_412 = tpu.memref_slice %arg56[%add3A_77, %dma_wait3A_411] : memref<10240x128xf32, #tpu.memory_space<vmem_shared>> -> memref<16x128xf32, #tpu.memory_space<vmem_shared>>
      %dma_wait3A_413 = arith.constant 0 : i32
      %dma_wait3A_414 = arith.constant 0 : i32
      %dma_wait3A_415 = tpu.memref_slice %arg26[%dma_wait3A_413, %dma_wait3A_414] : memref<20x128xf32, #tpu.memory_space<vmem>> -> memref<16x128xf32, #tpu.memory_space<vmem>>
      tpu.wait_dma2 semaphore(%run_scoped3A : memref<!tpu.dma_semaphore, #tpu.memory_space<semaphore_mem>>) src(%dma_wait3A_415 : memref<16x128xf32, #tpu.memory_space<vmem>>) dst(%dma_wait3A_412 : memref<16x128xf32, #tpu.memory_space<vmem_shared>>)
      tpu.yield
    }) : () -> ()
    %mul3A_78 = arith.constant 640 : i32
    %mul3A_79 = arith.muli %arg1, %mul3A_78 : i32
    %add3A_80 = arith.constant 288 : i32
    %add3A_81 = arith.addi %mul3A_79, %add3A_80 : i32
    "tpu.region"() ({
      %run_scoped3A = tpu.sem_alloc : memref<!tpu.dma_semaphore, #tpu.memory_space<semaphore_mem>>
      %dma_start3A_396 = arith.constant 0 : i32
      %dma_start3A_397 = arith.constant 0 : i32
      %dma_start3A_398 = tpu.memref_slice %arg26[%dma_start3A_396, %dma_start3A_397] : memref<20x128xf32, #tpu.memory_space<vmem>> -> memref<16x128xf32, #tpu.memory_space<vmem>>
      %dma_start3A_399 = arith.constant 0 : i32
      %dma_start3A_400 = tpu.memref_slice %arg56[%add3A_81, %dma_start3A_399] : memref<10240x128xf32, #tpu.memory_space<vmem_shared>> -> memref<16x128xf32, #tpu.memory_space<vmem_shared>>
      %dma_start3A_401 = arith.constant 0 : i32
      %dma_start3A_402 = tpu.memref_slice %arg56[%add3A_81, %dma_start3A_401] : memref<10240x128xf32, #tpu.memory_space<vmem_shared>> -> memref<16x128xf32, #tpu.memory_space<vmem_shared>>
      %dma_start3A_403 = arith.constant 0 : i32
      %dma_start3A_404 = arith.constant 0 : i32
      %dma_start3A_405 = tpu.memref_slice %arg26[%dma_start3A_403, %dma_start3A_404] : memref<20x128xf32, #tpu.memory_space<vmem>> -> memref<16x128xf32, #tpu.memory_space<vmem>>
      tpu.enqueue_dma source(%dma_start3A_405 : memref<16x128xf32, #tpu.memory_space<vmem>>) target(%dma_start3A_402 : memref<16x128xf32, #tpu.memory_space<vmem_shared>>) target_semaphore(%run_scoped3A : memref<!tpu.dma_semaphore, #tpu.memory_space<semaphore_mem>>)
      %dma_wait3A_406 = arith.constant 0 : i32
      %dma_wait3A_407 = arith.constant 0 : i32
      %dma_wait3A_408 = tpu.memref_slice %arg26[%dma_wait3A_406, %dma_wait3A_407] : memref<20x128xf32, #tpu.memory_space<vmem>> -> memref<16x128xf32, #tpu.memory_space<vmem>>
      %dma_wait3A_409 = arith.constant 0 : i32
      %dma_wait3A_410 = tpu.memref_slice %arg56[%add3A_81, %dma_wait3A_409] : memref<10240x128xf32, #tpu.memory_space<vmem_shared>> -> memref<16x128xf32, #tpu.memory_space<vmem_shared>>
      %dma_wait3A_411 = arith.constant 0 : i32
      %dma_wait3A_412 = tpu.memref_slice %arg56[%add3A_81, %dma_wait3A_411] : memref<10240x128xf32, #tpu.memory_space<vmem_shared>> -> memref<16x128xf32, #tpu.memory_space<vmem_shared>>
      %dma_wait3A_413 = arith.constant 0 : i32
      %dma_wait3A_414 = arith.constant 0 : i32
      %dma_wait3A_415 = tpu.memref_slice %arg26[%dma_wait3A_413, %dma_wait3A_414] : memref<20x128xf32, #tpu.memory_space<vmem>> -> memref<16x128xf32, #tpu.memory_space<vmem>>
      tpu.wait_dma2 semaphore(%run_scoped3A : memref<!tpu.dma_semaphore, #tpu.memory_space<semaphore_mem>>) src(%dma_wait3A_415 : memref<16x128xf32, #tpu.memory_space<vmem>>) dst(%dma_wait3A_412 : memref<16x128xf32, #tpu.memory_space<vmem_shared>>)
      tpu.yield
    }) : () -> ()
    %mul3A_82 = arith.constant 640 : i32
    %mul3A_83 = arith.muli %arg1, %mul3A_82 : i32
    %add3A_84 = arith.constant 304 : i32
    %add3A_85 = arith.addi %mul3A_83, %add3A_84 : i32
    "tpu.region"() ({
      %run_scoped3A = tpu.sem_alloc : memref<!tpu.dma_semaphore, #tpu.memory_space<semaphore_mem>>
      %dma_start3A_396 = arith.constant 0 : i32
      %dma_start3A_397 = arith.constant 0 : i32
      %dma_start3A_398 = tpu.memref_slice %arg26[%dma_start3A_396, %dma_start3A_397] : memref<20x128xf32, #tpu.memory_space<vmem>> -> memref<16x128xf32, #tpu.memory_space<vmem>>
      %dma_start3A_399 = arith.constant 0 : i32
      %dma_start3A_400 = tpu.memref_slice %arg56[%add3A_85, %dma_start3A_399] : memref<10240x128xf32, #tpu.memory_space<vmem_shared>> -> memref<16x128xf32, #tpu.memory_space<vmem_shared>>
      %dma_start3A_401 = arith.constant 0 : i32
      %dma_start3A_402 = tpu.memref_slice %arg56[%add3A_85, %dma_start3A_401] : memref<10240x128xf32, #tpu.memory_space<vmem_shared>> -> memref<16x128xf32, #tpu.memory_space<vmem_shared>>
      %dma_start3A_403 = arith.constant 0 : i32
      %dma_start3A_404 = arith.constant 0 : i32
      %dma_start3A_405 = tpu.memref_slice %arg26[%dma_start3A_403, %dma_start3A_404] : memref<20x128xf32, #tpu.memory_space<vmem>> -> memref<16x128xf32, #tpu.memory_space<vmem>>
      tpu.enqueue_dma source(%dma_start3A_405 : memref<16x128xf32, #tpu.memory_space<vmem>>) target(%dma_start3A_402 : memref<16x128xf32, #tpu.memory_space<vmem_shared>>) target_semaphore(%run_scoped3A : memref<!tpu.dma_semaphore, #tpu.memory_space<semaphore_mem>>)
      %dma_wait3A_406 = arith.constant 0 : i32
      %dma_wait3A_407 = arith.constant 0 : i32
      %dma_wait3A_408 = tpu.memref_slice %arg26[%dma_wait3A_406, %dma_wait3A_407] : memref<20x128xf32, #tpu.memory_space<vmem>> -> memref<16x128xf32, #tpu.memory_space<vmem>>
      %dma_wait3A_409 = arith.constant 0 : i32
      %dma_wait3A_410 = tpu.memref_slice %arg56[%add3A_85, %dma_wait3A_409] : memref<10240x128xf32, #tpu.memory_space<vmem_shared>> -> memref<16x128xf32, #tpu.memory_space<vmem_shared>>
      %dma_wait3A_411 = arith.constant 0 : i32
      %dma_wait3A_412 = tpu.memref_slice %arg56[%add3A_85, %dma_wait3A_411] : memref<10240x128xf32, #tpu.memory_space<vmem_shared>> -> memref<16x128xf32, #tpu.memory_space<vmem_shared>>
      %dma_wait3A_413 = arith.constant 0 : i32
      %dma_wait3A_414 = arith.constant 0 : i32
      %dma_wait3A_415 = tpu.memref_slice %arg26[%dma_wait3A_413, %dma_wait3A_414] : memref<20x128xf32, #tpu.memory_space<vmem>> -> memref<16x128xf32, #tpu.memory_space<vmem>>
      tpu.wait_dma2 semaphore(%run_scoped3A : memref<!tpu.dma_semaphore, #tpu.memory_space<semaphore_mem>>) src(%dma_wait3A_415 : memref<16x128xf32, #tpu.memory_space<vmem>>) dst(%dma_wait3A_412 : memref<16x128xf32, #tpu.memory_space<vmem_shared>>)
      tpu.yield
    }) : () -> ()
    %mul3A_86 = arith.constant 640 : i32
    %mul3A_87 = arith.muli %arg1, %mul3A_86 : i32
    %add3A_88 = arith.constant 320 : i32
    %add3A_89 = arith.addi %mul3A_87, %add3A_88 : i32
    "tpu.region"() ({
      %run_scoped3A = tpu.sem_alloc : memref<!tpu.dma_semaphore, #tpu.memory_space<semaphore_mem>>
      %dma_start3A_396 = arith.constant 0 : i32
      %dma_start3A_397 = arith.constant 0 : i32
      %dma_start3A_398 = tpu.memref_slice %arg26[%dma_start3A_396, %dma_start3A_397] : memref<20x128xf32, #tpu.memory_space<vmem>> -> memref<16x128xf32, #tpu.memory_space<vmem>>
      %dma_start3A_399 = arith.constant 0 : i32
      %dma_start3A_400 = tpu.memref_slice %arg56[%add3A_89, %dma_start3A_399] : memref<10240x128xf32, #tpu.memory_space<vmem_shared>> -> memref<16x128xf32, #tpu.memory_space<vmem_shared>>
      %dma_start3A_401 = arith.constant 0 : i32
      %dma_start3A_402 = tpu.memref_slice %arg56[%add3A_89, %dma_start3A_401] : memref<10240x128xf32, #tpu.memory_space<vmem_shared>> -> memref<16x128xf32, #tpu.memory_space<vmem_shared>>
      %dma_start3A_403 = arith.constant 0 : i32
      %dma_start3A_404 = arith.constant 0 : i32
      %dma_start3A_405 = tpu.memref_slice %arg26[%dma_start3A_403, %dma_start3A_404] : memref<20x128xf32, #tpu.memory_space<vmem>> -> memref<16x128xf32, #tpu.memory_space<vmem>>
      tpu.enqueue_dma source(%dma_start3A_405 : memref<16x128xf32, #tpu.memory_space<vmem>>) target(%dma_start3A_402 : memref<16x128xf32, #tpu.memory_space<vmem_shared>>) target_semaphore(%run_scoped3A : memref<!tpu.dma_semaphore, #tpu.memory_space<semaphore_mem>>)
      %dma_wait3A_406 = arith.constant 0 : i32
      %dma_wait3A_407 = arith.constant 0 : i32
      %dma_wait3A_408 = tpu.memref_slice %arg26[%dma_wait3A_406, %dma_wait3A_407] : memref<20x128xf32, #tpu.memory_space<vmem>> -> memref<16x128xf32, #tpu.memory_space<vmem>>
      %dma_wait3A_409 = arith.constant 0 : i32
      %dma_wait3A_410 = tpu.memref_slice %arg56[%add3A_89, %dma_wait3A_409] : memref<10240x128xf32, #tpu.memory_space<vmem_shared>> -> memref<16x128xf32, #tpu.memory_space<vmem_shared>>
      %dma_wait3A_411 = arith.constant 0 : i32
      %dma_wait3A_412 = tpu.memref_slice %arg56[%add3A_89, %dma_wait3A_411] : memref<10240x128xf32, #tpu.memory_space<vmem_shared>> -> memref<16x128xf32, #tpu.memory_space<vmem_shared>>
      %dma_wait3A_413 = arith.constant 0 : i32
      %dma_wait3A_414 = arith.constant 0 : i32
      %dma_wait3A_415 = tpu.memref_slice %arg26[%dma_wait3A_413, %dma_wait3A_414] : memref<20x128xf32, #tpu.memory_space<vmem>> -> memref<16x128xf32, #tpu.memory_space<vmem>>
      tpu.wait_dma2 semaphore(%run_scoped3A : memref<!tpu.dma_semaphore, #tpu.memory_space<semaphore_mem>>) src(%dma_wait3A_415 : memref<16x128xf32, #tpu.memory_space<vmem>>) dst(%dma_wait3A_412 : memref<16x128xf32, #tpu.memory_space<vmem_shared>>)
      tpu.yield
    }) : () -> ()
    %mul3A_90 = arith.constant 640 : i32
    %mul3A_91 = arith.muli %arg1, %mul3A_90 : i32
    %add3A_92 = arith.constant 336 : i32
    %add3A_93 = arith.addi %mul3A_91, %add3A_92 : i32
    "tpu.region"() ({
      %run_scoped3A = tpu.sem_alloc : memref<!tpu.dma_semaphore, #tpu.memory_space<semaphore_mem>>
      %dma_start3A_396 = arith.constant 0 : i32
      %dma_start3A_397 = arith.constant 0 : i32
      %dma_start3A_398 = tpu.memref_slice %arg26[%dma_start3A_396, %dma_start3A_397] : memref<20x128xf32, #tpu.memory_space<vmem>> -> memref<16x128xf32, #tpu.memory_space<vmem>>
      %dma_start3A_399 = arith.constant 0 : i32
      %dma_start3A_400 = tpu.memref_slice %arg56[%add3A_93, %dma_start3A_399] : memref<10240x128xf32, #tpu.memory_space<vmem_shared>> -> memref<16x128xf32, #tpu.memory_space<vmem_shared>>
      %dma_start3A_401 = arith.constant 0 : i32
      %dma_start3A_402 = tpu.memref_slice %arg56[%add3A_93, %dma_start3A_401] : memref<10240x128xf32, #tpu.memory_space<vmem_shared>> -> memref<16x128xf32, #tpu.memory_space<vmem_shared>>
      %dma_start3A_403 = arith.constant 0 : i32
      %dma_start3A_404 = arith.constant 0 : i32
      %dma_start3A_405 = tpu.memref_slice %arg26[%dma_start3A_403, %dma_start3A_404] : memref<20x128xf32, #tpu.memory_space<vmem>> -> memref<16x128xf32, #tpu.memory_space<vmem>>
      tpu.enqueue_dma source(%dma_start3A_405 : memref<16x128xf32, #tpu.memory_space<vmem>>) target(%dma_start3A_402 : memref<16x128xf32, #tpu.memory_space<vmem_shared>>) target_semaphore(%run_scoped3A : memref<!tpu.dma_semaphore, #tpu.memory_space<semaphore_mem>>)
      %dma_wait3A_406 = arith.constant 0 : i32
      %dma_wait3A_407 = arith.constant 0 : i32
      %dma_wait3A_408 = tpu.memref_slice %arg26[%dma_wait3A_406, %dma_wait3A_407] : memref<20x128xf32, #tpu.memory_space<vmem>> -> memref<16x128xf32, #tpu.memory_space<vmem>>
      %dma_wait3A_409 = arith.constant 0 : i32
      %dma_wait3A_410 = tpu.memref_slice %arg56[%add3A_93, %dma_wait3A_409] : memref<10240x128xf32, #tpu.memory_space<vmem_shared>> -> memref<16x128xf32, #tpu.memory_space<vmem_shared>>
      %dma_wait3A_411 = arith.constant 0 : i32
      %dma_wait3A_412 = tpu.memref_slice %arg56[%add3A_93, %dma_wait3A_411] : memref<10240x128xf32, #tpu.memory_space<vmem_shared>> -> memref<16x128xf32, #tpu.memory_space<vmem_shared>>
      %dma_wait3A_413 = arith.constant 0 : i32
      %dma_wait3A_414 = arith.constant 0 : i32
      %dma_wait3A_415 = tpu.memref_slice %arg26[%dma_wait3A_413, %dma_wait3A_414] : memref<20x128xf32, #tpu.memory_space<vmem>> -> memref<16x128xf32, #tpu.memory_space<vmem>>
      tpu.wait_dma2 semaphore(%run_scoped3A : memref<!tpu.dma_semaphore, #tpu.memory_space<semaphore_mem>>) src(%dma_wait3A_415 : memref<16x128xf32, #tpu.memory_space<vmem>>) dst(%dma_wait3A_412 : memref<16x128xf32, #tpu.memory_space<vmem_shared>>)
      tpu.yield
    }) : () -> ()
    %mul3A_94 = arith.constant 640 : i32
    %mul3A_95 = arith.muli %arg1, %mul3A_94 : i32
    %add3A_96 = arith.constant 352 : i32
    %add3A_97 = arith.addi %mul3A_95, %add3A_96 : i32
    "tpu.region"() ({
      %run_scoped3A = tpu.sem_alloc : memref<!tpu.dma_semaphore, #tpu.memory_space<semaphore_mem>>
      %dma_start3A_396 = arith.constant 0 : i32
      %dma_start3A_397 = arith.constant 0 : i32
      %dma_start3A_398 = tpu.memref_slice %arg26[%dma_start3A_396, %dma_start3A_397] : memref<20x128xf32, #tpu.memory_space<vmem>> -> memref<16x128xf32, #tpu.memory_space<vmem>>
      %dma_start3A_399 = arith.constant 0 : i32
      %dma_start3A_400 = tpu.memref_slice %arg56[%add3A_97, %dma_start3A_399] : memref<10240x128xf32, #tpu.memory_space<vmem_shared>> -> memref<16x128xf32, #tpu.memory_space<vmem_shared>>
      %dma_start3A_401 = arith.constant 0 : i32
      %dma_start3A_402 = tpu.memref_slice %arg56[%add3A_97, %dma_start3A_401] : memref<10240x128xf32, #tpu.memory_space<vmem_shared>> -> memref<16x128xf32, #tpu.memory_space<vmem_shared>>
      %dma_start3A_403 = arith.constant 0 : i32
      %dma_start3A_404 = arith.constant 0 : i32
      %dma_start3A_405 = tpu.memref_slice %arg26[%dma_start3A_403, %dma_start3A_404] : memref<20x128xf32, #tpu.memory_space<vmem>> -> memref<16x128xf32, #tpu.memory_space<vmem>>
      tpu.enqueue_dma source(%dma_start3A_405 : memref<16x128xf32, #tpu.memory_space<vmem>>) target(%dma_start3A_402 : memref<16x128xf32, #tpu.memory_space<vmem_shared>>) target_semaphore(%run_scoped3A : memref<!tpu.dma_semaphore, #tpu.memory_space<semaphore_mem>>)
      %dma_wait3A_406 = arith.constant 0 : i32
      %dma_wait3A_407 = arith.constant 0 : i32
      %dma_wait3A_408 = tpu.memref_slice %arg26[%dma_wait3A_406, %dma_wait3A_407] : memref<20x128xf32, #tpu.memory_space<vmem>> -> memref<16x128xf32, #tpu.memory_space<vmem>>
      %dma_wait3A_409 = arith.constant 0 : i32
      %dma_wait3A_410 = tpu.memref_slice %arg56[%add3A_97, %dma_wait3A_409] : memref<10240x128xf32, #tpu.memory_space<vmem_shared>> -> memref<16x128xf32, #tpu.memory_space<vmem_shared>>
      %dma_wait3A_411 = arith.constant 0 : i32
      %dma_wait3A_412 = tpu.memref_slice %arg56[%add3A_97, %dma_wait3A_411] : memref<10240x128xf32, #tpu.memory_space<vmem_shared>> -> memref<16x128xf32, #tpu.memory_space<vmem_shared>>
      %dma_wait3A_413 = arith.constant 0 : i32
      %dma_wait3A_414 = arith.constant 0 : i32
      %dma_wait3A_415 = tpu.memref_slice %arg26[%dma_wait3A_413, %dma_wait3A_414] : memref<20x128xf32, #tpu.memory_space<vmem>> -> memref<16x128xf32, #tpu.memory_space<vmem>>
      tpu.wait_dma2 semaphore(%run_scoped3A : memref<!tpu.dma_semaphore, #tpu.memory_space<semaphore_mem>>) src(%dma_wait3A_415 : memref<16x128xf32, #tpu.memory_space<vmem>>) dst(%dma_wait3A_412 : memref<16x128xf32, #tpu.memory_space<vmem_shared>>)
      tpu.yield
    }) : () -> ()
    %mul3A_98 = arith.constant 640 : i32
    %mul3A_99 = arith.muli %arg1, %mul3A_98 : i32
    %add3A_100 = arith.constant 368 : i32
    %add3A_101 = arith.addi %mul3A_99, %add3A_100 : i32
    "tpu.region"() ({
      %run_scoped3A = tpu.sem_alloc : memref<!tpu.dma_semaphore, #tpu.memory_space<semaphore_mem>>
      %dma_start3A_396 = arith.constant 0 : i32
      %dma_start3A_397 = arith.constant 0 : i32
      %dma_start3A_398 = tpu.memref_slice %arg26[%dma_start3A_396, %dma_start3A_397] : memref<20x128xf32, #tpu.memory_space<vmem>> -> memref<16x128xf32, #tpu.memory_space<vmem>>
      %dma_start3A_399 = arith.constant 0 : i32
      %dma_start3A_400 = tpu.memref_slice %arg56[%add3A_101, %dma_start3A_399] : memref<10240x128xf32, #tpu.memory_space<vmem_shared>> -> memref<16x128xf32, #tpu.memory_space<vmem_shared>>
      %dma_start3A_401 = arith.constant 0 : i32
      %dma_start3A_402 = tpu.memref_slice %arg56[%add3A_101, %dma_start3A_401] : memref<10240x128xf32, #tpu.memory_space<vmem_shared>> -> memref<16x128xf32, #tpu.memory_space<vmem_shared>>
      %dma_start3A_403 = arith.constant 0 : i32
      %dma_start3A_404 = arith.constant 0 : i32
      %dma_start3A_405 = tpu.memref_slice %arg26[%dma_start3A_403, %dma_start3A_404] : memref<20x128xf32, #tpu.memory_space<vmem>> -> memref<16x128xf32, #tpu.memory_space<vmem>>
      tpu.enqueue_dma source(%dma_start3A_405 : memref<16x128xf32, #tpu.memory_space<vmem>>) target(%dma_start3A_402 : memref<16x128xf32, #tpu.memory_space<vmem_shared>>) target_semaphore(%run_scoped3A : memref<!tpu.dma_semaphore, #tpu.memory_space<semaphore_mem>>)
      %dma_wait3A_406 = arith.constant 0 : i32
      %dma_wait3A_407 = arith.constant 0 : i32
      %dma_wait3A_408 = tpu.memref_slice %arg26[%dma_wait3A_406, %dma_wait3A_407] : memref<20x128xf32, #tpu.memory_space<vmem>> -> memref<16x128xf32, #tpu.memory_space<vmem>>
      %dma_wait3A_409 = arith.constant 0 : i32
      %dma_wait3A_410 = tpu.memref_slice %arg56[%add3A_101, %dma_wait3A_409] : memref<10240x128xf32, #tpu.memory_space<vmem_shared>> -> memref<16x128xf32, #tpu.memory_space<vmem_shared>>
      %dma_wait3A_411 = arith.constant 0 : i32
      %dma_wait3A_412 = tpu.memref_slice %arg56[%add3A_101, %dma_wait3A_411] : memref<10240x128xf32, #tpu.memory_space<vmem_shared>> -> memref<16x128xf32, #tpu.memory_space<vmem_shared>>
      %dma_wait3A_413 = arith.constant 0 : i32
      %dma_wait3A_414 = arith.constant 0 : i32
      %dma_wait3A_415 = tpu.memref_slice %arg26[%dma_wait3A_413, %dma_wait3A_414] : memref<20x128xf32, #tpu.memory_space<vmem>> -> memref<16x128xf32, #tpu.memory_space<vmem>>
      tpu.wait_dma2 semaphore(%run_scoped3A : memref<!tpu.dma_semaphore, #tpu.memory_space<semaphore_mem>>) src(%dma_wait3A_415 : memref<16x128xf32, #tpu.memory_space<vmem>>) dst(%dma_wait3A_412 : memref<16x128xf32, #tpu.memory_space<vmem_shared>>)
      tpu.yield
    }) : () -> ()
    %mul3A_102 = arith.constant 640 : i32
    %mul3A_103 = arith.muli %arg1, %mul3A_102 : i32
    %add3A_104 = arith.constant 384 : i32
    %add3A_105 = arith.addi %mul3A_103, %add3A_104 : i32
    "tpu.region"() ({
      %run_scoped3A = tpu.sem_alloc : memref<!tpu.dma_semaphore, #tpu.memory_space<semaphore_mem>>
      %dma_start3A_396 = arith.constant 0 : i32
      %dma_start3A_397 = arith.constant 0 : i32
      %dma_start3A_398 = tpu.memref_slice %arg26[%dma_start3A_396, %dma_start3A_397] : memref<20x128xf32, #tpu.memory_space<vmem>> -> memref<16x128xf32, #tpu.memory_space<vmem>>
      %dma_start3A_399 = arith.constant 0 : i32
      %dma_start3A_400 = tpu.memref_slice %arg56[%add3A_105, %dma_start3A_399] : memref<10240x128xf32, #tpu.memory_space<vmem_shared>> -> memref<16x128xf32, #tpu.memory_space<vmem_shared>>
      %dma_start3A_401 = arith.constant 0 : i32
      %dma_start3A_402 = tpu.memref_slice %arg56[%add3A_105, %dma_start3A_401] : memref<10240x128xf32, #tpu.memory_space<vmem_shared>> -> memref<16x128xf32, #tpu.memory_space<vmem_shared>>
      %dma_start3A_403 = arith.constant 0 : i32
      %dma_start3A_404 = arith.constant 0 : i32
      %dma_start3A_405 = tpu.memref_slice %arg26[%dma_start3A_403, %dma_start3A_404] : memref<20x128xf32, #tpu.memory_space<vmem>> -> memref<16x128xf32, #tpu.memory_space<vmem>>
      tpu.enqueue_dma source(%dma_start3A_405 : memref<16x128xf32, #tpu.memory_space<vmem>>) target(%dma_start3A_402 : memref<16x128xf32, #tpu.memory_space<vmem_shared>>) target_semaphore(%run_scoped3A : memref<!tpu.dma_semaphore, #tpu.memory_space<semaphore_mem>>)
      %dma_wait3A_406 = arith.constant 0 : i32
      %dma_wait3A_407 = arith.constant 0 : i32
      %dma_wait3A_408 = tpu.memref_slice %arg26[%dma_wait3A_406, %dma_wait3A_407] : memref<20x128xf32, #tpu.memory_space<vmem>> -> memref<16x128xf32, #tpu.memory_space<vmem>>
      %dma_wait3A_409 = arith.constant 0 : i32
      %dma_wait3A_410 = tpu.memref_slice %arg56[%add3A_105, %dma_wait3A_409] : memref<10240x128xf32, #tpu.memory_space<vmem_shared>> -> memref<16x128xf32, #tpu.memory_space<vmem_shared>>
      %dma_wait3A_411 = arith.constant 0 : i32
      %dma_wait3A_412 = tpu.memref_slice %arg56[%add3A_105, %dma_wait3A_411] : memref<10240x128xf32, #tpu.memory_space<vmem_shared>> -> memref<16x128xf32, #tpu.memory_space<vmem_shared>>
      %dma_wait3A_413 = arith.constant 0 : i32
      %dma_wait3A_414 = arith.constant 0 : i32
      %dma_wait3A_415 = tpu.memref_slice %arg26[%dma_wait3A_413, %dma_wait3A_414] : memref<20x128xf32, #tpu.memory_space<vmem>> -> memref<16x128xf32, #tpu.memory_space<vmem>>
      tpu.wait_dma2 semaphore(%run_scoped3A : memref<!tpu.dma_semaphore, #tpu.memory_space<semaphore_mem>>) src(%dma_wait3A_415 : memref<16x128xf32, #tpu.memory_space<vmem>>) dst(%dma_wait3A_412 : memref<16x128xf32, #tpu.memory_space<vmem_shared>>)
      tpu.yield
    }) : () -> ()
    %mul3A_106 = arith.constant 640 : i32
    %mul3A_107 = arith.muli %arg1, %mul3A_106 : i32
    %add3A_108 = arith.constant 400 : i32
    %add3A_109 = arith.addi %mul3A_107, %add3A_108 : i32
    "tpu.region"() ({
      %run_scoped3A = tpu.sem_alloc : memref<!tpu.dma_semaphore, #tpu.memory_space<semaphore_mem>>
      %dma_start3A_396 = arith.constant 0 : i32
      %dma_start3A_397 = arith.constant 0 : i32
      %dma_start3A_398 = tpu.memref_slice %arg26[%dma_start3A_396, %dma_start3A_397] : memref<20x128xf32, #tpu.memory_space<vmem>> -> memref<16x128xf32, #tpu.memory_space<vmem>>
      %dma_start3A_399 = arith.constant 0 : i32
      %dma_start3A_400 = tpu.memref_slice %arg56[%add3A_109, %dma_start3A_399] : memref<10240x128xf32, #tpu.memory_space<vmem_shared>> -> memref<16x128xf32, #tpu.memory_space<vmem_shared>>
      %dma_start3A_401 = arith.constant 0 : i32
      %dma_start3A_402 = tpu.memref_slice %arg56[%add3A_109, %dma_start3A_401] : memref<10240x128xf32, #tpu.memory_space<vmem_shared>> -> memref<16x128xf32, #tpu.memory_space<vmem_shared>>
      %dma_start3A_403 = arith.constant 0 : i32
      %dma_start3A_404 = arith.constant 0 : i32
      %dma_start3A_405 = tpu.memref_slice %arg26[%dma_start3A_403, %dma_start3A_404] : memref<20x128xf32, #tpu.memory_space<vmem>> -> memref<16x128xf32, #tpu.memory_space<vmem>>
      tpu.enqueue_dma source(%dma_start3A_405 : memref<16x128xf32, #tpu.memory_space<vmem>>) target(%dma_start3A_402 : memref<16x128xf32, #tpu.memory_space<vmem_shared>>) target_semaphore(%run_scoped3A : memref<!tpu.dma_semaphore, #tpu.memory_space<semaphore_mem>>)
      %dma_wait3A_406 = arith.constant 0 : i32
      %dma_wait3A_407 = arith.constant 0 : i32
      %dma_wait3A_408 = tpu.memref_slice %arg26[%dma_wait3A_406, %dma_wait3A_407] : memref<20x128xf32, #tpu.memory_space<vmem>> -> memref<16x128xf32, #tpu.memory_space<vmem>>
      %dma_wait3A_409 = arith.constant 0 : i32
      %dma_wait3A_410 = tpu.memref_slice %arg56[%add3A_109, %dma_wait3A_409] : memref<10240x128xf32, #tpu.memory_space<vmem_shared>> -> memref<16x128xf32, #tpu.memory_space<vmem_shared>>
      %dma_wait3A_411 = arith.constant 0 : i32
      %dma_wait3A_412 = tpu.memref_slice %arg56[%add3A_109, %dma_wait3A_411] : memref<10240x128xf32, #tpu.memory_space<vmem_shared>> -> memref<16x128xf32, #tpu.memory_space<vmem_shared>>
      %dma_wait3A_413 = arith.constant 0 : i32
      %dma_wait3A_414 = arith.constant 0 : i32
      %dma_wait3A_415 = tpu.memref_slice %arg26[%dma_wait3A_413, %dma_wait3A_414] : memref<20x128xf32, #tpu.memory_space<vmem>> -> memref<16x128xf32, #tpu.memory_space<vmem>>
      tpu.wait_dma2 semaphore(%run_scoped3A : memref<!tpu.dma_semaphore, #tpu.memory_space<semaphore_mem>>) src(%dma_wait3A_415 : memref<16x128xf32, #tpu.memory_space<vmem>>) dst(%dma_wait3A_412 : memref<16x128xf32, #tpu.memory_space<vmem_shared>>)
      tpu.yield
    }) : () -> ()
    %mul3A_110 = arith.constant 640 : i32
    %mul3A_111 = arith.muli %arg1, %mul3A_110 : i32
    %add3A_112 = arith.constant 416 : i32
    %add3A_113 = arith.addi %mul3A_111, %add3A_112 : i32
    "tpu.region"() ({
      %run_scoped3A = tpu.sem_alloc : memref<!tpu.dma_semaphore, #tpu.memory_space<semaphore_mem>>
      %dma_start3A_396 = arith.constant 0 : i32
      %dma_start3A_397 = arith.constant 0 : i32
      %dma_start3A_398 = tpu.memref_slice %arg26[%dma_start3A_396, %dma_start3A_397] : memref<20x128xf32, #tpu.memory_space<vmem>> -> memref<16x128xf32, #tpu.memory_space<vmem>>
      %dma_start3A_399 = arith.constant 0 : i32
      %dma_start3A_400 = tpu.memref_slice %arg56[%add3A_113, %dma_start3A_399] : memref<10240x128xf32, #tpu.memory_space<vmem_shared>> -> memref<16x128xf32, #tpu.memory_space<vmem_shared>>
      %dma_start3A_401 = arith.constant 0 : i32
      %dma_start3A_402 = tpu.memref_slice %arg56[%add3A_113, %dma_start3A_401] : memref<10240x128xf32, #tpu.memory_space<vmem_shared>> -> memref<16x128xf32, #tpu.memory_space<vmem_shared>>
      %dma_start3A_403 = arith.constant 0 : i32
      %dma_start3A_404 = arith.constant 0 : i32
      %dma_start3A_405 = tpu.memref_slice %arg26[%dma_start3A_403, %dma_start3A_404] : memref<20x128xf32, #tpu.memory_space<vmem>> -> memref<16x128xf32, #tpu.memory_space<vmem>>
      tpu.enqueue_dma source(%dma_start3A_405 : memref<16x128xf32, #tpu.memory_space<vmem>>) target(%dma_start3A_402 : memref<16x128xf32, #tpu.memory_space<vmem_shared>>) target_semaphore(%run_scoped3A : memref<!tpu.dma_semaphore, #tpu.memory_space<semaphore_mem>>)
      %dma_wait3A_406 = arith.constant 0 : i32
      %dma_wait3A_407 = arith.constant 0 : i32
      %dma_wait3A_408 = tpu.memref_slice %arg26[%dma_wait3A_406, %dma_wait3A_407] : memref<20x128xf32, #tpu.memory_space<vmem>> -> memref<16x128xf32, #tpu.memory_space<vmem>>
      %dma_wait3A_409 = arith.constant 0 : i32
      %dma_wait3A_410 = tpu.memref_slice %arg56[%add3A_113, %dma_wait3A_409] : memref<10240x128xf32, #tpu.memory_space<vmem_shared>> -> memref<16x128xf32, #tpu.memory_space<vmem_shared>>
      %dma_wait3A_411 = arith.constant 0 : i32
      %dma_wait3A_412 = tpu.memref_slice %arg56[%add3A_113, %dma_wait3A_411] : memref<10240x128xf32, #tpu.memory_space<vmem_shared>> -> memref<16x128xf32, #tpu.memory_space<vmem_shared>>
      %dma_wait3A_413 = arith.constant 0 : i32
      %dma_wait3A_414 = arith.constant 0 : i32
      %dma_wait3A_415 = tpu.memref_slice %arg26[%dma_wait3A_413, %dma_wait3A_414] : memref<20x128xf32, #tpu.memory_space<vmem>> -> memref<16x128xf32, #tpu.memory_space<vmem>>
      tpu.wait_dma2 semaphore(%run_scoped3A : memref<!tpu.dma_semaphore, #tpu.memory_space<semaphore_mem>>) src(%dma_wait3A_415 : memref<16x128xf32, #tpu.memory_space<vmem>>) dst(%dma_wait3A_412 : memref<16x128xf32, #tpu.memory_space<vmem_shared>>)
      tpu.yield
    }) : () -> ()
    %mul3A_114 = arith.constant 640 : i32
    %mul3A_115 = arith.muli %arg1, %mul3A_114 : i32
    %add3A_116 = arith.constant 432 : i32
    %add3A_117 = arith.addi %mul3A_115, %add3A_116 : i32
    "tpu.region"() ({
      %run_scoped3A = tpu.sem_alloc : memref<!tpu.dma_semaphore, #tpu.memory_space<semaphore_mem>>
      %dma_start3A_396 = arith.constant 0 : i32
      %dma_start3A_397 = arith.constant 0 : i32
      %dma_start3A_398 = tpu.memref_slice %arg26[%dma_start3A_396, %dma_start3A_397] : memref<20x128xf32, #tpu.memory_space<vmem>> -> memref<16x128xf32, #tpu.memory_space<vmem>>
      %dma_start3A_399 = arith.constant 0 : i32
      %dma_start3A_400 = tpu.memref_slice %arg56[%add3A_117, %dma_start3A_399] : memref<10240x128xf32, #tpu.memory_space<vmem_shared>> -> memref<16x128xf32, #tpu.memory_space<vmem_shared>>
      %dma_start3A_401 = arith.constant 0 : i32
      %dma_start3A_402 = tpu.memref_slice %arg56[%add3A_117, %dma_start3A_401] : memref<10240x128xf32, #tpu.memory_space<vmem_shared>> -> memref<16x128xf32, #tpu.memory_space<vmem_shared>>
      %dma_start3A_403 = arith.constant 0 : i32
      %dma_start3A_404 = arith.constant 0 : i32
      %dma_start3A_405 = tpu.memref_slice %arg26[%dma_start3A_403, %dma_start3A_404] : memref<20x128xf32, #tpu.memory_space<vmem>> -> memref<16x128xf32, #tpu.memory_space<vmem>>
      tpu.enqueue_dma source(%dma_start3A_405 : memref<16x128xf32, #tpu.memory_space<vmem>>) target(%dma_start3A_402 : memref<16x128xf32, #tpu.memory_space<vmem_shared>>) target_semaphore(%run_scoped3A : memref<!tpu.dma_semaphore, #tpu.memory_space<semaphore_mem>>)
      %dma_wait3A_406 = arith.constant 0 : i32
      %dma_wait3A_407 = arith.constant 0 : i32
      %dma_wait3A_408 = tpu.memref_slice %arg26[%dma_wait3A_406, %dma_wait3A_407] : memref<20x128xf32, #tpu.memory_space<vmem>> -> memref<16x128xf32, #tpu.memory_space<vmem>>
      %dma_wait3A_409 = arith.constant 0 : i32
      %dma_wait3A_410 = tpu.memref_slice %arg56[%add3A_117, %dma_wait3A_409] : memref<10240x128xf32, #tpu.memory_space<vmem_shared>> -> memref<16x128xf32, #tpu.memory_space<vmem_shared>>
      %dma_wait3A_411 = arith.constant 0 : i32
      %dma_wait3A_412 = tpu.memref_slice %arg56[%add3A_117, %dma_wait3A_411] : memref<10240x128xf32, #tpu.memory_space<vmem_shared>> -> memref<16x128xf32, #tpu.memory_space<vmem_shared>>
      %dma_wait3A_413 = arith.constant 0 : i32
      %dma_wait3A_414 = arith.constant 0 : i32
      %dma_wait3A_415 = tpu.memref_slice %arg26[%dma_wait3A_413, %dma_wait3A_414] : memref<20x128xf32, #tpu.memory_space<vmem>> -> memref<16x128xf32, #tpu.memory_space<vmem>>
      tpu.wait_dma2 semaphore(%run_scoped3A : memref<!tpu.dma_semaphore, #tpu.memory_space<semaphore_mem>>) src(%dma_wait3A_415 : memref<16x128xf32, #tpu.memory_space<vmem>>) dst(%dma_wait3A_412 : memref<16x128xf32, #tpu.memory_space<vmem_shared>>)
      tpu.yield
    }) : () -> ()
    %mul3A_118 = arith.constant 640 : i32
    %mul3A_119 = arith.muli %arg1, %mul3A_118 : i32
    %add3A_120 = arith.constant 448 : i32
    %add3A_121 = arith.addi %mul3A_119, %add3A_120 : i32
    "tpu.region"() ({
      %run_scoped3A = tpu.sem_alloc : memref<!tpu.dma_semaphore, #tpu.memory_space<semaphore_mem>>
      %dma_start3A_396 = arith.constant 0 : i32
      %dma_start3A_397 = arith.constant 0 : i32
      %dma_start3A_398 = tpu.memref_slice %arg26[%dma_start3A_396, %dma_start3A_397] : memref<20x128xf32, #tpu.memory_space<vmem>> -> memref<16x128xf32, #tpu.memory_space<vmem>>
      %dma_start3A_399 = arith.constant 0 : i32
      %dma_start3A_400 = tpu.memref_slice %arg56[%add3A_121, %dma_start3A_399] : memref<10240x128xf32, #tpu.memory_space<vmem_shared>> -> memref<16x128xf32, #tpu.memory_space<vmem_shared>>
      %dma_start3A_401 = arith.constant 0 : i32
      %dma_start3A_402 = tpu.memref_slice %arg56[%add3A_121, %dma_start3A_401] : memref<10240x128xf32, #tpu.memory_space<vmem_shared>> -> memref<16x128xf32, #tpu.memory_space<vmem_shared>>
      %dma_start3A_403 = arith.constant 0 : i32
      %dma_start3A_404 = arith.constant 0 : i32
      %dma_start3A_405 = tpu.memref_slice %arg26[%dma_start3A_403, %dma_start3A_404] : memref<20x128xf32, #tpu.memory_space<vmem>> -> memref<16x128xf32, #tpu.memory_space<vmem>>
      tpu.enqueue_dma source(%dma_start3A_405 : memref<16x128xf32, #tpu.memory_space<vmem>>) target(%dma_start3A_402 : memref<16x128xf32, #tpu.memory_space<vmem_shared>>) target_semaphore(%run_scoped3A : memref<!tpu.dma_semaphore, #tpu.memory_space<semaphore_mem>>)
      %dma_wait3A_406 = arith.constant 0 : i32
      %dma_wait3A_407 = arith.constant 0 : i32
      %dma_wait3A_408 = tpu.memref_slice %arg26[%dma_wait3A_406, %dma_wait3A_407] : memref<20x128xf32, #tpu.memory_space<vmem>> -> memref<16x128xf32, #tpu.memory_space<vmem>>
      %dma_wait3A_409 = arith.constant 0 : i32
      %dma_wait3A_410 = tpu.memref_slice %arg56[%add3A_121, %dma_wait3A_409] : memref<10240x128xf32, #tpu.memory_space<vmem_shared>> -> memref<16x128xf32, #tpu.memory_space<vmem_shared>>
      %dma_wait3A_411 = arith.constant 0 : i32
      %dma_wait3A_412 = tpu.memref_slice %arg56[%add3A_121, %dma_wait3A_411] : memref<10240x128xf32, #tpu.memory_space<vmem_shared>> -> memref<16x128xf32, #tpu.memory_space<vmem_shared>>
      %dma_wait3A_413 = arith.constant 0 : i32
      %dma_wait3A_414 = arith.constant 0 : i32
      %dma_wait3A_415 = tpu.memref_slice %arg26[%dma_wait3A_413, %dma_wait3A_414] : memref<20x128xf32, #tpu.memory_space<vmem>> -> memref<16x128xf32, #tpu.memory_space<vmem>>
      tpu.wait_dma2 semaphore(%run_scoped3A : memref<!tpu.dma_semaphore, #tpu.memory_space<semaphore_mem>>) src(%dma_wait3A_415 : memref<16x128xf32, #tpu.memory_space<vmem>>) dst(%dma_wait3A_412 : memref<16x128xf32, #tpu.memory_space<vmem_shared>>)
      tpu.yield
    }) : () -> ()
    %mul3A_122 = arith.constant 640 : i32
    %mul3A_123 = arith.muli %arg1, %mul3A_122 : i32
    %add3A_124 = arith.constant 464 : i32
    %add3A_125 = arith.addi %mul3A_123, %add3A_124 : i32
    "tpu.region"() ({
      %run_scoped3A = tpu.sem_alloc : memref<!tpu.dma_semaphore, #tpu.memory_space<semaphore_mem>>
      %dma_start3A_396 = arith.constant 0 : i32
      %dma_start3A_397 = arith.constant 0 : i32
      %dma_start3A_398 = tpu.memref_slice %arg26[%dma_start3A_396, %dma_start3A_397] : memref<20x128xf32, #tpu.memory_space<vmem>> -> memref<16x128xf32, #tpu.memory_space<vmem>>
      %dma_start3A_399 = arith.constant 0 : i32
      %dma_start3A_400 = tpu.memref_slice %arg56[%add3A_125, %dma_start3A_399] : memref<10240x128xf32, #tpu.memory_space<vmem_shared>> -> memref<16x128xf32, #tpu.memory_space<vmem_shared>>
      %dma_start3A_401 = arith.constant 0 : i32
      %dma_start3A_402 = tpu.memref_slice %arg56[%add3A_125, %dma_start3A_401] : memref<10240x128xf32, #tpu.memory_space<vmem_shared>> -> memref<16x128xf32, #tpu.memory_space<vmem_shared>>
      %dma_start3A_403 = arith.constant 0 : i32
      %dma_start3A_404 = arith.constant 0 : i32
      %dma_start3A_405 = tpu.memref_slice %arg26[%dma_start3A_403, %dma_start3A_404] : memref<20x128xf32, #tpu.memory_space<vmem>> -> memref<16x128xf32, #tpu.memory_space<vmem>>
      tpu.enqueue_dma source(%dma_start3A_405 : memref<16x128xf32, #tpu.memory_space<vmem>>) target(%dma_start3A_402 : memref<16x128xf32, #tpu.memory_space<vmem_shared>>) target_semaphore(%run_scoped3A : memref<!tpu.dma_semaphore, #tpu.memory_space<semaphore_mem>>)
      %dma_wait3A_406 = arith.constant 0 : i32
      %dma_wait3A_407 = arith.constant 0 : i32
      %dma_wait3A_408 = tpu.memref_slice %arg26[%dma_wait3A_406, %dma_wait3A_407] : memref<20x128xf32, #tpu.memory_space<vmem>> -> memref<16x128xf32, #tpu.memory_space<vmem>>
      %dma_wait3A_409 = arith.constant 0 : i32
      %dma_wait3A_410 = tpu.memref_slice %arg56[%add3A_125, %dma_wait3A_409] : memref<10240x128xf32, #tpu.memory_space<vmem_shared>> -> memref<16x128xf32, #tpu.memory_space<vmem_shared>>
      %dma_wait3A_411 = arith.constant 0 : i32
      %dma_wait3A_412 = tpu.memref_slice %arg56[%add3A_125, %dma_wait3A_411] : memref<10240x128xf32, #tpu.memory_space<vmem_shared>> -> memref<16x128xf32, #tpu.memory_space<vmem_shared>>
      %dma_wait3A_413 = arith.constant 0 : i32
      %dma_wait3A_414 = arith.constant 0 : i32
      %dma_wait3A_415 = tpu.memref_slice %arg26[%dma_wait3A_413, %dma_wait3A_414] : memref<20x128xf32, #tpu.memory_space<vmem>> -> memref<16x128xf32, #tpu.memory_space<vmem>>
      tpu.wait_dma2 semaphore(%run_scoped3A : memref<!tpu.dma_semaphore, #tpu.memory_space<semaphore_mem>>) src(%dma_wait3A_415 : memref<16x128xf32, #tpu.memory_space<vmem>>) dst(%dma_wait3A_412 : memref<16x128xf32, #tpu.memory_space<vmem_shared>>)
      tpu.yield
    }) : () -> ()
    %mul3A_126 = arith.constant 640 : i32
    %mul3A_127 = arith.muli %arg1, %mul3A_126 : i32
    %add3A_128 = arith.constant 480 : i32
    %add3A_129 = arith.addi %mul3A_127, %add3A_128 : i32
    "tpu.region"() ({
      %run_scoped3A = tpu.sem_alloc : memref<!tpu.dma_semaphore, #tpu.memory_space<semaphore_mem>>
      %dma_start3A_396 = arith.constant 0 : i32
      %dma_start3A_397 = arith.constant 0 : i32
      %dma_start3A_398 = tpu.memref_slice %arg26[%dma_start3A_396, %dma_start3A_397] : memref<20x128xf32, #tpu.memory_space<vmem>> -> memref<16x128xf32, #tpu.memory_space<vmem>>
      %dma_start3A_399 = arith.constant 0 : i32
      %dma_start3A_400 = tpu.memref_slice %arg56[%add3A_129, %dma_start3A_399] : memref<10240x128xf32, #tpu.memory_space<vmem_shared>> -> memref<16x128xf32, #tpu.memory_space<vmem_shared>>
      %dma_start3A_401 = arith.constant 0 : i32
      %dma_start3A_402 = tpu.memref_slice %arg56[%add3A_129, %dma_start3A_401] : memref<10240x128xf32, #tpu.memory_space<vmem_shared>> -> memref<16x128xf32, #tpu.memory_space<vmem_shared>>
      %dma_start3A_403 = arith.constant 0 : i32
      %dma_start3A_404 = arith.constant 0 : i32
      %dma_start3A_405 = tpu.memref_slice %arg26[%dma_start3A_403, %dma_start3A_404] : memref<20x128xf32, #tpu.memory_space<vmem>> -> memref<16x128xf32, #tpu.memory_space<vmem>>
      tpu.enqueue_dma source(%dma_start3A_405 : memref<16x128xf32, #tpu.memory_space<vmem>>) target(%dma_start3A_402 : memref<16x128xf32, #tpu.memory_space<vmem_shared>>) target_semaphore(%run_scoped3A : memref<!tpu.dma_semaphore, #tpu.memory_space<semaphore_mem>>)
      %dma_wait3A_406 = arith.constant 0 : i32
      %dma_wait3A_407 = arith.constant 0 : i32
      %dma_wait3A_408 = tpu.memref_slice %arg26[%dma_wait3A_406, %dma_wait3A_407] : memref<20x128xf32, #tpu.memory_space<vmem>> -> memref<16x128xf32, #tpu.memory_space<vmem>>
      %dma_wait3A_409 = arith.constant 0 : i32
      %dma_wait3A_410 = tpu.memref_slice %arg56[%add3A_129, %dma_wait3A_409] : memref<10240x128xf32, #tpu.memory_space<vmem_shared>> -> memref<16x128xf32, #tpu.memory_space<vmem_shared>>
      %dma_wait3A_411 = arith.constant 0 : i32
      %dma_wait3A_412 = tpu.memref_slice %arg56[%add3A_129, %dma_wait3A_411] : memref<10240x128xf32, #tpu.memory_space<vmem_shared>> -> memref<16x128xf32, #tpu.memory_space<vmem_shared>>
      %dma_wait3A_413 = arith.constant 0 : i32
      %dma_wait3A_414 = arith.constant 0 : i32
      %dma_wait3A_415 = tpu.memref_slice %arg26[%dma_wait3A_413, %dma_wait3A_414] : memref<20x128xf32, #tpu.memory_space<vmem>> -> memref<16x128xf32, #tpu.memory_space<vmem>>
      tpu.wait_dma2 semaphore(%run_scoped3A : memref<!tpu.dma_semaphore, #tpu.memory_space<semaphore_mem>>) src(%dma_wait3A_415 : memref<16x128xf32, #tpu.memory_space<vmem>>) dst(%dma_wait3A_412 : memref<16x128xf32, #tpu.memory_space<vmem_shared>>)
      tpu.yield
    }) : () -> ()
    %mul3A_130 = arith.constant 640 : i32
    %mul3A_131 = arith.muli %arg1, %mul3A_130 : i32
    %add3A_132 = arith.constant 496 : i32
    %add3A_133 = arith.addi %mul3A_131, %add3A_132 : i32
    "tpu.region"() ({
      %run_scoped3A = tpu.sem_alloc : memref<!tpu.dma_semaphore, #tpu.memory_space<semaphore_mem>>
      %dma_start3A_396 = arith.constant 0 : i32
      %dma_start3A_397 = arith.constant 0 : i32
      %dma_start3A_398 = tpu.memref_slice %arg26[%dma_start3A_396, %dma_start3A_397] : memref<20x128xf32, #tpu.memory_space<vmem>> -> memref<16x128xf32, #tpu.memory_space<vmem>>
      %dma_start3A_399 = arith.constant 0 : i32
      %dma_start3A_400 = tpu.memref_slice %arg56[%add3A_133, %dma_start3A_399] : memref<10240x128xf32, #tpu.memory_space<vmem_shared>> -> memref<16x128xf32, #tpu.memory_space<vmem_shared>>
      %dma_start3A_401 = arith.constant 0 : i32
      %dma_start3A_402 = tpu.memref_slice %arg56[%add3A_133, %dma_start3A_401] : memref<10240x128xf32, #tpu.memory_space<vmem_shared>> -> memref<16x128xf32, #tpu.memory_space<vmem_shared>>
      %dma_start3A_403 = arith.constant 0 : i32
      %dma_start3A_404 = arith.constant 0 : i32
      %dma_start3A_405 = tpu.memref_slice %arg26[%dma_start3A_403, %dma_start3A_404] : memref<20x128xf32, #tpu.memory_space<vmem>> -> memref<16x128xf32, #tpu.memory_space<vmem>>
      tpu.enqueue_dma source(%dma_start3A_405 : memref<16x128xf32, #tpu.memory_space<vmem>>) target(%dma_start3A_402 : memref<16x128xf32, #tpu.memory_space<vmem_shared>>) target_semaphore(%run_scoped3A : memref<!tpu.dma_semaphore, #tpu.memory_space<semaphore_mem>>)
      %dma_wait3A_406 = arith.constant 0 : i32
      %dma_wait3A_407 = arith.constant 0 : i32
      %dma_wait3A_408 = tpu.memref_slice %arg26[%dma_wait3A_406, %dma_wait3A_407] : memref<20x128xf32, #tpu.memory_space<vmem>> -> memref<16x128xf32, #tpu.memory_space<vmem>>
      %dma_wait3A_409 = arith.constant 0 : i32
      %dma_wait3A_410 = tpu.memref_slice %arg56[%add3A_133, %dma_wait3A_409] : memref<10240x128xf32, #tpu.memory_space<vmem_shared>> -> memref<16x128xf32, #tpu.memory_space<vmem_shared>>
      %dma_wait3A_411 = arith.constant 0 : i32
      %dma_wait3A_412 = tpu.memref_slice %arg56[%add3A_133, %dma_wait3A_411] : memref<10240x128xf32, #tpu.memory_space<vmem_shared>> -> memref<16x128xf32, #tpu.memory_space<vmem_shared>>
      %dma_wait3A_413 = arith.constant 0 : i32
      %dma_wait3A_414 = arith.constant 0 : i32
      %dma_wait3A_415 = tpu.memref_slice %arg26[%dma_wait3A_413, %dma_wait3A_414] : memref<20x128xf32, #tpu.memory_space<vmem>> -> memref<16x128xf32, #tpu.memory_space<vmem>>
      tpu.wait_dma2 semaphore(%run_scoped3A : memref<!tpu.dma_semaphore, #tpu.memory_space<semaphore_mem>>) src(%dma_wait3A_415 : memref<16x128xf32, #tpu.memory_space<vmem>>) dst(%dma_wait3A_412 : memref<16x128xf32, #tpu.memory_space<vmem_shared>>)
      tpu.yield
    }) : () -> ()
    %mul3A_134 = arith.constant 640 : i32
    %mul3A_135 = arith.muli %arg1, %mul3A_134 : i32
    %add3A_136 = arith.constant 512 : i32
    %add3A_137 = arith.addi %mul3A_135, %add3A_136 : i32
    "tpu.region"() ({
      %run_scoped3A = tpu.sem_alloc : memref<!tpu.dma_semaphore, #tpu.memory_space<semaphore_mem>>
      %dma_start3A_396 = arith.constant 0 : i32
      %dma_start3A_397 = arith.constant 0 : i32
      %dma_start3A_398 = tpu.memref_slice %arg26[%dma_start3A_396, %dma_start3A_397] : memref<20x128xf32, #tpu.memory_space<vmem>> -> memref<16x128xf32, #tpu.memory_space<vmem>>
      %dma_start3A_399 = arith.constant 0 : i32
      %dma_start3A_400 = tpu.memref_slice %arg56[%add3A_137, %dma_start3A_399] : memref<10240x128xf32, #tpu.memory_space<vmem_shared>> -> memref<16x128xf32, #tpu.memory_space<vmem_shared>>
      %dma_start3A_401 = arith.constant 0 : i32
      %dma_start3A_402 = tpu.memref_slice %arg56[%add3A_137, %dma_start3A_401] : memref<10240x128xf32, #tpu.memory_space<vmem_shared>> -> memref<16x128xf32, #tpu.memory_space<vmem_shared>>
      %dma_start3A_403 = arith.constant 0 : i32
      %dma_start3A_404 = arith.constant 0 : i32
      %dma_start3A_405 = tpu.memref_slice %arg26[%dma_start3A_403, %dma_start3A_404] : memref<20x128xf32, #tpu.memory_space<vmem>> -> memref<16x128xf32, #tpu.memory_space<vmem>>
      tpu.enqueue_dma source(%dma_start3A_405 : memref<16x128xf32, #tpu.memory_space<vmem>>) target(%dma_start3A_402 : memref<16x128xf32, #tpu.memory_space<vmem_shared>>) target_semaphore(%run_scoped3A : memref<!tpu.dma_semaphore, #tpu.memory_space<semaphore_mem>>)
      %dma_wait3A_406 = arith.constant 0 : i32
      %dma_wait3A_407 = arith.constant 0 : i32
      %dma_wait3A_408 = tpu.memref_slice %arg26[%dma_wait3A_406, %dma_wait3A_407] : memref<20x128xf32, #tpu.memory_space<vmem>> -> memref<16x128xf32, #tpu.memory_space<vmem>>
      %dma_wait3A_409 = arith.constant 0 : i32
      %dma_wait3A_410 = tpu.memref_slice %arg56[%add3A_137, %dma_wait3A_409] : memref<10240x128xf32, #tpu.memory_space<vmem_shared>> -> memref<16x128xf32, #tpu.memory_space<vmem_shared>>
      %dma_wait3A_411 = arith.constant 0 : i32
      %dma_wait3A_412 = tpu.memref_slice %arg56[%add3A_137, %dma_wait3A_411] : memref<10240x128xf32, #tpu.memory_space<vmem_shared>> -> memref<16x128xf32, #tpu.memory_space<vmem_shared>>
      %dma_wait3A_413 = arith.constant 0 : i32
      %dma_wait3A_414 = arith.constant 0 : i32
      %dma_wait3A_415 = tpu.memref_slice %arg26[%dma_wait3A_413, %dma_wait3A_414] : memref<20x128xf32, #tpu.memory_space<vmem>> -> memref<16x128xf32, #tpu.memory_space<vmem>>
      tpu.wait_dma2 semaphore(%run_scoped3A : memref<!tpu.dma_semaphore, #tpu.memory_space<semaphore_mem>>) src(%dma_wait3A_415 : memref<16x128xf32, #tpu.memory_space<vmem>>) dst(%dma_wait3A_412 : memref<16x128xf32, #tpu.memory_space<vmem_shared>>)
      tpu.yield
    }) : () -> ()
    %mul3A_138 = arith.constant 640 : i32
    %mul3A_139 = arith.muli %arg1, %mul3A_138 : i32
    %add3A_140 = arith.constant 528 : i32
    %add3A_141 = arith.addi %mul3A_139, %add3A_140 : i32
    "tpu.region"() ({
      %run_scoped3A = tpu.sem_alloc : memref<!tpu.dma_semaphore, #tpu.memory_space<semaphore_mem>>
      %dma_start3A_396 = arith.constant 0 : i32
      %dma_start3A_397 = arith.constant 0 : i32
      %dma_start3A_398 = tpu.memref_slice %arg26[%dma_start3A_396, %dma_start3A_397] : memref<20x128xf32, #tpu.memory_space<vmem>> -> memref<16x128xf32, #tpu.memory_space<vmem>>
      %dma_start3A_399 = arith.constant 0 : i32
      %dma_start3A_400 = tpu.memref_slice %arg56[%add3A_141, %dma_start3A_399] : memref<10240x128xf32, #tpu.memory_space<vmem_shared>> -> memref<16x128xf32, #tpu.memory_space<vmem_shared>>
      %dma_start3A_401 = arith.constant 0 : i32
      %dma_start3A_402 = tpu.memref_slice %arg56[%add3A_141, %dma_start3A_401] : memref<10240x128xf32, #tpu.memory_space<vmem_shared>> -> memref<16x128xf32, #tpu.memory_space<vmem_shared>>
      %dma_start3A_403 = arith.constant 0 : i32
      %dma_start3A_404 = arith.constant 0 : i32
      %dma_start3A_405 = tpu.memref_slice %arg26[%dma_start3A_403, %dma_start3A_404] : memref<20x128xf32, #tpu.memory_space<vmem>> -> memref<16x128xf32, #tpu.memory_space<vmem>>
      tpu.enqueue_dma source(%dma_start3A_405 : memref<16x128xf32, #tpu.memory_space<vmem>>) target(%dma_start3A_402 : memref<16x128xf32, #tpu.memory_space<vmem_shared>>) target_semaphore(%run_scoped3A : memref<!tpu.dma_semaphore, #tpu.memory_space<semaphore_mem>>)
      %dma_wait3A_406 = arith.constant 0 : i32
      %dma_wait3A_407 = arith.constant 0 : i32
      %dma_wait3A_408 = tpu.memref_slice %arg26[%dma_wait3A_406, %dma_wait3A_407] : memref<20x128xf32, #tpu.memory_space<vmem>> -> memref<16x128xf32, #tpu.memory_space<vmem>>
      %dma_wait3A_409 = arith.constant 0 : i32
      %dma_wait3A_410 = tpu.memref_slice %arg56[%add3A_141, %dma_wait3A_409] : memref<10240x128xf32, #tpu.memory_space<vmem_shared>> -> memref<16x128xf32, #tpu.memory_space<vmem_shared>>
      %dma_wait3A_411 = arith.constant 0 : i32
      %dma_wait3A_412 = tpu.memref_slice %arg56[%add3A_141, %dma_wait3A_411] : memref<10240x128xf32, #tpu.memory_space<vmem_shared>> -> memref<16x128xf32, #tpu.memory_space<vmem_shared>>
      %dma_wait3A_413 = arith.constant 0 : i32
      %dma_wait3A_414 = arith.constant 0 : i32
      %dma_wait3A_415 = tpu.memref_slice %arg26[%dma_wait3A_413, %dma_wait3A_414] : memref<20x128xf32, #tpu.memory_space<vmem>> -> memref<16x128xf32, #tpu.memory_space<vmem>>
      tpu.wait_dma2 semaphore(%run_scoped3A : memref<!tpu.dma_semaphore, #tpu.memory_space<semaphore_mem>>) src(%dma_wait3A_415 : memref<16x128xf32, #tpu.memory_space<vmem>>) dst(%dma_wait3A_412 : memref<16x128xf32, #tpu.memory_space<vmem_shared>>)
      tpu.yield
    }) : () -> ()
    %mul3A_142 = arith.constant 640 : i32
    %mul3A_143 = arith.muli %arg1, %mul3A_142 : i32
    %add3A_144 = arith.constant 544 : i32
    %add3A_145 = arith.addi %mul3A_143, %add3A_144 : i32
    "tpu.region"() ({
      %run_scoped3A = tpu.sem_alloc : memref<!tpu.dma_semaphore, #tpu.memory_space<semaphore_mem>>
      %dma_start3A_396 = arith.constant 0 : i32
      %dma_start3A_397 = arith.constant 0 : i32
      %dma_start3A_398 = tpu.memref_slice %arg26[%dma_start3A_396, %dma_start3A_397] : memref<20x128xf32, #tpu.memory_space<vmem>> -> memref<16x128xf32, #tpu.memory_space<vmem>>
      %dma_start3A_399 = arith.constant 0 : i32
      %dma_start3A_400 = tpu.memref_slice %arg56[%add3A_145, %dma_start3A_399] : memref<10240x128xf32, #tpu.memory_space<vmem_shared>> -> memref<16x128xf32, #tpu.memory_space<vmem_shared>>
      %dma_start3A_401 = arith.constant 0 : i32
      %dma_start3A_402 = tpu.memref_slice %arg56[%add3A_145, %dma_start3A_401] : memref<10240x128xf32, #tpu.memory_space<vmem_shared>> -> memref<16x128xf32, #tpu.memory_space<vmem_shared>>
      %dma_start3A_403 = arith.constant 0 : i32
      %dma_start3A_404 = arith.constant 0 : i32
      %dma_start3A_405 = tpu.memref_slice %arg26[%dma_start3A_403, %dma_start3A_404] : memref<20x128xf32, #tpu.memory_space<vmem>> -> memref<16x128xf32, #tpu.memory_space<vmem>>
      tpu.enqueue_dma source(%dma_start3A_405 : memref<16x128xf32, #tpu.memory_space<vmem>>) target(%dma_start3A_402 : memref<16x128xf32, #tpu.memory_space<vmem_shared>>) target_semaphore(%run_scoped3A : memref<!tpu.dma_semaphore, #tpu.memory_space<semaphore_mem>>)
      %dma_wait3A_406 = arith.constant 0 : i32
      %dma_wait3A_407 = arith.constant 0 : i32
      %dma_wait3A_408 = tpu.memref_slice %arg26[%dma_wait3A_406, %dma_wait3A_407] : memref<20x128xf32, #tpu.memory_space<vmem>> -> memref<16x128xf32, #tpu.memory_space<vmem>>
      %dma_wait3A_409 = arith.constant 0 : i32
      %dma_wait3A_410 = tpu.memref_slice %arg56[%add3A_145, %dma_wait3A_409] : memref<10240x128xf32, #tpu.memory_space<vmem_shared>> -> memref<16x128xf32, #tpu.memory_space<vmem_shared>>
      %dma_wait3A_411 = arith.constant 0 : i32
      %dma_wait3A_412 = tpu.memref_slice %arg56[%add3A_145, %dma_wait3A_411] : memref<10240x128xf32, #tpu.memory_space<vmem_shared>> -> memref<16x128xf32, #tpu.memory_space<vmem_shared>>
      %dma_wait3A_413 = arith.constant 0 : i32
      %dma_wait3A_414 = arith.constant 0 : i32
      %dma_wait3A_415 = tpu.memref_slice %arg26[%dma_wait3A_413, %dma_wait3A_414] : memref<20x128xf32, #tpu.memory_space<vmem>> -> memref<16x128xf32, #tpu.memory_space<vmem>>
      tpu.wait_dma2 semaphore(%run_scoped3A : memref<!tpu.dma_semaphore, #tpu.memory_space<semaphore_mem>>) src(%dma_wait3A_415 : memref<16x128xf32, #tpu.memory_space<vmem>>) dst(%dma_wait3A_412 : memref<16x128xf32, #tpu.memory_space<vmem_shared>>)
      tpu.yield
    }) : () -> ()
    %mul3A_146 = arith.constant 640 : i32
    %mul3A_147 = arith.muli %arg1, %mul3A_146 : i32
    %add3A_148 = arith.constant 560 : i32
    %add3A_149 = arith.addi %mul3A_147, %add3A_148 : i32
    "tpu.region"() ({
      %run_scoped3A = tpu.sem_alloc : memref<!tpu.dma_semaphore, #tpu.memory_space<semaphore_mem>>
      %dma_start3A_396 = arith.constant 0 : i32
      %dma_start3A_397 = arith.constant 0 : i32
      %dma_start3A_398 = tpu.memref_slice %arg26[%dma_start3A_396, %dma_start3A_397] : memref<20x128xf32, #tpu.memory_space<vmem>> -> memref<16x128xf32, #tpu.memory_space<vmem>>
      %dma_start3A_399 = arith.constant 0 : i32
      %dma_start3A_400 = tpu.memref_slice %arg56[%add3A_149, %dma_start3A_399] : memref<10240x128xf32, #tpu.memory_space<vmem_shared>> -> memref<16x128xf32, #tpu.memory_space<vmem_shared>>
      %dma_start3A_401 = arith.constant 0 : i32
      %dma_start3A_402 = tpu.memref_slice %arg56[%add3A_149, %dma_start3A_401] : memref<10240x128xf32, #tpu.memory_space<vmem_shared>> -> memref<16x128xf32, #tpu.memory_space<vmem_shared>>
      %dma_start3A_403 = arith.constant 0 : i32
      %dma_start3A_404 = arith.constant 0 : i32
      %dma_start3A_405 = tpu.memref_slice %arg26[%dma_start3A_403, %dma_start3A_404] : memref<20x128xf32, #tpu.memory_space<vmem>> -> memref<16x128xf32, #tpu.memory_space<vmem>>
      tpu.enqueue_dma source(%dma_start3A_405 : memref<16x128xf32, #tpu.memory_space<vmem>>) target(%dma_start3A_402 : memref<16x128xf32, #tpu.memory_space<vmem_shared>>) target_semaphore(%run_scoped3A : memref<!tpu.dma_semaphore, #tpu.memory_space<semaphore_mem>>)
      %dma_wait3A_406 = arith.constant 0 : i32
      %dma_wait3A_407 = arith.constant 0 : i32
      %dma_wait3A_408 = tpu.memref_slice %arg26[%dma_wait3A_406, %dma_wait3A_407] : memref<20x128xf32, #tpu.memory_space<vmem>> -> memref<16x128xf32, #tpu.memory_space<vmem>>
      %dma_wait3A_409 = arith.constant 0 : i32
      %dma_wait3A_410 = tpu.memref_slice %arg56[%add3A_149, %dma_wait3A_409] : memref<10240x128xf32, #tpu.memory_space<vmem_shared>> -> memref<16x128xf32, #tpu.memory_space<vmem_shared>>
      %dma_wait3A_411 = arith.constant 0 : i32
      %dma_wait3A_412 = tpu.memref_slice %arg56[%add3A_149, %dma_wait3A_411] : memref<10240x128xf32, #tpu.memory_space<vmem_shared>> -> memref<16x128xf32, #tpu.memory_space<vmem_shared>>
      %dma_wait3A_413 = arith.constant 0 : i32
      %dma_wait3A_414 = arith.constant 0 : i32
      %dma_wait3A_415 = tpu.memref_slice %arg26[%dma_wait3A_413, %dma_wait3A_414] : memref<20x128xf32, #tpu.memory_space<vmem>> -> memref<16x128xf32, #tpu.memory_space<vmem>>
      tpu.wait_dma2 semaphore(%run_scoped3A : memref<!tpu.dma_semaphore, #tpu.memory_space<semaphore_mem>>) src(%dma_wait3A_415 : memref<16x128xf32, #tpu.memory_space<vmem>>) dst(%dma_wait3A_412 : memref<16x128xf32, #tpu.memory_space<vmem_shared>>)
      tpu.yield
    }) : () -> ()
    %mul3A_150 = arith.constant 640 : i32
    %mul3A_151 = arith.muli %arg1, %mul3A_150 : i32
    %add3A_152 = arith.constant 576 : i32
    %add3A_153 = arith.addi %mul3A_151, %add3A_152 : i32
    "tpu.region"() ({
      %run_scoped3A = tpu.sem_alloc : memref<!tpu.dma_semaphore, #tpu.memory_space<semaphore_mem>>
      %dma_start3A_396 = arith.constant 0 : i32
      %dma_start3A_397 = arith.constant 0 : i32
      %dma_start3A_398 = tpu.memref_slice %arg26[%dma_start3A_396, %dma_start3A_397] : memref<20x128xf32, #tpu.memory_space<vmem>> -> memref<16x128xf32, #tpu.memory_space<vmem>>
      %dma_start3A_399 = arith.constant 0 : i32
      %dma_start3A_400 = tpu.memref_slice %arg56[%add3A_153, %dma_start3A_399] : memref<10240x128xf32, #tpu.memory_space<vmem_shared>> -> memref<16x128xf32, #tpu.memory_space<vmem_shared>>
      %dma_start3A_401 = arith.constant 0 : i32
      %dma_start3A_402 = tpu.memref_slice %arg56[%add3A_153, %dma_start3A_401] : memref<10240x128xf32, #tpu.memory_space<vmem_shared>> -> memref<16x128xf32, #tpu.memory_space<vmem_shared>>
      %dma_start3A_403 = arith.constant 0 : i32
      %dma_start3A_404 = arith.constant 0 : i32
      %dma_start3A_405 = tpu.memref_slice %arg26[%dma_start3A_403, %dma_start3A_404] : memref<20x128xf32, #tpu.memory_space<vmem>> -> memref<16x128xf32, #tpu.memory_space<vmem>>
      tpu.enqueue_dma source(%dma_start3A_405 : memref<16x128xf32, #tpu.memory_space<vmem>>) target(%dma_start3A_402 : memref<16x128xf32, #tpu.memory_space<vmem_shared>>) target_semaphore(%run_scoped3A : memref<!tpu.dma_semaphore, #tpu.memory_space<semaphore_mem>>)
      %dma_wait3A_406 = arith.constant 0 : i32
      %dma_wait3A_407 = arith.constant 0 : i32
      %dma_wait3A_408 = tpu.memref_slice %arg26[%dma_wait3A_406, %dma_wait3A_407] : memref<20x128xf32, #tpu.memory_space<vmem>> -> memref<16x128xf32, #tpu.memory_space<vmem>>
      %dma_wait3A_409 = arith.constant 0 : i32
      %dma_wait3A_410 = tpu.memref_slice %arg56[%add3A_153, %dma_wait3A_409] : memref<10240x128xf32, #tpu.memory_space<vmem_shared>> -> memref<16x128xf32, #tpu.memory_space<vmem_shared>>
      %dma_wait3A_411 = arith.constant 0 : i32
      %dma_wait3A_412 = tpu.memref_slice %arg56[%add3A_153, %dma_wait3A_411] : memref<10240x128xf32, #tpu.memory_space<vmem_shared>> -> memref<16x128xf32, #tpu.memory_space<vmem_shared>>
      %dma_wait3A_413 = arith.constant 0 : i32
      %dma_wait3A_414 = arith.constant 0 : i32
      %dma_wait3A_415 = tpu.memref_slice %arg26[%dma_wait3A_413, %dma_wait3A_414] : memref<20x128xf32, #tpu.memory_space<vmem>> -> memref<16x128xf32, #tpu.memory_space<vmem>>
      tpu.wait_dma2 semaphore(%run_scoped3A : memref<!tpu.dma_semaphore, #tpu.memory_space<semaphore_mem>>) src(%dma_wait3A_415 : memref<16x128xf32, #tpu.memory_space<vmem>>) dst(%dma_wait3A_412 : memref<16x128xf32, #tpu.memory_space<vmem_shared>>)
      tpu.yield
    }) : () -> ()
    %mul3A_154 = arith.constant 640 : i32
    %mul3A_155 = arith.muli %arg1, %mul3A_154 : i32
    %add3A_156 = arith.constant 592 : i32
    %add3A_157 = arith.addi %mul3A_155, %add3A_156 : i32
    "tpu.region"() ({
      %run_scoped3A = tpu.sem_alloc : memref<!tpu.dma_semaphore, #tpu.memory_space<semaphore_mem>>
      %dma_start3A_396 = arith.constant 0 : i32
      %dma_start3A_397 = arith.constant 0 : i32
      %dma_start3A_398 = tpu.memref_slice %arg26[%dma_start3A_396, %dma_start3A_397] : memref<20x128xf32, #tpu.memory_space<vmem>> -> memref<16x128xf32, #tpu.memory_space<vmem>>
      %dma_start3A_399 = arith.constant 0 : i32
      %dma_start3A_400 = tpu.memref_slice %arg56[%add3A_157, %dma_start3A_399] : memref<10240x128xf32, #tpu.memory_space<vmem_shared>> -> memref<16x128xf32, #tpu.memory_space<vmem_shared>>
      %dma_start3A_401 = arith.constant 0 : i32
      %dma_start3A_402 = tpu.memref_slice %arg56[%add3A_157, %dma_start3A_401] : memref<10240x128xf32, #tpu.memory_space<vmem_shared>> -> memref<16x128xf32, #tpu.memory_space<vmem_shared>>
      %dma_start3A_403 = arith.constant 0 : i32
      %dma_start3A_404 = arith.constant 0 : i32
      %dma_start3A_405 = tpu.memref_slice %arg26[%dma_start3A_403, %dma_start3A_404] : memref<20x128xf32, #tpu.memory_space<vmem>> -> memref<16x128xf32, #tpu.memory_space<vmem>>
      tpu.enqueue_dma source(%dma_start3A_405 : memref<16x128xf32, #tpu.memory_space<vmem>>) target(%dma_start3A_402 : memref<16x128xf32, #tpu.memory_space<vmem_shared>>) target_semaphore(%run_scoped3A : memref<!tpu.dma_semaphore, #tpu.memory_space<semaphore_mem>>)
      %dma_wait3A_406 = arith.constant 0 : i32
      %dma_wait3A_407 = arith.constant 0 : i32
      %dma_wait3A_408 = tpu.memref_slice %arg26[%dma_wait3A_406, %dma_wait3A_407] : memref<20x128xf32, #tpu.memory_space<vmem>> -> memref<16x128xf32, #tpu.memory_space<vmem>>
      %dma_wait3A_409 = arith.constant 0 : i32
      %dma_wait3A_410 = tpu.memref_slice %arg56[%add3A_157, %dma_wait3A_409] : memref<10240x128xf32, #tpu.memory_space<vmem_shared>> -> memref<16x128xf32, #tpu.memory_space<vmem_shared>>
      %dma_wait3A_411 = arith.constant 0 : i32
      %dma_wait3A_412 = tpu.memref_slice %arg56[%add3A_157, %dma_wait3A_411] : memref<10240x128xf32, #tpu.memory_space<vmem_shared>> -> memref<16x128xf32, #tpu.memory_space<vmem_shared>>
      %dma_wait3A_413 = arith.constant 0 : i32
      %dma_wait3A_414 = arith.constant 0 : i32
      %dma_wait3A_415 = tpu.memref_slice %arg26[%dma_wait3A_413, %dma_wait3A_414] : memref<20x128xf32, #tpu.memory_space<vmem>> -> memref<16x128xf32, #tpu.memory_space<vmem>>
      tpu.wait_dma2 semaphore(%run_scoped3A : memref<!tpu.dma_semaphore, #tpu.memory_space<semaphore_mem>>) src(%dma_wait3A_415 : memref<16x128xf32, #tpu.memory_space<vmem>>) dst(%dma_wait3A_412 : memref<16x128xf32, #tpu.memory_space<vmem_shared>>)
      tpu.yield
    }) : () -> ()
    %mul3A_158 = arith.constant 640 : i32
    %mul3A_159 = arith.muli %arg1, %mul3A_158 : i32
    %add3A_160 = arith.constant 608 : i32
    %add3A_161 = arith.addi %mul3A_159, %add3A_160 : i32
    "tpu.region"() ({
      %run_scoped3A = tpu.sem_alloc : memref<!tpu.dma_semaphore, #tpu.memory_space<semaphore_mem>>
      %dma_start3A_396 = arith.constant 0 : i32
      %dma_start3A_397 = arith.constant 0 : i32
      %dma_start3A_398 = tpu.memref_slice %arg26[%dma_start3A_396, %dma_start3A_397] : memref<20x128xf32, #tpu.memory_space<vmem>> -> memref<16x128xf32, #tpu.memory_space<vmem>>
      %dma_start3A_399 = arith.constant 0 : i32
      %dma_start3A_400 = tpu.memref_slice %arg56[%add3A_161, %dma_start3A_399] : memref<10240x128xf32, #tpu.memory_space<vmem_shared>> -> memref<16x128xf32, #tpu.memory_space<vmem_shared>>
      %dma_start3A_401 = arith.constant 0 : i32
      %dma_start3A_402 = tpu.memref_slice %arg56[%add3A_161, %dma_start3A_401] : memref<10240x128xf32, #tpu.memory_space<vmem_shared>> -> memref<16x128xf32, #tpu.memory_space<vmem_shared>>
      %dma_start3A_403 = arith.constant 0 : i32
      %dma_start3A_404 = arith.constant 0 : i32
      %dma_start3A_405 = tpu.memref_slice %arg26[%dma_start3A_403, %dma_start3A_404] : memref<20x128xf32, #tpu.memory_space<vmem>> -> memref<16x128xf32, #tpu.memory_space<vmem>>
      tpu.enqueue_dma source(%dma_start3A_405 : memref<16x128xf32, #tpu.memory_space<vmem>>) target(%dma_start3A_402 : memref<16x128xf32, #tpu.memory_space<vmem_shared>>) target_semaphore(%run_scoped3A : memref<!tpu.dma_semaphore, #tpu.memory_space<semaphore_mem>>)
      %dma_wait3A_406 = arith.constant 0 : i32
      %dma_wait3A_407 = arith.constant 0 : i32
      %dma_wait3A_408 = tpu.memref_slice %arg26[%dma_wait3A_406, %dma_wait3A_407] : memref<20x128xf32, #tpu.memory_space<vmem>> -> memref<16x128xf32, #tpu.memory_space<vmem>>
      %dma_wait3A_409 = arith.constant 0 : i32
      %dma_wait3A_410 = tpu.memref_slice %arg56[%add3A_161, %dma_wait3A_409] : memref<10240x128xf32, #tpu.memory_space<vmem_shared>> -> memref<16x128xf32, #tpu.memory_space<vmem_shared>>
      %dma_wait3A_411 = arith.constant 0 : i32
      %dma_wait3A_412 = tpu.memref_slice %arg56[%add3A_161, %dma_wait3A_411] : memref<10240x128xf32, #tpu.memory_space<vmem_shared>> -> memref<16x128xf32, #tpu.memory_space<vmem_shared>>
      %dma_wait3A_413 = arith.constant 0 : i32
      %dma_wait3A_414 = arith.constant 0 : i32
      %dma_wait3A_415 = tpu.memref_slice %arg26[%dma_wait3A_413, %dma_wait3A_414] : memref<20x128xf32, #tpu.memory_space<vmem>> -> memref<16x128xf32, #tpu.memory_space<vmem>>
      tpu.wait_dma2 semaphore(%run_scoped3A : memref<!tpu.dma_semaphore, #tpu.memory_space<semaphore_mem>>) src(%dma_wait3A_415 : memref<16x128xf32, #tpu.memory_space<vmem>>) dst(%dma_wait3A_412 : memref<16x128xf32, #tpu.memory_space<vmem_shared>>)
      tpu.yield
    }) : () -> ()
    %mul3A_162 = arith.constant 640 : i32
    %mul3A_163 = arith.muli %arg1, %mul3A_162 : i32
    %add3A_164 = arith.constant 624 : i32
    %add3A_165 = arith.addi %mul3A_163, %add3A_164 : i32
    "tpu.region"() ({
      %run_scoped3A = tpu.sem_alloc : memref<!tpu.dma_semaphore, #tpu.memory_space<semaphore_mem>>
      %dma_start3A_396 = arith.constant 0 : i32
      %dma_start3A_397 = arith.constant 0 : i32
      %dma_start3A_398 = tpu.memref_slice %arg26[%dma_start3A_396, %dma_start3A_397] : memref<20x128xf32, #tpu.memory_space<vmem>> -> memref<16x128xf32, #tpu.memory_space<vmem>>
      %dma_start3A_399 = arith.constant 0 : i32
      %dma_start3A_400 = tpu.memref_slice %arg56[%add3A_165, %dma_start3A_399] : memref<10240x128xf32, #tpu.memory_space<vmem_shared>> -> memref<16x128xf32, #tpu.memory_space<vmem_shared>>
      %dma_start3A_401 = arith.constant 0 : i32
      %dma_start3A_402 = tpu.memref_slice %arg56[%add3A_165, %dma_start3A_401] : memref<10240x128xf32, #tpu.memory_space<vmem_shared>> -> memref<16x128xf32, #tpu.memory_space<vmem_shared>>
      %dma_start3A_403 = arith.constant 0 : i32
      %dma_start3A_404 = arith.constant 0 : i32
      %dma_start3A_405 = tpu.memref_slice %arg26[%dma_start3A_403, %dma_start3A_404] : memref<20x128xf32, #tpu.memory_space<vmem>> -> memref<16x128xf32, #tpu.memory_space<vmem>>
      tpu.enqueue_dma source(%dma_start3A_405 : memref<16x128xf32, #tpu.memory_space<vmem>>) target(%dma_start3A_402 : memref<16x128xf32, #tpu.memory_space<vmem_shared>>) target_semaphore(%run_scoped3A : memref<!tpu.dma_semaphore, #tpu.memory_space<semaphore_mem>>)
      %dma_wait3A_406 = arith.constant 0 : i32
      %dma_wait3A_407 = arith.constant 0 : i32
      %dma_wait3A_408 = tpu.memref_slice %arg26[%dma_wait3A_406, %dma_wait3A_407] : memref<20x128xf32, #tpu.memory_space<vmem>> -> memref<16x128xf32, #tpu.memory_space<vmem>>
      %dma_wait3A_409 = arith.constant 0 : i32
      %dma_wait3A_410 = tpu.memref_slice %arg56[%add3A_165, %dma_wait3A_409] : memref<10240x128xf32, #tpu.memory_space<vmem_shared>> -> memref<16x128xf32, #tpu.memory_space<vmem_shared>>
      %dma_wait3A_411 = arith.constant 0 : i32
      %dma_wait3A_412 = tpu.memref_slice %arg56[%add3A_165, %dma_wait3A_411] : memref<10240x128xf32, #tpu.memory_space<vmem_shared>> -> memref<16x128xf32, #tpu.memory_space<vmem_shared>>
      %dma_wait3A_413 = arith.constant 0 : i32
      %dma_wait3A_414 = arith.constant 0 : i32
      %dma_wait3A_415 = tpu.memref_slice %arg26[%dma_wait3A_413, %dma_wait3A_414] : memref<20x128xf32, #tpu.memory_space<vmem>> -> memref<16x128xf32, #tpu.memory_space<vmem>>
      tpu.wait_dma2 semaphore(%run_scoped3A : memref<!tpu.dma_semaphore, #tpu.memory_space<semaphore_mem>>) src(%dma_wait3A_415 : memref<16x128xf32, #tpu.memory_space<vmem>>) dst(%dma_wait3A_412 : memref<16x128xf32, #tpu.memory_space<vmem_shared>>)
      tpu.yield
    }) : () -> ()
    %barrier3A = arith.constant 0 : index
    tpu.barrier barrier_id(%barrier3A)
    %iota3A = tpu.iota {dimensions = array<i32: 0>} : vector<16xi32>
    %add3A_166 = arith.constant 4 : i32
    %add3A_167 = vector.broadcast %add3A_166 : i32 to vector<16xi32>
    %add3A_168 = arith.addi %iota3A, %add3A_167 : vector<16xi32>
    %add3A_169 = arith.constant 0 : i32
    %add3A_170 = vector.broadcast %add3A_169 : i32 to vector<16xi32>
    %add3A_171 = arith.addi %add3A_170, %iota3A : vector<16xi32>
    %gather3A = tpu.vector_load_idx %arg5[%add3A_171] : memref<10000xi32, #tpu.memory_space<vmem>>[vector<16xi32>], vector<16xi32>,
    %and3A = arith.constant 65535 : i32
    %and3A_172 = vector.broadcast %and3A : i32 to vector<16xi32>
    %and3A_173 = arith.andi %gather3A, %and3A_172 : vector<16xi32>
    %swap3A = arith.constant 0 : index
    %swap3A_174 = tpu.vector_load %arg6[%swap3A] {strides = array<i32>} : memref<20xi32, #tpu.memory_space<vmem>>, vector<16xi32>,
    tpu.vector_store %arg6[%swap3A], %and3A_173 {strides = array<i32>} : memref<20xi32, #tpu.memory_space<vmem>>, vector<16xi32>,
    %shift_right_logical3A = arith.constant 16 : i32
    %shift_right_logical3A_175 = vector.broadcast %shift_right_logical3A : i32 to vector<16xi32>
    %shift_right_logical3A_176 = arith.shrui %gather3A, %shift_right_logical3A_175 : vector<16xi32>
    %swap3A_177 = arith.constant 0 : index
    %swap3A_178 = tpu.vector_load %arg16[%swap3A_177] {strides = array<i32>} : memref<20xi32, #tpu.memory_space<vmem>>, vector<16xi32>,
    tpu.vector_store %arg16[%swap3A_177], %shift_right_logical3A_176 {strides = array<i32>} : memref<20xi32, #tpu.memory_space<vmem>>, vector<16xi32>,
    %add3A_179 = arith.constant 0 : i32
    %add3A_180 = vector.broadcast %add3A_179 : i32 to vector<16xi32>
    %add3A_181 = arith.addi %add3A_180, %add3A_168 : vector<16xi32>
    %gather3A_182 = tpu.vector_load_idx %arg5[%add3A_181] : memref<10000xi32, #tpu.memory_space<vmem>>[vector<16xi32>], vector<16xi32>,
    %and3A_183 = arith.constant 65535 : i32
    %and3A_184 = vector.broadcast %and3A_183 : i32 to vector<16xi32>
    %and3A_185 = arith.andi %gather3A_182, %and3A_184 : vector<16xi32>
    tpu.vector_store_idx %arg6[%add3A_168], %and3A_185 : memref<20xi32, #tpu.memory_space<vmem>>[vector<16xi32>], vector<16xi32>,
    %shift_right_logical3A_186 = arith.constant 16 : i32
    %shift_right_logical3A_187 = vector.broadcast %shift_right_logical3A_186 : i32 to vector<16xi32>
    %shift_right_logical3A_188 = arith.shrui %gather3A_182, %shift_right_logical3A_187 : vector<16xi32>
    tpu.vector_store_idx %arg16[%add3A_168], %shift_right_logical3A_188 : memref<20xi32, #tpu.memory_space<vmem>>[vector<16xi32>], vector<16xi32>,
    %dma_start3A = arith.constant 0 : i32
    %dma_start3A_189 = arith.constant 0 : i32
    %dma_start3A_190 = tpu.memref_slice %arg2[%dma_start3A, %dma_start3A_189] : memref<10240x128xf32, #tpu.memory_space<hbm>> -> memref<10240x128xf32, #tpu.memory_space<hbm>>
    tpu.enqueue_indirect_dma source(%dma_start3A_190 : memref<10240x128xf32, #tpu.memory_space<hbm>>) target(%arg26 : memref<20x128xf32, #tpu.memory_space<vmem>>) offsets(%arg6 : memref<20xi32, #tpu.memory_space<vmem>>) semaphore(%arg36 : memref<!tpu.dma_semaphore, #tpu.memory_space<semaphore_mem>>)
    %add3A_191 = arith.constant 20 : i32
    %add3A_192 = vector.broadcast %add3A_191 : i32 to vector<16xi32>
    %add3A_193 = arith.addi %add3A_192, %iota3A : vector<16xi32>
    %gather3A_194 = tpu.vector_load_idx %arg5[%add3A_193] : memref<10000xi32, #tpu.memory_space<vmem>>[vector<16xi32>], vector<16xi32>,
    %and3A_195 = arith.constant 65535 : i32
    %and3A_196 = vector.broadcast %and3A_195 : i32 to vector<16xi32>
    %and3A_197 = arith.andi %gather3A_194, %and3A_196 : vector<16xi32>
    %swap3A_198 = arith.constant 0 : index
    %swap3A_199 = tpu.vector_load %arg7[%swap3A_198] {strides = array<i32>} : memref<20xi32, #tpu.memory_space<vmem>>, vector<16xi32>,
    tpu.vector_store %arg7[%swap3A_198], %and3A_197 {strides = array<i32>} : memref<20xi32, #tpu.memory_space<vmem>>, vector<16xi32>,
    %shift_right_logical3A_200 = arith.constant 16 : i32
    %shift_right_logical3A_201 = vector.broadcast %shift_right_logical3A_200 : i32 to vector<16xi32>
    %shift_right_logical3A_202 = arith.shrui %gather3A_194, %shift_right_logical3A_201 : vector<16xi32>
    %swap3A_203 = arith.constant 0 : index
    %swap3A_204 = tpu.vector_load %arg17[%swap3A_203] {strides = array<i32>} : memref<20xi32, #tpu.memory_space<vmem>>, vector<16xi32>,
    tpu.vector_store %arg17[%swap3A_203], %shift_right_logical3A_202 {strides = array<i32>} : memref<20xi32, #tpu.memory_space<vmem>>, vector<16xi32>,
    %add3A_205 = arith.constant 20 : i32
    %add3A_206 = vector.broadcast %add3A_205 : i32 to vector<16xi32>
    %add3A_207 = arith.addi %add3A_206, %add3A_168 : vector<16xi32>
    %gather3A_208 = tpu.vector_load_idx %arg5[%add3A_207] : memref<10000xi32, #tpu.memory_space<vmem>>[vector<16xi32>], vector<16xi32>,
    %and3A_209 = arith.constant 65535 : i32
    %and3A_210 = vector.broadcast %and3A_209 : i32 to vector<16xi32>
    %and3A_211 = arith.andi %gather3A_208, %and3A_210 : vector<16xi32>
    tpu.vector_store_idx %arg7[%add3A_168], %and3A_211 : memref<20xi32, #tpu.memory_space<vmem>>[vector<16xi32>], vector<16xi32>,
    %shift_right_logical3A_212 = arith.constant 16 : i32
    %shift_right_logical3A_213 = vector.broadcast %shift_right_logical3A_212 : i32 to vector<16xi32>
    %shift_right_logical3A_214 = arith.shrui %gather3A_208, %shift_right_logical3A_213 : vector<16xi32>
    tpu.vector_store_idx %arg17[%add3A_168], %shift_right_logical3A_214 : memref<20xi32, #tpu.memory_space<vmem>>[vector<16xi32>], vector<16xi32>,
    %dma_start3A_215 = arith.constant 0 : i32
    %dma_start3A_216 = arith.constant 0 : i32
    %dma_start3A_217 = tpu.memref_slice %arg2[%dma_start3A_215, %dma_start3A_216] : memref<10240x128xf32, #tpu.memory_space<hbm>> -> memref<10240x128xf32, #tpu.memory_space<hbm>>
    tpu.enqueue_indirect_dma source(%dma_start3A_217 : memref<10240x128xf32, #tpu.memory_space<hbm>>) target(%arg27 : memref<20x128xf32, #tpu.memory_space<vmem>>) offsets(%arg7 : memref<20xi32, #tpu.memory_space<vmem>>) semaphore(%arg37 : memref<!tpu.dma_semaphore, #tpu.memory_space<semaphore_mem>>)
    %add3A_218 = arith.constant 40 : i32
    %add3A_219 = vector.broadcast %add3A_218 : i32 to vector<16xi32>
    %add3A_220 = arith.addi %add3A_219, %iota3A : vector<16xi32>
    %gather3A_221 = tpu.vector_load_idx %arg5[%add3A_220] : memref<10000xi32, #tpu.memory_space<vmem>>[vector<16xi32>], vector<16xi32>,
    %and3A_222 = arith.constant 65535 : i32
    %and3A_223 = vector.broadcast %and3A_222 : i32 to vector<16xi32>
    %and3A_224 = arith.andi %gather3A_221, %and3A_223 : vector<16xi32>
    %swap3A_225 = arith.constant 0 : index
    %swap3A_226 = tpu.vector_load %arg8[%swap3A_225] {strides = array<i32>} : memref<20xi32, #tpu.memory_space<vmem>>, vector<16xi32>,
    tpu.vector_store %arg8[%swap3A_225], %and3A_224 {strides = array<i32>} : memref<20xi32, #tpu.memory_space<vmem>>, vector<16xi32>,
    %shift_right_logical3A_227 = arith.constant 16 : i32
    %shift_right_logical3A_228 = vector.broadcast %shift_right_logical3A_227 : i32 to vector<16xi32>
    %shift_right_logical3A_229 = arith.shrui %gather3A_221, %shift_right_logical3A_228 : vector<16xi32>
    %swap3A_230 = arith.constant 0 : index
    %swap3A_231 = tpu.vector_load %arg18[%swap3A_230] {strides = array<i32>} : memref<20xi32, #tpu.memory_space<vmem>>, vector<16xi32>,
    tpu.vector_store %arg18[%swap3A_230], %shift_right_logical3A_229 {strides = array<i32>} : memref<20xi32, #tpu.memory_space<vmem>>, vector<16xi32>,
    %add3A_232 = arith.constant 40 : i32
    %add3A_233 = vector.broadcast %add3A_232 : i32 to vector<16xi32>
    %add3A_234 = arith.addi %add3A_233, %add3A_168 : vector<16xi32>
    %gather3A_235 = tpu.vector_load_idx %arg5[%add3A_234] : memref<10000xi32, #tpu.memory_space<vmem>>[vector<16xi32>], vector<16xi32>,
    %and3A_236 = arith.constant 65535 : i32
    %and3A_237 = vector.broadcast %and3A_236 : i32 to vector<16xi32>
    %and3A_238 = arith.andi %gather3A_235, %and3A_237 : vector<16xi32>
    tpu.vector_store_idx %arg8[%add3A_168], %and3A_238 : memref<20xi32, #tpu.memory_space<vmem>>[vector<16xi32>], vector<16xi32>,
    %shift_right_logical3A_239 = arith.constant 16 : i32
    %shift_right_logical3A_240 = vector.broadcast %shift_right_logical3A_239 : i32 to vector<16xi32>
    %shift_right_logical3A_241 = arith.shrui %gather3A_235, %shift_right_logical3A_240 : vector<16xi32>
    tpu.vector_store_idx %arg18[%add3A_168], %shift_right_logical3A_241 : memref<20xi32, #tpu.memory_space<vmem>>[vector<16xi32>], vector<16xi32>,
    %dma_start3A_242 = arith.constant 0 : i32
    %dma_start3A_243 = arith.constant 0 : i32
    %dma_start3A_244 = tpu.memref_slice %arg2[%dma_start3A_242, %dma_start3A_243] : memref<10240x128xf32, #tpu.memory_space<hbm>> -> memref<10240x128xf32, #tpu.memory_space<hbm>>
    tpu.enqueue_indirect_dma source(%dma_start3A_244 : memref<10240x128xf32, #tpu.memory_space<hbm>>) target(%arg28 : memref<20x128xf32, #tpu.memory_space<vmem>>) offsets(%arg8 : memref<20xi32, #tpu.memory_space<vmem>>) semaphore(%arg38 : memref<!tpu.dma_semaphore, #tpu.memory_space<semaphore_mem>>)
    %add3A_245 = arith.constant 60 : i32
    %add3A_246 = vector.broadcast %add3A_245 : i32 to vector<16xi32>
    %add3A_247 = arith.addi %add3A_246, %iota3A : vector<16xi32>
    %gather3A_248 = tpu.vector_load_idx %arg5[%add3A_247] : memref<10000xi32, #tpu.memory_space<vmem>>[vector<16xi32>], vector<16xi32>,
    %and3A_249 = arith.constant 65535 : i32
    %and3A_250 = vector.broadcast %and3A_249 : i32 to vector<16xi32>
    %and3A_251 = arith.andi %gather3A_248, %and3A_250 : vector<16xi32>
    %swap3A_252 = arith.constant 0 : index
    %swap3A_253 = tpu.vector_load %arg9[%swap3A_252] {strides = array<i32>} : memref<20xi32, #tpu.memory_space<vmem>>, vector<16xi32>,
    tpu.vector_store %arg9[%swap3A_252], %and3A_251 {strides = array<i32>} : memref<20xi32, #tpu.memory_space<vmem>>, vector<16xi32>,
    %shift_right_logical3A_254 = arith.constant 16 : i32
    %shift_right_logical3A_255 = vector.broadcast %shift_right_logical3A_254 : i32 to vector<16xi32>
    %shift_right_logical3A_256 = arith.shrui %gather3A_248, %shift_right_logical3A_255 : vector<16xi32>
    %swap3A_257 = arith.constant 0 : index
    %swap3A_258 = tpu.vector_load %arg19[%swap3A_257] {strides = array<i32>} : memref<20xi32, #tpu.memory_space<vmem>>, vector<16xi32>,
    tpu.vector_store %arg19[%swap3A_257], %shift_right_logical3A_256 {strides = array<i32>} : memref<20xi32, #tpu.memory_space<vmem>>, vector<16xi32>,
    %add3A_259 = arith.constant 60 : i32
    %add3A_260 = vector.broadcast %add3A_259 : i32 to vector<16xi32>
    %add3A_261 = arith.addi %add3A_260, %add3A_168 : vector<16xi32>
    %gather3A_262 = tpu.vector_load_idx %arg5[%add3A_261] : memref<10000xi32, #tpu.memory_space<vmem>>[vector<16xi32>], vector<16xi32>,
    %and3A_263 = arith.constant 65535 : i32
    %and3A_264 = vector.broadcast %and3A_263 : i32 to vector<16xi32>
    %and3A_265 = arith.andi %gather3A_262, %and3A_264 : vector<16xi32>
    tpu.vector_store_idx %arg9[%add3A_168], %and3A_265 : memref<20xi32, #tpu.memory_space<vmem>>[vector<16xi32>], vector<16xi32>,
    %shift_right_logical3A_266 = arith.constant 16 : i32
    %shift_right_logical3A_267 = vector.broadcast %shift_right_logical3A_266 : i32 to vector<16xi32>
    %shift_right_logical3A_268 = arith.shrui %gather3A_262, %shift_right_logical3A_267 : vector<16xi32>
    tpu.vector_store_idx %arg19[%add3A_168], %shift_right_logical3A_268 : memref<20xi32, #tpu.memory_space<vmem>>[vector<16xi32>], vector<16xi32>,
    %dma_start3A_269 = arith.constant 0 : i32
    %dma_start3A_270 = arith.constant 0 : i32
    %dma_start3A_271 = tpu.memref_slice %arg2[%dma_start3A_269, %dma_start3A_270] : memref<10240x128xf32, #tpu.memory_space<hbm>> -> memref<10240x128xf32, #tpu.memory_space<hbm>>
    tpu.enqueue_indirect_dma source(%dma_start3A_271 : memref<10240x128xf32, #tpu.memory_space<hbm>>) target(%arg29 : memref<20x128xf32, #tpu.memory_space<vmem>>) offsets(%arg9 : memref<20xi32, #tpu.memory_space<vmem>>) semaphore(%arg39 : memref<!tpu.dma_semaphore, #tpu.memory_space<semaphore_mem>>)
    %add3A_272 = arith.constant 80 : i32
    %add3A_273 = vector.broadcast %add3A_272 : i32 to vector<16xi32>
    %add3A_274 = arith.addi %add3A_273, %iota3A : vector<16xi32>
    %gather3A_275 = tpu.vector_load_idx %arg5[%add3A_274] : memref<10000xi32, #tpu.memory_space<vmem>>[vector<16xi32>], vector<16xi32>,
    %and3A_276 = arith.constant 65535 : i32
    %and3A_277 = vector.broadcast %and3A_276 : i32 to vector<16xi32>
    %and3A_278 = arith.andi %gather3A_275, %and3A_277 : vector<16xi32>
    %swap3A_279 = arith.constant 0 : index
    %swap3A_280 = tpu.vector_load %arg10[%swap3A_279] {strides = array<i32>} : memref<20xi32, #tpu.memory_space<vmem>>, vector<16xi32>,
    tpu.vector_store %arg10[%swap3A_279], %and3A_278 {strides = array<i32>} : memref<20xi32, #tpu.memory_space<vmem>>, vector<16xi32>,
    %shift_right_logical3A_281 = arith.constant 16 : i32
    %shift_right_logical3A_282 = vector.broadcast %shift_right_logical3A_281 : i32 to vector<16xi32>
    %shift_right_logical3A_283 = arith.shrui %gather3A_275, %shift_right_logical3A_282 : vector<16xi32>
    %swap3A_284 = arith.constant 0 : index
    %swap3A_285 = tpu.vector_load %arg20[%swap3A_284] {strides = array<i32>} : memref<20xi32, #tpu.memory_space<vmem>>, vector<16xi32>,
    tpu.vector_store %arg20[%swap3A_284], %shift_right_logical3A_283 {strides = array<i32>} : memref<20xi32, #tpu.memory_space<vmem>>, vector<16xi32>,
    %add3A_286 = arith.constant 80 : i32
    %add3A_287 = vector.broadcast %add3A_286 : i32 to vector<16xi32>
    %add3A_288 = arith.addi %add3A_287, %add3A_168 : vector<16xi32>
    %gather3A_289 = tpu.vector_load_idx %arg5[%add3A_288] : memref<10000xi32, #tpu.memory_space<vmem>>[vector<16xi32>], vector<16xi32>,
    %and3A_290 = arith.constant 65535 : i32
    %and3A_291 = vector.broadcast %and3A_290 : i32 to vector<16xi32>
    %and3A_292 = arith.andi %gather3A_289, %and3A_291 : vector<16xi32>
    tpu.vector_store_idx %arg10[%add3A_168], %and3A_292 : memref<20xi32, #tpu.memory_space<vmem>>[vector<16xi32>], vector<16xi32>,
    %shift_right_logical3A_293 = arith.constant 16 : i32
    %shift_right_logical3A_294 = vector.broadcast %shift_right_logical3A_293 : i32 to vector<16xi32>
    %shift_right_logical3A_295 = arith.shrui %gather3A_289, %shift_right_logical3A_294 : vector<16xi32>
    tpu.vector_store_idx %arg20[%add3A_168], %shift_right_logical3A_295 : memref<20xi32, #tpu.memory_space<vmem>>[vector<16xi32>], vector<16xi32>,
    %dma_start3A_296 = arith.constant 0 : i32
    %dma_start3A_297 = arith.constant 0 : i32
    %dma_start3A_298 = tpu.memref_slice %arg2[%dma_start3A_296, %dma_start3A_297] : memref<10240x128xf32, #tpu.memory_space<hbm>> -> memref<10240x128xf32, #tpu.memory_space<hbm>>
    tpu.enqueue_indirect_dma source(%dma_start3A_298 : memref<10240x128xf32, #tpu.memory_space<hbm>>) target(%arg30 : memref<20x128xf32, #tpu.memory_space<vmem>>) offsets(%arg10 : memref<20xi32, #tpu.memory_space<vmem>>) semaphore(%arg40 : memref<!tpu.dma_semaphore, #tpu.memory_space<semaphore_mem>>)
    %add3A_299 = arith.constant 100 : i32
    %add3A_300 = vector.broadcast %add3A_299 : i32 to vector<16xi32>
    %add3A_301 = arith.addi %add3A_300, %iota3A : vector<16xi32>
    %gather3A_302 = tpu.vector_load_idx %arg5[%add3A_301] : memref<10000xi32, #tpu.memory_space<vmem>>[vector<16xi32>], vector<16xi32>,
    %and3A_303 = arith.constant 65535 : i32
    %and3A_304 = vector.broadcast %and3A_303 : i32 to vector<16xi32>
    %and3A_305 = arith.andi %gather3A_302, %and3A_304 : vector<16xi32>
    %swap3A_306 = arith.constant 0 : index
    %swap3A_307 = tpu.vector_load %arg11[%swap3A_306] {strides = array<i32>} : memref<20xi32, #tpu.memory_space<vmem>>, vector<16xi32>,
    tpu.vector_store %arg11[%swap3A_306], %and3A_305 {strides = array<i32>} : memref<20xi32, #tpu.memory_space<vmem>>, vector<16xi32>,
    %shift_right_logical3A_308 = arith.constant 16 : i32
    %shift_right_logical3A_309 = vector.broadcast %shift_right_logical3A_308 : i32 to vector<16xi32>
    %shift_right_logical3A_310 = arith.shrui %gather3A_302, %shift_right_logical3A_309 : vector<16xi32>
    %swap3A_311 = arith.constant 0 : index
    %swap3A_312 = tpu.vector_load %arg21[%swap3A_311] {strides = array<i32>} : memref<20xi32, #tpu.memory_space<vmem>>, vector<16xi32>,
    tpu.vector_store %arg21[%swap3A_311], %shift_right_logical3A_310 {strides = array<i32>} : memref<20xi32, #tpu.memory_space<vmem>>, vector<16xi32>,
    %add3A_313 = arith.constant 100 : i32
    %add3A_314 = vector.broadcast %add3A_313 : i32 to vector<16xi32>
    %add3A_315 = arith.addi %add3A_314, %add3A_168 : vector<16xi32>
    %gather3A_316 = tpu.vector_load_idx %arg5[%add3A_315] : memref<10000xi32, #tpu.memory_space<vmem>>[vector<16xi32>], vector<16xi32>,
    %and3A_317 = arith.constant 65535 : i32
    %and3A_318 = vector.broadcast %and3A_317 : i32 to vector<16xi32>
    %and3A_319 = arith.andi %gather3A_316, %and3A_318 : vector<16xi32>
    tpu.vector_store_idx %arg11[%add3A_168], %and3A_319 : memref<20xi32, #tpu.memory_space<vmem>>[vector<16xi32>], vector<16xi32>,
    %shift_right_logical3A_320 = arith.constant 16 : i32
    %shift_right_logical3A_321 = vector.broadcast %shift_right_logical3A_320 : i32 to vector<16xi32>
    %shift_right_logical3A_322 = arith.shrui %gather3A_316, %shift_right_logical3A_321 : vector<16xi32>
    tpu.vector_store_idx %arg21[%add3A_168], %shift_right_logical3A_322 : memref<20xi32, #tpu.memory_space<vmem>>[vector<16xi32>], vector<16xi32>,
    %dma_start3A_323 = arith.constant 0 : i32
    %dma_start3A_324 = arith.constant 0 : i32
    %dma_start3A_325 = tpu.memref_slice %arg2[%dma_start3A_323, %dma_start3A_324] : memref<10240x128xf32, #tpu.memory_space<hbm>> -> memref<10240x128xf32, #tpu.memory_space<hbm>>
    tpu.enqueue_indirect_dma source(%dma_start3A_325 : memref<10240x128xf32, #tpu.memory_space<hbm>>) target(%arg31 : memref<20x128xf32, #tpu.memory_space<vmem>>) offsets(%arg11 : memref<20xi32, #tpu.memory_space<vmem>>) semaphore(%arg41 : memref<!tpu.dma_semaphore, #tpu.memory_space<semaphore_mem>>)
    %add3A_326 = arith.constant 120 : i32
    %add3A_327 = vector.broadcast %add3A_326 : i32 to vector<16xi32>
    %add3A_328 = arith.addi %add3A_327, %iota3A : vector<16xi32>
    %gather3A_329 = tpu.vector_load_idx %arg5[%add3A_328] : memref<10000xi32, #tpu.memory_space<vmem>>[vector<16xi32>], vector<16xi32>,
    %and3A_330 = arith.constant 65535 : i32
    %and3A_331 = vector.broadcast %and3A_330 : i32 to vector<16xi32>
    %and3A_332 = arith.andi %gather3A_329, %and3A_331 : vector<16xi32>
    %swap3A_333 = arith.constant 0 : index
    %swap3A_334 = tpu.vector_load %arg12[%swap3A_333] {strides = array<i32>} : memref<20xi32, #tpu.memory_space<vmem>>, vector<16xi32>,
    tpu.vector_store %arg12[%swap3A_333], %and3A_332 {strides = array<i32>} : memref<20xi32, #tpu.memory_space<vmem>>, vector<16xi32>,
    %shift_right_logical3A_335 = arith.constant 16 : i32
    %shift_right_logical3A_336 = vector.broadcast %shift_right_logical3A_335 : i32 to vector<16xi32>
    %shift_right_logical3A_337 = arith.shrui %gather3A_329, %shift_right_logical3A_336 : vector<16xi32>
    %swap3A_338 = arith.constant 0 : index
    %swap3A_339 = tpu.vector_load %arg22[%swap3A_338] {strides = array<i32>} : memref<20xi32, #tpu.memory_space<vmem>>, vector<16xi32>,
    tpu.vector_store %arg22[%swap3A_338], %shift_right_logical3A_337 {strides = array<i32>} : memref<20xi32, #tpu.memory_space<vmem>>, vector<16xi32>,
    %add3A_340 = arith.constant 120 : i32
    %add3A_341 = vector.broadcast %add3A_340 : i32 to vector<16xi32>
    %add3A_342 = arith.addi %add3A_341, %add3A_168 : vector<16xi32>
    %gather3A_343 = tpu.vector_load_idx %arg5[%add3A_342] : memref<10000xi32, #tpu.memory_space<vmem>>[vector<16xi32>], vector<16xi32>,
    %and3A_344 = arith.constant 65535 : i32
    %and3A_345 = vector.broadcast %and3A_344 : i32 to vector<16xi32>
    %and3A_346 = arith.andi %gather3A_343, %and3A_345 : vector<16xi32>
    tpu.vector_store_idx %arg12[%add3A_168], %and3A_346 : memref<20xi32, #tpu.memory_space<vmem>>[vector<16xi32>], vector<16xi32>,
    %shift_right_logical3A_347 = arith.constant 16 : i32
    %shift_right_logical3A_348 = vector.broadcast %shift_right_logical3A_347 : i32 to vector<16xi32>
    %shift_right_logical3A_349 = arith.shrui %gather3A_343, %shift_right_logical3A_348 : vector<16xi32>
    tpu.vector_store_idx %arg22[%add3A_168], %shift_right_logical3A_349 : memref<20xi32, #tpu.memory_space<vmem>>[vector<16xi32>], vector<16xi32>,
    %dma_start3A_350 = arith.constant 0 : i32
    %dma_start3A_351 = arith.constant 0 : i32
    %dma_start3A_352 = tpu.memref_slice %arg2[%dma_start3A_350, %dma_start3A_351] : memref<10240x128xf32, #tpu.memory_space<hbm>> -> memref<10240x128xf32, #tpu.memory_space<hbm>>
    tpu.enqueue_indirect_dma source(%dma_start3A_352 : memref<10240x128xf32, #tpu.memory_space<hbm>>) target(%arg32 : memref<20x128xf32, #tpu.memory_space<vmem>>) offsets(%arg12 : memref<20xi32, #tpu.memory_space<vmem>>) semaphore(%arg42 : memref<!tpu.dma_semaphore, #tpu.memory_space<semaphore_mem>>)
    %add3A_353 = arith.constant 140 : i32
    %add3A_354 = vector.broadcast %add3A_353 : i32 to vector<16xi32>
    %add3A_355 = arith.addi %add3A_354, %iota3A : vector<16xi32>
    %gather3A_356 = tpu.vector_load_idx %arg5[%add3A_355] : memref<10000xi32, #tpu.memory_space<vmem>>[vector<16xi32>], vector<16xi32>,
    %and3A_357 = arith.constant 65535 : i32
    %and3A_358 = vector.broadcast %and3A_357 : i32 to vector<16xi32>
    %and3A_359 = arith.andi %gather3A_356, %and3A_358 : vector<16xi32>
    %swap3A_360 = arith.constant 0 : index
    %swap3A_361 = tpu.vector_load %arg13[%swap3A_360] {strides = array<i32>} : memref<20xi32, #tpu.memory_space<vmem>>, vector<16xi32>,
    tpu.vector_store %arg13[%swap3A_360], %and3A_359 {strides = array<i32>} : memref<20xi32, #tpu.memory_space<vmem>>, vector<16xi32>,
    %shift_right_logical3A_362 = arith.constant 16 : i32
    %shift_right_logical3A_363 = vector.broadcast %shift_right_logical3A_362 : i32 to vector<16xi32>
    %shift_right_logical3A_364 = arith.shrui %gather3A_356, %shift_right_logical3A_363 : vector<16xi32>
    %swap3A_365 = arith.constant 0 : index
    %swap3A_366 = tpu.vector_load %arg23[%swap3A_365] {strides = array<i32>} : memref<20xi32, #tpu.memory_space<vmem>>, vector<16xi32>,
    tpu.vector_store %arg23[%swap3A_365], %shift_right_logical3A_364 {strides = array<i32>} : memref<20xi32, #tpu.memory_space<vmem>>, vector<16xi32>,
    %add3A_367 = arith.constant 140 : i32
    %add3A_368 = vector.broadcast %add3A_367 : i32 to vector<16xi32>
    %add3A_369 = arith.addi %add3A_368, %add3A_168 : vector<16xi32>
    %gather3A_370 = tpu.vector_load_idx %arg5[%add3A_369] : memref<10000xi32, #tpu.memory_space<vmem>>[vector<16xi32>], vector<16xi32>,
    %and3A_371 = arith.constant 65535 : i32
    %and3A_372 = vector.broadcast %and3A_371 : i32 to vector<16xi32>
    %and3A_373 = arith.andi %gather3A_370, %and3A_372 : vector<16xi32>
    tpu.vector_store_idx %arg13[%add3A_168], %and3A_373 : memref<20xi32, #tpu.memory_space<vmem>>[vector<16xi32>], vector<16xi32>,
    %shift_right_logical3A_374 = arith.constant 16 : i32
    %shift_right_logical3A_375 = vector.broadcast %shift_right_logical3A_374 : i32 to vector<16xi32>
    %shift_right_logical3A_376 = arith.shrui %gather3A_370, %shift_right_logical3A_375 : vector<16xi32>
    tpu.vector_store_idx %arg23[%add3A_168], %shift_right_logical3A_376 : memref<20xi32, #tpu.memory_space<vmem>>[vector<16xi32>], vector<16xi32>,
    %dma_start3A_377 = arith.constant 0 : i32
    %dma_start3A_378 = arith.constant 0 : i32
    %dma_start3A_379 = tpu.memref_slice %arg2[%dma_start3A_377, %dma_start3A_378] : memref<10240x128xf32, #tpu.memory_space<hbm>> -> memref<10240x128xf32, #tpu.memory_space<hbm>>
    tpu.enqueue_indirect_dma source(%dma_start3A_379 : memref<10240x128xf32, #tpu.memory_space<hbm>>) target(%arg33 : memref<20x128xf32, #tpu.memory_space<vmem>>) offsets(%arg13 : memref<20xi32, #tpu.memory_space<vmem>>) semaphore(%arg43 : memref<!tpu.dma_semaphore, #tpu.memory_space<semaphore_mem>>)
    %scan3A_380 = arith.constant 0 : i32
    %scan3A_381 = arith.constant 0 : i32
    %scan3A_382 = arith.constant 50 : i32
    %scan3A_383 = arith.addi %scan3A_381, %scan3A_382 : i32
    %scan3A_384 = arith.constant 1 : i32
    scf.for %scan3A_396 = %scan3A_381 to %scan3A_383 step %scan3A_384  : i32 {
      %mul3A_397 = arith.constant 10 : i32
      %mul3A_398 = arith.muli %mul3A_397, %scan3A_396 : i32
      %add3A_399 = arith.constant 0 : i32
      %add3A_400 = arith.addi %mul3A_398, %add3A_399 : i32
      %dma_wait3A_401 = arith.constant 0 : i32
      %dma_wait3A_402 = arith.constant 0 : i32
      %dma_wait3A_403 = tpu.memref_slice %arg2[%dma_wait3A_401, %dma_wait3A_402] : memref<10240x128xf32, #tpu.memory_space<hbm>> -> memref<10240x128xf32, #tpu.memory_space<hbm>>
      tpu.wait_indirect_dma semaphore(%arg36 : memref<!tpu.dma_semaphore, #tpu.memory_space<semaphore_mem>>) src(%dma_wait3A_403 : memref<10240x128xf32, #tpu.memory_space<hbm>>) dst(%arg26 : memref<20x128xf32, #tpu.memory_space<vmem>>)
      %dma_start3A_404 = arith.constant 0 : i32
      %dma_start3A_405 = arith.constant 0 : i32
      %dma_start3A_406 = tpu.memref_slice %arg56[%dma_start3A_404, %dma_start3A_405] : memref<10240x128xf32, #tpu.memory_space<vmem_shared>> -> memref<10240x128xf32, #tpu.memory_space<vmem_shared>>
      tpu.enqueue_indirect_dma source(%arg26 : memref<20x128xf32, #tpu.memory_space<vmem>>) target(%dma_start3A_406 : memref<10240x128xf32, #tpu.memory_space<vmem_shared>>) offsets(%arg16 : memref<20xi32, #tpu.memory_space<vmem>>) semaphore(%arg46 : memref<!tpu.dma_semaphore, #tpu.memory_space<semaphore_mem>>) {add = true}
      %gt3A = arith.constant 0 : i32
      %gt3A_407 = arith.cmpi sgt, %scan3A_396, %gt3A : i32
      %convert_element_type3A = arith.extui %gt3A_407 : i1 to i32
      %cond3A = arith.constant 0 : i32
      %cond3A_408 = arith.cmpi ne, %convert_element_type3A, %cond3A : i32
      scf.if %cond3A_408 {
        %dma_wait3A_629 = arith.constant 0 : i32
        %dma_wait3A_630 = arith.constant 0 : i32
        %dma_wait3A_631 = tpu.memref_slice %arg56[%dma_wait3A_629, %dma_wait3A_630] : memref<10240x128xf32, #tpu.memory_space<vmem_shared>> -> memref<10240x128xf32, #tpu.memory_space<vmem_shared>>
        tpu.wait_indirect_dma semaphore(%arg54 : memref<!tpu.dma_semaphore, #tpu.memory_space<semaphore_mem>>) src(%arg34 : memref<20x128xf32, #tpu.memory_space<vmem>>) dst(%dma_wait3A_631 : memref<10240x128xf32, #tpu.memory_space<vmem_shared>>)
      } else {
      }
      %add3A_409 = arith.constant 8 : i32
      %add3A_410 = arith.addi %add3A_400, %add3A_409 : i32
      %mul3A_411 = arith.constant 20 : i32
      %mul3A_412 = arith.muli %add3A_410, %mul3A_411 : i32
      %add3A_413 = arith.constant 0 : i32
      %add3A_414 = arith.addi %mul3A_412, %add3A_413 : i32
      %add3A_415 = vector.broadcast %add3A_414 : i32 to vector<16xi32>
      %add3A_416 = arith.addi %add3A_415, %iota3A : vector<16xi32>
      %gather3A_417 = tpu.vector_load_idx %arg5[%add3A_416] : memref<10000xi32, #tpu.memory_space<vmem>>[vector<16xi32>], vector<16xi32>,
      %and3A_418 = arith.constant 65535 : i32
      %and3A_419 = vector.broadcast %and3A_418 : i32 to vector<16xi32>
      %and3A_420 = arith.andi %gather3A_417, %and3A_419 : vector<16xi32>
      %swap3A_421 = arith.constant 0 : index
      %swap3A_422 = tpu.vector_load %arg14[%swap3A_421] {strides = array<i32>} : memref<20xi32, #tpu.memory_space<vmem>>, vector<16xi32>,
      tpu.vector_store %arg14[%swap3A_421], %and3A_420 {strides = array<i32>} : memref<20xi32, #tpu.memory_space<vmem>>, vector<16xi32>,
      %shift_right_logical3A_423 = arith.constant 16 : i32
      %shift_right_logical3A_424 = vector.broadcast %shift_right_logical3A_423 : i32 to vector<16xi32>
      %shift_right_logical3A_425 = arith.shrui %gather3A_417, %shift_right_logical3A_424 : vector<16xi32>
      %swap3A_426 = arith.constant 0 : index
      %swap3A_427 = tpu.vector_load %arg24[%swap3A_426] {strides = array<i32>} : memref<20xi32, #tpu.memory_space<vmem>>, vector<16xi32>,
      tpu.vector_store %arg24[%swap3A_426], %shift_right_logical3A_425 {strides = array<i32>} : memref<20xi32, #tpu.memory_space<vmem>>, vector<16xi32>,
      %add3A_428 = vector.broadcast %mul3A_412 : i32 to vector<16xi32>
      %add3A_429 = arith.addi %add3A_428, %add3A_168 : vector<16xi32>
      %gather3A_430 = tpu.vector_load_idx %arg5[%add3A_429] : memref<10000xi32, #tpu.memory_space<vmem>>[vector<16xi32>], vector<16xi32>,
      %and3A_431 = arith.constant 65535 : i32
      %and3A_432 = vector.broadcast %and3A_431 : i32 to vector<16xi32>
      %and3A_433 = arith.andi %gather3A_430, %and3A_432 : vector<16xi32>
      tpu.vector_store_idx %arg14[%add3A_168], %and3A_433 : memref<20xi32, #tpu.memory_space<vmem>>[vector<16xi32>], vector<16xi32>,
      %shift_right_logical3A_434 = arith.constant 16 : i32
      %shift_right_logical3A_435 = vector.broadcast %shift_right_logical3A_434 : i32 to vector<16xi32>
      %shift_right_logical3A_436 = arith.shrui %gather3A_430, %shift_right_logical3A_435 : vector<16xi32>
      tpu.vector_store_idx %arg24[%add3A_168], %shift_right_logical3A_436 : memref<20xi32, #tpu.memory_space<vmem>>[vector<16xi32>], vector<16xi32>,
      %dma_start3A_437 = arith.constant 0 : i32
      %dma_start3A_438 = arith.constant 0 : i32
      %dma_start3A_439 = tpu.memref_slice %arg2[%dma_start3A_437, %dma_start3A_438] : memref<10240x128xf32, #tpu.memory_space<hbm>> -> memref<10240x128xf32, #tpu.memory_space<hbm>>
      tpu.enqueue_indirect_dma source(%dma_start3A_439 : memref<10240x128xf32, #tpu.memory_space<hbm>>) target(%arg34 : memref<20x128xf32, #tpu.memory_space<vmem>>) offsets(%arg14 : memref<20xi32, #tpu.memory_space<vmem>>) semaphore(%arg44 : memref<!tpu.dma_semaphore, #tpu.memory_space<semaphore_mem>>)
      %mul3A_440 = arith.constant 10 : i32
      %mul3A_441 = arith.muli %mul3A_440, %scan3A_396 : i32
      %add3A_442 = arith.constant 1 : i32
      %add3A_443 = arith.addi %mul3A_441, %add3A_442 : i32
      %dma_wait3A_444 = arith.constant 0 : i32
      %dma_wait3A_445 = arith.constant 0 : i32
      %dma_wait3A_446 = tpu.memref_slice %arg2[%dma_wait3A_444, %dma_wait3A_445] : memref<10240x128xf32, #tpu.memory_space<hbm>> -> memref<10240x128xf32, #tpu.memory_space<hbm>>
      tpu.wait_indirect_dma semaphore(%arg37 : memref<!tpu.dma_semaphore, #tpu.memory_space<semaphore_mem>>) src(%dma_wait3A_446 : memref<10240x128xf32, #tpu.memory_space<hbm>>) dst(%arg27 : memref<20x128xf32, #tpu.memory_space<vmem>>)
      %dma_start3A_447 = arith.constant 0 : i32
      %dma_start3A_448 = arith.constant 0 : i32
      %dma_start3A_449 = tpu.memref_slice %arg56[%dma_start3A_447, %dma_start3A_448] : memref<10240x128xf32, #tpu.memory_space<vmem_shared>> -> memref<10240x128xf32, #tpu.memory_space<vmem_shared>>
      tpu.enqueue_indirect_dma source(%arg27 : memref<20x128xf32, #tpu.memory_space<vmem>>) target(%dma_start3A_449 : memref<10240x128xf32, #tpu.memory_space<vmem_shared>>) offsets(%arg17 : memref<20xi32, #tpu.memory_space<vmem>>) semaphore(%arg47 : memref<!tpu.dma_semaphore, #tpu.memory_space<semaphore_mem>>) {add = true}
      %gt3A_450 = arith.constant 0 : i32
      %gt3A_451 = arith.cmpi sgt, %scan3A_396, %gt3A_450 : i32
      %convert_element_type3A_452 = arith.extui %gt3A_451 : i1 to i32
      %cond3A_453 = arith.constant 0 : i32
      %cond3A_454 = arith.cmpi ne, %convert_element_type3A_452, %cond3A_453 : i32
      scf.if %cond3A_454 {
        %dma_wait3A_629 = arith.constant 0 : i32
        %dma_wait3A_630 = arith.constant 0 : i32
        %dma_wait3A_631 = tpu.memref_slice %arg56[%dma_wait3A_629, %dma_wait3A_630] : memref<10240x128xf32, #tpu.memory_space<vmem_shared>> -> memref<10240x128xf32, #tpu.memory_space<vmem_shared>>
        tpu.wait_indirect_dma semaphore(%arg55 : memref<!tpu.dma_semaphore, #tpu.memory_space<semaphore_mem>>) src(%arg35 : memref<20x128xf32, #tpu.memory_space<vmem>>) dst(%dma_wait3A_631 : memref<10240x128xf32, #tpu.memory_space<vmem_shared>>)
      } else {
      }
      %add3A_455 = arith.constant 8 : i32
      %add3A_456 = arith.addi %add3A_443, %add3A_455 : i32
      %mul3A_457 = arith.constant 20 : i32
      %mul3A_458 = arith.muli %add3A_456, %mul3A_457 : i32
      %add3A_459 = arith.constant 0 : i32
      %add3A_460 = arith.addi %mul3A_458, %add3A_459 : i32
      %add3A_461 = vector.broadcast %add3A_460 : i32 to vector<16xi32>
      %add3A_462 = arith.addi %add3A_461, %iota3A : vector<16xi32>
      %gather3A_463 = tpu.vector_load_idx %arg5[%add3A_462] : memref<10000xi32, #tpu.memory_space<vmem>>[vector<16xi32>], vector<16xi32>,
      %and3A_464 = arith.constant 65535 : i32
      %and3A_465 = vector.broadcast %and3A_464 : i32 to vector<16xi32>
      %and3A_466 = arith.andi %gather3A_463, %and3A_465 : vector<16xi32>
      %swap3A_467 = arith.constant 0 : index
      %swap3A_468 = tpu.vector_load %arg15[%swap3A_467] {strides = array<i32>} : memref<20xi32, #tpu.memory_space<vmem>>, vector<16xi32>,
      tpu.vector_store %arg15[%swap3A_467], %and3A_466 {strides = array<i32>} : memref<20xi32, #tpu.memory_space<vmem>>, vector<16xi32>,
      %shift_right_logical3A_469 = arith.constant 16 : i32
      %shift_right_logical3A_470 = vector.broadcast %shift_right_logical3A_469 : i32 to vector<16xi32>
      %shift_right_logical3A_471 = arith.shrui %gather3A_463, %shift_right_logical3A_470 : vector<16xi32>
      %swap3A_472 = arith.constant 0 : index
      %swap3A_473 = tpu.vector_load %arg25[%swap3A_472] {strides = array<i32>} : memref<20xi32, #tpu.memory_space<vmem>>, vector<16xi32>,
      tpu.vector_store %arg25[%swap3A_472], %shift_right_logical3A_471 {strides = array<i32>} : memref<20xi32, #tpu.memory_space<vmem>>, vector<16xi32>,
      %add3A_474 = vector.broadcast %mul3A_458 : i32 to vector<16xi32>
      %add3A_475 = arith.addi %add3A_474, %add3A_168 : vector<16xi32>
      %gather3A_476 = tpu.vector_load_idx %arg5[%add3A_475] : memref<10000xi32, #tpu.memory_space<vmem>>[vector<16xi32>], vector<16xi32>,
      %and3A_477 = arith.constant 65535 : i32
      %and3A_478 = vector.broadcast %and3A_477 : i32 to vector<16xi32>
      %and3A_479 = arith.andi %gather3A_476, %and3A_478 : vector<16xi32>
      tpu.vector_store_idx %arg15[%add3A_168], %and3A_479 : memref<20xi32, #tpu.memory_space<vmem>>[vector<16xi32>], vector<16xi32>,
      %shift_right_logical3A_480 = arith.constant 16 : i32
      %shift_right_logical3A_481 = vector.broadcast %shift_right_logical3A_480 : i32 to vector<16xi32>
      %shift_right_logical3A_482 = arith.shrui %gather3A_476, %shift_right_logical3A_481 : vector<16xi32>
      tpu.vector_store_idx %arg25[%add3A_168], %shift_right_logical3A_482 : memref<20xi32, #tpu.memory_space<vmem>>[vector<16xi32>], vector<16xi32>,
      %dma_start3A_483 = arith.constant 0 : i32
      %dma_start3A_484 = arith.constant 0 : i32
      %dma_start3A_485 = tpu.memref_slice %arg2[%dma_start3A_483, %dma_start3A_484] : memref<10240x128xf32, #tpu.memory_space<hbm>> -> memref<10240x128xf32, #tpu.memory_space<hbm>>
      tpu.enqueue_indirect_dma source(%dma_start3A_485 : memref<10240x128xf32, #tpu.memory_space<hbm>>) target(%arg35 : memref<20x128xf32, #tpu.memory_space<vmem>>) offsets(%arg15 : memref<20xi32, #tpu.memory_space<vmem>>) semaphore(%arg45 : memref<!tpu.dma_semaphore, #tpu.memory_space<semaphore_mem>>)
      %mul3A_486 = arith.constant 10 : i32
      %mul3A_487 = arith.muli %mul3A_486, %scan3A_396 : i32
      %add3A_488 = arith.constant 2 : i32
      %add3A_489 = arith.addi %mul3A_487, %add3A_488 : i32
      %dma_wait3A_490 = arith.constant 0 : i32
      %dma_wait3A_491 = arith.constant 0 : i32
      %dma_wait3A_492 = tpu.memref_slice %arg2[%dma_wait3A_490, %dma_wait3A_491] : memref<10240x128xf32, #tpu.memory_space<hbm>> -> memref<10240x128xf32, #tpu.memory_space<hbm>>
      tpu.wait_indirect_dma semaphore(%arg38 : memref<!tpu.dma_semaphore, #tpu.memory_space<semaphore_mem>>) src(%dma_wait3A_492 : memref<10240x128xf32, #tpu.memory_space<hbm>>) dst(%arg28 : memref<20x128xf32, #tpu.memory_space<vmem>>)
      %dma_start3A_493 = arith.constant 0 : i32
      %dma_start3A_494 = arith.constant 0 : i32
      %dma_start3A_495 = tpu.memref_slice %arg56[%dma_start3A_493, %dma_start3A_494] : memref<10240x128xf32, #tpu.memory_space<vmem_shared>> -> memref<10240x128xf32, #tpu.memory_space<vmem_shared>>
      tpu.enqueue_indirect_dma source(%arg28 : memref<20x128xf32, #tpu.memory_space<vmem>>) target(%dma_start3A_495 : memref<10240x128xf32, #tpu.memory_space<vmem_shared>>) offsets(%arg18 : memref<20xi32, #tpu.memory_space<vmem>>) semaphore(%arg48 : memref<!tpu.dma_semaphore, #tpu.memory_space<semaphore_mem>>) {add = true}
      %dma_wait3A_496 = arith.constant 0 : i32
      %dma_wait3A_497 = arith.constant 0 : i32
      %dma_wait3A_498 = tpu.memref_slice %arg56[%dma_wait3A_496, %dma_wait3A_497] : memref<10240x128xf32, #tpu.memory_space<vmem_shared>> -> memref<10240x128xf32, #tpu.memory_space<vmem_shared>>
      tpu.wait_indirect_dma semaphore(%arg46 : memref<!tpu.dma_semaphore, #tpu.memory_space<semaphore_mem>>) src(%arg26 : memref<20x128xf32, #tpu.memory_space<vmem>>) dst(%dma_wait3A_498 : memref<10240x128xf32, #tpu.memory_space<vmem_shared>>)
      %lt3A = arith.constant 49 : i32
      %lt3A_499 = arith.cmpi slt, %scan3A_396, %lt3A : i32
      %convert_element_type3A_500 = arith.extui %lt3A_499 : i1 to i32
      %cond3A_501 = arith.constant 0 : i32
      %cond3A_502 = arith.cmpi ne, %convert_element_type3A_500, %cond3A_501 : i32
      scf.if %cond3A_502 {
        %add3A_629 = arith.constant 8 : i32
        %add3A_630 = arith.addi %add3A_489, %add3A_629 : i32
        %mul3A_631 = arith.constant 20 : i32
        %mul3A_632 = arith.muli %add3A_630, %mul3A_631 : i32
        %add3A_633 = arith.constant 0 : i32
        %add3A_634 = arith.addi %mul3A_632, %add3A_633 : i32
        %add3A_635 = vector.broadcast %add3A_634 : i32 to vector<16xi32>
        %add3A_636 = arith.addi %add3A_635, %iota3A : vector<16xi32>
        %gather3A_637 = tpu.vector_load_idx %arg5[%add3A_636] : memref<10000xi32, #tpu.memory_space<vmem>>[vector<16xi32>], vector<16xi32>,
        %and3A_638 = arith.constant 65535 : i32
        %and3A_639 = vector.broadcast %and3A_638 : i32 to vector<16xi32>
        %and3A_640 = arith.andi %gather3A_637, %and3A_639 : vector<16xi32>
        %swap3A_641 = arith.constant 0 : index
        %swap3A_642 = tpu.vector_load %arg6[%swap3A_641] {strides = array<i32>} : memref<20xi32, #tpu.memory_space<vmem>>, vector<16xi32>,
        tpu.vector_store %arg6[%swap3A_641], %and3A_640 {strides = array<i32>} : memref<20xi32, #tpu.memory_space<vmem>>, vector<16xi32>,
        %shift_right_logical3A_643 = arith.constant 16 : i32
        %shift_right_logical3A_644 = vector.broadcast %shift_right_logical3A_643 : i32 to vector<16xi32>
        %shift_right_logical3A_645 = arith.shrui %gather3A_637, %shift_right_logical3A_644 : vector<16xi32>
        %swap3A_646 = arith.constant 0 : index
        %swap3A_647 = tpu.vector_load %arg16[%swap3A_646] {strides = array<i32>} : memref<20xi32, #tpu.memory_space<vmem>>, vector<16xi32>,
        tpu.vector_store %arg16[%swap3A_646], %shift_right_logical3A_645 {strides = array<i32>} : memref<20xi32, #tpu.memory_space<vmem>>, vector<16xi32>,
        %add3A_648 = vector.broadcast %mul3A_632 : i32 to vector<16xi32>
        %add3A_649 = arith.addi %add3A_648, %add3A_168 : vector<16xi32>
        %gather3A_650 = tpu.vector_load_idx %arg5[%add3A_649] : memref<10000xi32, #tpu.memory_space<vmem>>[vector<16xi32>], vector<16xi32>,
        %and3A_651 = arith.constant 65535 : i32
        %and3A_652 = vector.broadcast %and3A_651 : i32 to vector<16xi32>
        %and3A_653 = arith.andi %gather3A_650, %and3A_652 : vector<16xi32>
        tpu.vector_store_idx %arg6[%add3A_168], %and3A_653 : memref<20xi32, #tpu.memory_space<vmem>>[vector<16xi32>], vector<16xi32>,
        %shift_right_logical3A_654 = arith.constant 16 : i32
        %shift_right_logical3A_655 = vector.broadcast %shift_right_logical3A_654 : i32 to vector<16xi32>
        %shift_right_logical3A_656 = arith.shrui %gather3A_650, %shift_right_logical3A_655 : vector<16xi32>
        tpu.vector_store_idx %arg16[%add3A_168], %shift_right_logical3A_656 : memref<20xi32, #tpu.memory_space<vmem>>[vector<16xi32>], vector<16xi32>,
        %dma_start3A_657 = arith.constant 0 : i32
        %dma_start3A_658 = arith.constant 0 : i32
        %dma_start3A_659 = tpu.memref_slice %arg2[%dma_start3A_657, %dma_start3A_658] : memref<10240x128xf32, #tpu.memory_space<hbm>> -> memref<10240x128xf32, #tpu.memory_space<hbm>>
        tpu.enqueue_indirect_dma source(%dma_start3A_659 : memref<10240x128xf32, #tpu.memory_space<hbm>>) target(%arg26 : memref<20x128xf32, #tpu.memory_space<vmem>>) offsets(%arg6 : memref<20xi32, #tpu.memory_space<vmem>>) semaphore(%arg36 : memref<!tpu.dma_semaphore, #tpu.memory_space<semaphore_mem>>)
      } else {
      }
      %mul3A_503 = arith.constant 10 : i32
      %mul3A_504 = arith.muli %mul3A_503, %scan3A_396 : i32
      %add3A_505 = arith.constant 3 : i32
      %add3A_506 = arith.addi %mul3A_504, %add3A_505 : i32
      %dma_wait3A_507 = arith.constant 0 : i32
      %dma_wait3A_508 = arith.constant 0 : i32
      %dma_wait3A_509 = tpu.memref_slice %arg2[%dma_wait3A_507, %dma_wait3A_508] : memref<10240x128xf32, #tpu.memory_space<hbm>> -> memref<10240x128xf32, #tpu.memory_space<hbm>>
      tpu.wait_indirect_dma semaphore(%arg39 : memref<!tpu.dma_semaphore, #tpu.memory_space<semaphore_mem>>) src(%dma_wait3A_509 : memref<10240x128xf32, #tpu.memory_space<hbm>>) dst(%arg29 : memref<20x128xf32, #tpu.memory_space<vmem>>)
      %dma_start3A_510 = arith.constant 0 : i32
      %dma_start3A_511 = arith.constant 0 : i32
      %dma_start3A_512 = tpu.memref_slice %arg56[%dma_start3A_510, %dma_start3A_511] : memref<10240x128xf32, #tpu.memory_space<vmem_shared>> -> memref<10240x128xf32, #tpu.memory_space<vmem_shared>>
      tpu.enqueue_indirect_dma source(%arg29 : memref<20x128xf32, #tpu.memory_space<vmem>>) target(%dma_start3A_512 : memref<10240x128xf32, #tpu.memory_space<vmem_shared>>) offsets(%arg19 : memref<20xi32, #tpu.memory_space<vmem>>) semaphore(%arg49 : memref<!tpu.dma_semaphore, #tpu.memory_space<semaphore_mem>>) {add = true}
      %dma_wait3A_513 = arith.constant 0 : i32
      %dma_wait3A_514 = arith.constant 0 : i32
      %dma_wait3A_515 = tpu.memref_slice %arg56[%dma_wait3A_513, %dma_wait3A_514] : memref<10240x128xf32, #tpu.memory_space<vmem_shared>> -> memref<10240x128xf32, #tpu.memory_space<vmem_shared>>
      tpu.wait_indirect_dma semaphore(%arg47 : memref<!tpu.dma_semaphore, #tpu.memory_space<semaphore_mem>>) src(%arg27 : memref<20x128xf32, #tpu.memory_space<vmem>>) dst(%dma_wait3A_515 : memref<10240x128xf32, #tpu.memory_space<vmem_shared>>)
      %lt3A_516 = arith.constant 49 : i32
      %lt3A_517 = arith.cmpi slt, %scan3A_396, %lt3A_516 : i32
      %convert_element_type3A_518 = arith.extui %lt3A_517 : i1 to i32
      %cond3A_519 = arith.constant 0 : i32
      %cond3A_520 = arith.cmpi ne, %convert_element_type3A_518, %cond3A_519 : i32
      scf.if %cond3A_520 {
        %add3A_629 = arith.constant 8 : i32
        %add3A_630 = arith.addi %add3A_506, %add3A_629 : i32
        %mul3A_631 = arith.constant 20 : i32
        %mul3A_632 = arith.muli %add3A_630, %mul3A_631 : i32
        %add3A_633 = arith.constant 0 : i32
        %add3A_634 = arith.addi %mul3A_632, %add3A_633 : i32
        %add3A_635 = vector.broadcast %add3A_634 : i32 to vector<16xi32>
        %add3A_636 = arith.addi %add3A_635, %iota3A : vector<16xi32>
        %gather3A_637 = tpu.vector_load_idx %arg5[%add3A_636] : memref<10000xi32, #tpu.memory_space<vmem>>[vector<16xi32>], vector<16xi32>,
        %and3A_638 = arith.constant 65535 : i32
        %and3A_639 = vector.broadcast %and3A_638 : i32 to vector<16xi32>
        %and3A_640 = arith.andi %gather3A_637, %and3A_639 : vector<16xi32>
        %swap3A_641 = arith.constant 0 : index
        %swap3A_642 = tpu.vector_load %arg7[%swap3A_641] {strides = array<i32>} : memref<20xi32, #tpu.memory_space<vmem>>, vector<16xi32>,
        tpu.vector_store %arg7[%swap3A_641], %and3A_640 {strides = array<i32>} : memref<20xi32, #tpu.memory_space<vmem>>, vector<16xi32>,
        %shift_right_logical3A_643 = arith.constant 16 : i32
        %shift_right_logical3A_644 = vector.broadcast %shift_right_logical3A_643 : i32 to vector<16xi32>
        %shift_right_logical3A_645 = arith.shrui %gather3A_637, %shift_right_logical3A_644 : vector<16xi32>
        %swap3A_646 = arith.constant 0 : index
        %swap3A_647 = tpu.vector_load %arg17[%swap3A_646] {strides = array<i32>} : memref<20xi32, #tpu.memory_space<vmem>>, vector<16xi32>,
        tpu.vector_store %arg17[%swap3A_646], %shift_right_logical3A_645 {strides = array<i32>} : memref<20xi32, #tpu.memory_space<vmem>>, vector<16xi32>,
        %add3A_648 = vector.broadcast %mul3A_632 : i32 to vector<16xi32>
        %add3A_649 = arith.addi %add3A_648, %add3A_168 : vector<16xi32>
        %gather3A_650 = tpu.vector_load_idx %arg5[%add3A_649] : memref<10000xi32, #tpu.memory_space<vmem>>[vector<16xi32>], vector<16xi32>,
        %and3A_651 = arith.constant 65535 : i32
        %and3A_652 = vector.broadcast %and3A_651 : i32 to vector<16xi32>
        %and3A_653 = arith.andi %gather3A_650, %and3A_652 : vector<16xi32>
        tpu.vector_store_idx %arg7[%add3A_168], %and3A_653 : memref<20xi32, #tpu.memory_space<vmem>>[vector<16xi32>], vector<16xi32>,
        %shift_right_logical3A_654 = arith.constant 16 : i32
        %shift_right_logical3A_655 = vector.broadcast %shift_right_logical3A_654 : i32 to vector<16xi32>
        %shift_right_logical3A_656 = arith.shrui %gather3A_650, %shift_right_logical3A_655 : vector<16xi32>
        tpu.vector_store_idx %arg17[%add3A_168], %shift_right_logical3A_656 : memref<20xi32, #tpu.memory_space<vmem>>[vector<16xi32>], vector<16xi32>,
        %dma_start3A_657 = arith.constant 0 : i32
        %dma_start3A_658 = arith.constant 0 : i32
        %dma_start3A_659 = tpu.memref_slice %arg2[%dma_start3A_657, %dma_start3A_658] : memref<10240x128xf32, #tpu.memory_space<hbm>> -> memref<10240x128xf32, #tpu.memory_space<hbm>>
        tpu.enqueue_indirect_dma source(%dma_start3A_659 : memref<10240x128xf32, #tpu.memory_space<hbm>>) target(%arg27 : memref<20x128xf32, #tpu.memory_space<vmem>>) offsets(%arg7 : memref<20xi32, #tpu.memory_space<vmem>>) semaphore(%arg37 : memref<!tpu.dma_semaphore, #tpu.memory_space<semaphore_mem>>)
      } else {
      }
      %mul3A_521 = arith.constant 10 : i32
      %mul3A_522 = arith.muli %mul3A_521, %scan3A_396 : i32
      %add3A_523 = arith.constant 4 : i32
      %add3A_524 = arith.addi %mul3A_522, %add3A_523 : i32
      %dma_wait3A_525 = arith.constant 0 : i32
      %dma_wait3A_526 = arith.constant 0 : i32
      %dma_wait3A_527 = tpu.memref_slice %arg2[%dma_wait3A_525, %dma_wait3A_526] : memref<10240x128xf32, #tpu.memory_space<hbm>> -> memref<10240x128xf32, #tpu.memory_space<hbm>>
      tpu.wait_indirect_dma semaphore(%arg40 : memref<!tpu.dma_semaphore, #tpu.memory_space<semaphore_mem>>) src(%dma_wait3A_527 : memref<10240x128xf32, #tpu.memory_space<hbm>>) dst(%arg30 : memref<20x128xf32, #tpu.memory_space<vmem>>)
      %dma_start3A_528 = arith.constant 0 : i32
      %dma_start3A_529 = arith.constant 0 : i32
      %dma_start3A_530 = tpu.memref_slice %arg56[%dma_start3A_528, %dma_start3A_529] : memref<10240x128xf32, #tpu.memory_space<vmem_shared>> -> memref<10240x128xf32, #tpu.memory_space<vmem_shared>>
      tpu.enqueue_indirect_dma source(%arg30 : memref<20x128xf32, #tpu.memory_space<vmem>>) target(%dma_start3A_530 : memref<10240x128xf32, #tpu.memory_space<vmem_shared>>) offsets(%arg20 : memref<20xi32, #tpu.memory_space<vmem>>) semaphore(%arg50 : memref<!tpu.dma_semaphore, #tpu.memory_space<semaphore_mem>>) {add = true}
      %dma_wait3A_531 = arith.constant 0 : i32
      %dma_wait3A_532 = arith.constant 0 : i32
      %dma_wait3A_533 = tpu.memref_slice %arg56[%dma_wait3A_531, %dma_wait3A_532] : memref<10240x128xf32, #tpu.memory_space<vmem_shared>> -> memref<10240x128xf32, #tpu.memory_space<vmem_shared>>
      tpu.wait_indirect_dma semaphore(%arg48 : memref<!tpu.dma_semaphore, #tpu.memory_space<semaphore_mem>>) src(%arg28 : memref<20x128xf32, #tpu.memory_space<vmem>>) dst(%dma_wait3A_533 : memref<10240x128xf32, #tpu.memory_space<vmem_shared>>)
      %lt3A_534 = arith.constant 49 : i32
      %lt3A_535 = arith.cmpi slt, %scan3A_396, %lt3A_534 : i32
      %convert_element_type3A_536 = arith.extui %lt3A_535 : i1 to i32
      %cond3A_537 = arith.constant 0 : i32
      %cond3A_538 = arith.cmpi ne, %convert_element_type3A_536, %cond3A_537 : i32
      scf.if %cond3A_538 {
        %add3A_629 = arith.constant 8 : i32
        %add3A_630 = arith.addi %add3A_524, %add3A_629 : i32
        %mul3A_631 = arith.constant 20 : i32
        %mul3A_632 = arith.muli %add3A_630, %mul3A_631 : i32
        %add3A_633 = arith.constant 0 : i32
        %add3A_634 = arith.addi %mul3A_632, %add3A_633 : i32
        %add3A_635 = vector.broadcast %add3A_634 : i32 to vector<16xi32>
        %add3A_636 = arith.addi %add3A_635, %iota3A : vector<16xi32>
        %gather3A_637 = tpu.vector_load_idx %arg5[%add3A_636] : memref<10000xi32, #tpu.memory_space<vmem>>[vector<16xi32>], vector<16xi32>,
        %and3A_638 = arith.constant 65535 : i32
        %and3A_639 = vector.broadcast %and3A_638 : i32 to vector<16xi32>
        %and3A_640 = arith.andi %gather3A_637, %and3A_639 : vector<16xi32>
        %swap3A_641 = arith.constant 0 : index
        %swap3A_642 = tpu.vector_load %arg8[%swap3A_641] {strides = array<i32>} : memref<20xi32, #tpu.memory_space<vmem>>, vector<16xi32>,
        tpu.vector_store %arg8[%swap3A_641], %and3A_640 {strides = array<i32>} : memref<20xi32, #tpu.memory_space<vmem>>, vector<16xi32>,
        %shift_right_logical3A_643 = arith.constant 16 : i32
        %shift_right_logical3A_644 = vector.broadcast %shift_right_logical3A_643 : i32 to vector<16xi32>
        %shift_right_logical3A_645 = arith.shrui %gather3A_637, %shift_right_logical3A_644 : vector<16xi32>
        %swap3A_646 = arith.constant 0 : index
        %swap3A_647 = tpu.vector_load %arg18[%swap3A_646] {strides = array<i32>} : memref<20xi32, #tpu.memory_space<vmem>>, vector<16xi32>,
        tpu.vector_store %arg18[%swap3A_646], %shift_right_logical3A_645 {strides = array<i32>} : memref<20xi32, #tpu.memory_space<vmem>>, vector<16xi32>,
        %add3A_648 = vector.broadcast %mul3A_632 : i32 to vector<16xi32>
        %add3A_649 = arith.addi %add3A_648, %add3A_168 : vector<16xi32>
        %gather3A_650 = tpu.vector_load_idx %arg5[%add3A_649] : memref<10000xi32, #tpu.memory_space<vmem>>[vector<16xi32>], vector<16xi32>,
        %and3A_651 = arith.constant 65535 : i32
        %and3A_652 = vector.broadcast %and3A_651 : i32 to vector<16xi32>
        %and3A_653 = arith.andi %gather3A_650, %and3A_652 : vector<16xi32>
        tpu.vector_store_idx %arg8[%add3A_168], %and3A_653 : memref<20xi32, #tpu.memory_space<vmem>>[vector<16xi32>], vector<16xi32>,
        %shift_right_logical3A_654 = arith.constant 16 : i32
        %shift_right_logical3A_655 = vector.broadcast %shift_right_logical3A_654 : i32 to vector<16xi32>
        %shift_right_logical3A_656 = arith.shrui %gather3A_650, %shift_right_logical3A_655 : vector<16xi32>
        tpu.vector_store_idx %arg18[%add3A_168], %shift_right_logical3A_656 : memref<20xi32, #tpu.memory_space<vmem>>[vector<16xi32>], vector<16xi32>,
        %dma_start3A_657 = arith.constant 0 : i32
        %dma_start3A_658 = arith.constant 0 : i32
        %dma_start3A_659 = tpu.memref_slice %arg2[%dma_start3A_657, %dma_start3A_658] : memref<10240x128xf32, #tpu.memory_space<hbm>> -> memref<10240x128xf32, #tpu.memory_space<hbm>>
        tpu.enqueue_indirect_dma source(%dma_start3A_659 : memref<10240x128xf32, #tpu.memory_space<hbm>>) target(%arg28 : memref<20x128xf32, #tpu.memory_space<vmem>>) offsets(%arg8 : memref<20xi32, #tpu.memory_space<vmem>>) semaphore(%arg38 : memref<!tpu.dma_semaphore, #tpu.memory_space<semaphore_mem>>)
      } else {
      }
      %mul3A_539 = arith.constant 10 : i32
      %mul3A_540 = arith.muli %mul3A_539, %scan3A_396 : i32
      %add3A_541 = arith.constant 5 : i32
      %add3A_542 = arith.addi %mul3A_540, %add3A_541 : i32
      %dma_wait3A_543 = arith.constant 0 : i32
      %dma_wait3A_544 = arith.constant 0 : i32
      %dma_wait3A_545 = tpu.memref_slice %arg2[%dma_wait3A_543, %dma_wait3A_544] : memref<10240x128xf32, #tpu.memory_space<hbm>> -> memref<10240x128xf32, #tpu.memory_space<hbm>>
      tpu.wait_indirect_dma semaphore(%arg41 : memref<!tpu.dma_semaphore, #tpu.memory_space<semaphore_mem>>) src(%dma_wait3A_545 : memref<10240x128xf32, #tpu.memory_space<hbm>>) dst(%arg31 : memref<20x128xf32, #tpu.memory_space<vmem>>)
      %dma_start3A_546 = arith.constant 0 : i32
      %dma_start3A_547 = arith.constant 0 : i32
      %dma_start3A_548 = tpu.memref_slice %arg56[%dma_start3A_546, %dma_start3A_547] : memref<10240x128xf32, #tpu.memory_space<vmem_shared>> -> memref<10240x128xf32, #tpu.memory_space<vmem_shared>>
      tpu.enqueue_indirect_dma source(%arg31 : memref<20x128xf32, #tpu.memory_space<vmem>>) target(%dma_start3A_548 : memref<10240x128xf32, #tpu.memory_space<vmem_shared>>) offsets(%arg21 : memref<20xi32, #tpu.memory_space<vmem>>) semaphore(%arg51 : memref<!tpu.dma_semaphore, #tpu.memory_space<semaphore_mem>>) {add = true}
      %dma_wait3A_549 = arith.constant 0 : i32
      %dma_wait3A_550 = arith.constant 0 : i32
      %dma_wait3A_551 = tpu.memref_slice %arg56[%dma_wait3A_549, %dma_wait3A_550] : memref<10240x128xf32, #tpu.memory_space<vmem_shared>> -> memref<10240x128xf32, #tpu.memory_space<vmem_shared>>
      tpu.wait_indirect_dma semaphore(%arg49 : memref<!tpu.dma_semaphore, #tpu.memory_space<semaphore_mem>>) src(%arg29 : memref<20x128xf32, #tpu.memory_space<vmem>>) dst(%dma_wait3A_551 : memref<10240x128xf32, #tpu.memory_space<vmem_shared>>)
      %lt3A_552 = arith.constant 49 : i32
      %lt3A_553 = arith.cmpi slt, %scan3A_396, %lt3A_552 : i32
      %convert_element_type3A_554 = arith.extui %lt3A_553 : i1 to i32
      %cond3A_555 = arith.constant 0 : i32
      %cond3A_556 = arith.cmpi ne, %convert_element_type3A_554, %cond3A_555 : i32
      scf.if %cond3A_556 {
        %add3A_629 = arith.constant 8 : i32
        %add3A_630 = arith.addi %add3A_542, %add3A_629 : i32
        %mul3A_631 = arith.constant 20 : i32
        %mul3A_632 = arith.muli %add3A_630, %mul3A_631 : i32
        %add3A_633 = arith.constant 0 : i32
        %add3A_634 = arith.addi %mul3A_632, %add3A_633 : i32
        %add3A_635 = vector.broadcast %add3A_634 : i32 to vector<16xi32>
        %add3A_636 = arith.addi %add3A_635, %iota3A : vector<16xi32>
        %gather3A_637 = tpu.vector_load_idx %arg5[%add3A_636] : memref<10000xi32, #tpu.memory_space<vmem>>[vector<16xi32>], vector<16xi32>,
        %and3A_638 = arith.constant 65535 : i32
        %and3A_639 = vector.broadcast %and3A_638 : i32 to vector<16xi32>
        %and3A_640 = arith.andi %gather3A_637, %and3A_639 : vector<16xi32>
        %swap3A_641 = arith.constant 0 : index
        %swap3A_642 = tpu.vector_load %arg9[%swap3A_641] {strides = array<i32>} : memref<20xi32, #tpu.memory_space<vmem>>, vector<16xi32>,
        tpu.vector_store %arg9[%swap3A_641], %and3A_640 {strides = array<i32>} : memref<20xi32, #tpu.memory_space<vmem>>, vector<16xi32>,
        %shift_right_logical3A_643 = arith.constant 16 : i32
        %shift_right_logical3A_644 = vector.broadcast %shift_right_logical3A_643 : i32 to vector<16xi32>
        %shift_right_logical3A_645 = arith.shrui %gather3A_637, %shift_right_logical3A_644 : vector<16xi32>
        %swap3A_646 = arith.constant 0 : index
        %swap3A_647 = tpu.vector_load %arg19[%swap3A_646] {strides = array<i32>} : memref<20xi32, #tpu.memory_space<vmem>>, vector<16xi32>,
        tpu.vector_store %arg19[%swap3A_646], %shift_right_logical3A_645 {strides = array<i32>} : memref<20xi32, #tpu.memory_space<vmem>>, vector<16xi32>,
        %add3A_648 = vector.broadcast %mul3A_632 : i32 to vector<16xi32>
        %add3A_649 = arith.addi %add3A_648, %add3A_168 : vector<16xi32>
        %gather3A_650 = tpu.vector_load_idx %arg5[%add3A_649] : memref<10000xi32, #tpu.memory_space<vmem>>[vector<16xi32>], vector<16xi32>,
        %and3A_651 = arith.constant 65535 : i32
        %and3A_652 = vector.broadcast %and3A_651 : i32 to vector<16xi32>
        %and3A_653 = arith.andi %gather3A_650, %and3A_652 : vector<16xi32>
        tpu.vector_store_idx %arg9[%add3A_168], %and3A_653 : memref<20xi32, #tpu.memory_space<vmem>>[vector<16xi32>], vector<16xi32>,
        %shift_right_logical3A_654 = arith.constant 16 : i32
        %shift_right_logical3A_655 = vector.broadcast %shift_right_logical3A_654 : i32 to vector<16xi32>
        %shift_right_logical3A_656 = arith.shrui %gather3A_650, %shift_right_logical3A_655 : vector<16xi32>
        tpu.vector_store_idx %arg19[%add3A_168], %shift_right_logical3A_656 : memref<20xi32, #tpu.memory_space<vmem>>[vector<16xi32>], vector<16xi32>,
        %dma_start3A_657 = arith.constant 0 : i32
        %dma_start3A_658 = arith.constant 0 : i32
        %dma_start3A_659 = tpu.memref_slice %arg2[%dma_start3A_657, %dma_start3A_658] : memref<10240x128xf32, #tpu.memory_space<hbm>> -> memref<10240x128xf32, #tpu.memory_space<hbm>>
        tpu.enqueue_indirect_dma source(%dma_start3A_659 : memref<10240x128xf32, #tpu.memory_space<hbm>>) target(%arg29 : memref<20x128xf32, #tpu.memory_space<vmem>>) offsets(%arg9 : memref<20xi32, #tpu.memory_space<vmem>>) semaphore(%arg39 : memref<!tpu.dma_semaphore, #tpu.memory_space<semaphore_mem>>)
      } else {
      }
      %mul3A_557 = arith.constant 10 : i32
      %mul3A_558 = arith.muli %mul3A_557, %scan3A_396 : i32
      %add3A_559 = arith.constant 6 : i32
      %add3A_560 = arith.addi %mul3A_558, %add3A_559 : i32
      %dma_wait3A_561 = arith.constant 0 : i32
      %dma_wait3A_562 = arith.constant 0 : i32
      %dma_wait3A_563 = tpu.memref_slice %arg2[%dma_wait3A_561, %dma_wait3A_562] : memref<10240x128xf32, #tpu.memory_space<hbm>> -> memref<10240x128xf32, #tpu.memory_space<hbm>>
      tpu.wait_indirect_dma semaphore(%arg42 : memref<!tpu.dma_semaphore, #tpu.memory_space<semaphore_mem>>) src(%dma_wait3A_563 : memref<10240x128xf32, #tpu.memory_space<hbm>>) dst(%arg32 : memref<20x128xf32, #tpu.memory_space<vmem>>)
      %dma_start3A_564 = arith.constant 0 : i32
      %dma_start3A_565 = arith.constant 0 : i32
      %dma_start3A_566 = tpu.memref_slice %arg56[%dma_start3A_564, %dma_start3A_565] : memref<10240x128xf32, #tpu.memory_space<vmem_shared>> -> memref<10240x128xf32, #tpu.memory_space<vmem_shared>>
      tpu.enqueue_indirect_dma source(%arg32 : memref<20x128xf32, #tpu.memory_space<vmem>>) target(%dma_start3A_566 : memref<10240x128xf32, #tpu.memory_space<vmem_shared>>) offsets(%arg22 : memref<20xi32, #tpu.memory_space<vmem>>) semaphore(%arg52 : memref<!tpu.dma_semaphore, #tpu.memory_space<semaphore_mem>>) {add = true}
      %dma_wait3A_567 = arith.constant 0 : i32
      %dma_wait3A_568 = arith.constant 0 : i32
      %dma_wait3A_569 = tpu.memref_slice %arg56[%dma_wait3A_567, %dma_wait3A_568] : memref<10240x128xf32, #tpu.memory_space<vmem_shared>> -> memref<10240x128xf32, #tpu.memory_space<vmem_shared>>
      tpu.wait_indirect_dma semaphore(%arg50 : memref<!tpu.dma_semaphore, #tpu.memory_space<semaphore_mem>>) src(%arg30 : memref<20x128xf32, #tpu.memory_space<vmem>>) dst(%dma_wait3A_569 : memref<10240x128xf32, #tpu.memory_space<vmem_shared>>)
      %lt3A_570 = arith.constant 49 : i32
      %lt3A_571 = arith.cmpi slt, %scan3A_396, %lt3A_570 : i32
      %convert_element_type3A_572 = arith.extui %lt3A_571 : i1 to i32
      %cond3A_573 = arith.constant 0 : i32
      %cond3A_574 = arith.cmpi ne, %convert_element_type3A_572, %cond3A_573 : i32
      scf.if %cond3A_574 {
        %add3A_629 = arith.constant 8 : i32
        %add3A_630 = arith.addi %add3A_560, %add3A_629 : i32
        %mul3A_631 = arith.constant 20 : i32
        %mul3A_632 = arith.muli %add3A_630, %mul3A_631 : i32
        %add3A_633 = arith.constant 0 : i32
        %add3A_634 = arith.addi %mul3A_632, %add3A_633 : i32
        %add3A_635 = vector.broadcast %add3A_634 : i32 to vector<16xi32>
        %add3A_636 = arith.addi %add3A_635, %iota3A : vector<16xi32>
        %gather3A_637 = tpu.vector_load_idx %arg5[%add3A_636] : memref<10000xi32, #tpu.memory_space<vmem>>[vector<16xi32>], vector<16xi32>,
        %and3A_638 = arith.constant 65535 : i32
        %and3A_639 = vector.broadcast %and3A_638 : i32 to vector<16xi32>
        %and3A_640 = arith.andi %gather3A_637, %and3A_639 : vector<16xi32>
        %swap3A_641 = arith.constant 0 : index
        %swap3A_642 = tpu.vector_load %arg10[%swap3A_641] {strides = array<i32>} : memref<20xi32, #tpu.memory_space<vmem>>, vector<16xi32>,
        tpu.vector_store %arg10[%swap3A_641], %and3A_640 {strides = array<i32>} : memref<20xi32, #tpu.memory_space<vmem>>, vector<16xi32>,
        %shift_right_logical3A_643 = arith.constant 16 : i32
        %shift_right_logical3A_644 = vector.broadcast %shift_right_logical3A_643 : i32 to vector<16xi32>
        %shift_right_logical3A_645 = arith.shrui %gather3A_637, %shift_right_logical3A_644 : vector<16xi32>
        %swap3A_646 = arith.constant 0 : index
        %swap3A_647 = tpu.vector_load %arg20[%swap3A_646] {strides = array<i32>} : memref<20xi32, #tpu.memory_space<vmem>>, vector<16xi32>,
        tpu.vector_store %arg20[%swap3A_646], %shift_right_logical3A_645 {strides = array<i32>} : memref<20xi32, #tpu.memory_space<vmem>>, vector<16xi32>,
        %add3A_648 = vector.broadcast %mul3A_632 : i32 to vector<16xi32>
        %add3A_649 = arith.addi %add3A_648, %add3A_168 : vector<16xi32>
        %gather3A_650 = tpu.vector_load_idx %arg5[%add3A_649] : memref<10000xi32, #tpu.memory_space<vmem>>[vector<16xi32>], vector<16xi32>,
        %and3A_651 = arith.constant 65535 : i32
        %and3A_652 = vector.broadcast %and3A_651 : i32 to vector<16xi32>
        %and3A_653 = arith.andi %gather3A_650, %and3A_652 : vector<16xi32>
        tpu.vector_store_idx %arg10[%add3A_168], %and3A_653 : memref<20xi32, #tpu.memory_space<vmem>>[vector<16xi32>], vector<16xi32>,
        %shift_right_logical3A_654 = arith.constant 16 : i32
        %shift_right_logical3A_655 = vector.broadcast %shift_right_logical3A_654 : i32 to vector<16xi32>
        %shift_right_logical3A_656 = arith.shrui %gather3A_650, %shift_right_logical3A_655 : vector<16xi32>
        tpu.vector_store_idx %arg20[%add3A_168], %shift_right_logical3A_656 : memref<20xi32, #tpu.memory_space<vmem>>[vector<16xi32>], vector<16xi32>,
        %dma_start3A_657 = arith.constant 0 : i32
        %dma_start3A_658 = arith.constant 0 : i32
        %dma_start3A_659 = tpu.memref_slice %arg2[%dma_start3A_657, %dma_start3A_658] : memref<10240x128xf32, #tpu.memory_space<hbm>> -> memref<10240x128xf32, #tpu.memory_space<hbm>>
        tpu.enqueue_indirect_dma source(%dma_start3A_659 : memref<10240x128xf32, #tpu.memory_space<hbm>>) target(%arg30 : memref<20x128xf32, #tpu.memory_space<vmem>>) offsets(%arg10 : memref<20xi32, #tpu.memory_space<vmem>>) semaphore(%arg40 : memref<!tpu.dma_semaphore, #tpu.memory_space<semaphore_mem>>)
      } else {
      }
      %mul3A_575 = arith.constant 10 : i32
      %mul3A_576 = arith.muli %mul3A_575, %scan3A_396 : i32
      %add3A_577 = arith.constant 7 : i32
      %add3A_578 = arith.addi %mul3A_576, %add3A_577 : i32
      %dma_wait3A_579 = arith.constant 0 : i32
      %dma_wait3A_580 = arith.constant 0 : i32
      %dma_wait3A_581 = tpu.memref_slice %arg2[%dma_wait3A_579, %dma_wait3A_580] : memref<10240x128xf32, #tpu.memory_space<hbm>> -> memref<10240x128xf32, #tpu.memory_space<hbm>>
      tpu.wait_indirect_dma semaphore(%arg43 : memref<!tpu.dma_semaphore, #tpu.memory_space<semaphore_mem>>) src(%dma_wait3A_581 : memref<10240x128xf32, #tpu.memory_space<hbm>>) dst(%arg33 : memref<20x128xf32, #tpu.memory_space<vmem>>)
      %dma_start3A_582 = arith.constant 0 : i32
      %dma_start3A_583 = arith.constant 0 : i32
      %dma_start3A_584 = tpu.memref_slice %arg56[%dma_start3A_582, %dma_start3A_583] : memref<10240x128xf32, #tpu.memory_space<vmem_shared>> -> memref<10240x128xf32, #tpu.memory_space<vmem_shared>>
      tpu.enqueue_indirect_dma source(%arg33 : memref<20x128xf32, #tpu.memory_space<vmem>>) target(%dma_start3A_584 : memref<10240x128xf32, #tpu.memory_space<vmem_shared>>) offsets(%arg23 : memref<20xi32, #tpu.memory_space<vmem>>) semaphore(%arg53 : memref<!tpu.dma_semaphore, #tpu.memory_space<semaphore_mem>>) {add = true}
      %dma_wait3A_585 = arith.constant 0 : i32
      %dma_wait3A_586 = arith.constant 0 : i32
      %dma_wait3A_587 = tpu.memref_slice %arg56[%dma_wait3A_585, %dma_wait3A_586] : memref<10240x128xf32, #tpu.memory_space<vmem_shared>> -> memref<10240x128xf32, #tpu.memory_space<vmem_shared>>
      tpu.wait_indirect_dma semaphore(%arg51 : memref<!tpu.dma_semaphore, #tpu.memory_space<semaphore_mem>>) src(%arg31 : memref<20x128xf32, #tpu.memory_space<vmem>>) dst(%dma_wait3A_587 : memref<10240x128xf32, #tpu.memory_space<vmem_shared>>)
      %lt3A_588 = arith.constant 49 : i32
      %lt3A_589 = arith.cmpi slt, %scan3A_396, %lt3A_588 : i32
      %convert_element_type3A_590 = arith.extui %lt3A_589 : i1 to i32
      %cond3A_591 = arith.constant 0 : i32
      %cond3A_592 = arith.cmpi ne, %convert_element_type3A_590, %cond3A_591 : i32
      scf.if %cond3A_592 {
        %add3A_629 = arith.constant 8 : i32
        %add3A_630 = arith.addi %add3A_578, %add3A_629 : i32
        %mul3A_631 = arith.constant 20 : i32
        %mul3A_632 = arith.muli %add3A_630, %mul3A_631 : i32
        %add3A_633 = arith.constant 0 : i32
        %add3A_634 = arith.addi %mul3A_632, %add3A_633 : i32
        %add3A_635 = vector.broadcast %add3A_634 : i32 to vector<16xi32>
        %add3A_636 = arith.addi %add3A_635, %iota3A : vector<16xi32>
        %gather3A_637 = tpu.vector_load_idx %arg5[%add3A_636] : memref<10000xi32, #tpu.memory_space<vmem>>[vector<16xi32>], vector<16xi32>,
        %and3A_638 = arith.constant 65535 : i32
        %and3A_639 = vector.broadcast %and3A_638 : i32 to vector<16xi32>
        %and3A_640 = arith.andi %gather3A_637, %and3A_639 : vector<16xi32>
        %swap3A_641 = arith.constant 0 : index
        %swap3A_642 = tpu.vector_load %arg11[%swap3A_641] {strides = array<i32>} : memref<20xi32, #tpu.memory_space<vmem>>, vector<16xi32>,
        tpu.vector_store %arg11[%swap3A_641], %and3A_640 {strides = array<i32>} : memref<20xi32, #tpu.memory_space<vmem>>, vector<16xi32>,
        %shift_right_logical3A_643 = arith.constant 16 : i32
        %shift_right_logical3A_644 = vector.broadcast %shift_right_logical3A_643 : i32 to vector<16xi32>
        %shift_right_logical3A_645 = arith.shrui %gather3A_637, %shift_right_logical3A_644 : vector<16xi32>
        %swap3A_646 = arith.constant 0 : index
        %swap3A_647 = tpu.vector_load %arg21[%swap3A_646] {strides = array<i32>} : memref<20xi32, #tpu.memory_space<vmem>>, vector<16xi32>,
        tpu.vector_store %arg21[%swap3A_646], %shift_right_logical3A_645 {strides = array<i32>} : memref<20xi32, #tpu.memory_space<vmem>>, vector<16xi32>,
        %add3A_648 = vector.broadcast %mul3A_632 : i32 to vector<16xi32>
        %add3A_649 = arith.addi %add3A_648, %add3A_168 : vector<16xi32>
        %gather3A_650 = tpu.vector_load_idx %arg5[%add3A_649] : memref<10000xi32, #tpu.memory_space<vmem>>[vector<16xi32>], vector<16xi32>,
        %and3A_651 = arith.constant 65535 : i32
        %and3A_652 = vector.broadcast %and3A_651 : i32 to vector<16xi32>
        %and3A_653 = arith.andi %gather3A_650, %and3A_652 : vector<16xi32>
        tpu.vector_store_idx %arg11[%add3A_168], %and3A_653 : memref<20xi32, #tpu.memory_space<vmem>>[vector<16xi32>], vector<16xi32>,
        %shift_right_logical3A_654 = arith.constant 16 : i32
        %shift_right_logical3A_655 = vector.broadcast %shift_right_logical3A_654 : i32 to vector<16xi32>
        %shift_right_logical3A_656 = arith.shrui %gather3A_650, %shift_right_logical3A_655 : vector<16xi32>
        tpu.vector_store_idx %arg21[%add3A_168], %shift_right_logical3A_656 : memref<20xi32, #tpu.memory_space<vmem>>[vector<16xi32>], vector<16xi32>,
        %dma_start3A_657 = arith.constant 0 : i32
        %dma_start3A_658 = arith.constant 0 : i32
        %dma_start3A_659 = tpu.memref_slice %arg2[%dma_start3A_657, %dma_start3A_658] : memref<10240x128xf32, #tpu.memory_space<hbm>> -> memref<10240x128xf32, #tpu.memory_space<hbm>>
        tpu.enqueue_indirect_dma source(%dma_start3A_659 : memref<10240x128xf32, #tpu.memory_space<hbm>>) target(%arg31 : memref<20x128xf32, #tpu.memory_space<vmem>>) offsets(%arg11 : memref<20xi32, #tpu.memory_space<vmem>>) semaphore(%arg41 : memref<!tpu.dma_semaphore, #tpu.memory_space<semaphore_mem>>)
      } else {
      }
      %mul3A_593 = arith.constant 10 : i32
      %mul3A_594 = arith.muli %mul3A_593, %scan3A_396 : i32
      %add3A_595 = arith.constant 8 : i32
      %add3A_596 = arith.addi %mul3A_594, %add3A_595 : i32
      %dma_wait3A_597 = arith.constant 0 : i32
      %dma_wait3A_598 = arith.constant 0 : i32
      %dma_wait3A_599 = tpu.memref_slice %arg2[%dma_wait3A_597, %dma_wait3A_598] : memref<10240x128xf32, #tpu.memory_space<hbm>> -> memref<10240x128xf32, #tpu.memory_space<hbm>>
      tpu.wait_indirect_dma semaphore(%arg44 : memref<!tpu.dma_semaphore, #tpu.memory_space<semaphore_mem>>) src(%dma_wait3A_599 : memref<10240x128xf32, #tpu.memory_space<hbm>>) dst(%arg34 : memref<20x128xf32, #tpu.memory_space<vmem>>)
      %dma_start3A_600 = arith.constant 0 : i32
      %dma_start3A_601 = arith.constant 0 : i32
      %dma_start3A_602 = tpu.memref_slice %arg56[%dma_start3A_600, %dma_start3A_601] : memref<10240x128xf32, #tpu.memory_space<vmem_shared>> -> memref<10240x128xf32, #tpu.memory_space<vmem_shared>>
      tpu.enqueue_indirect_dma source(%arg34 : memref<20x128xf32, #tpu.memory_space<vmem>>) target(%dma_start3A_602 : memref<10240x128xf32, #tpu.memory_space<vmem_shared>>) offsets(%arg24 : memref<20xi32, #tpu.memory_space<vmem>>) semaphore(%arg54 : memref<!tpu.dma_semaphore, #tpu.memory_space<semaphore_mem>>) {add = true}
      %dma_wait3A_603 = arith.constant 0 : i32
      %dma_wait3A_604 = arith.constant 0 : i32
      %dma_wait3A_605 = tpu.memref_slice %arg56[%dma_wait3A_603, %dma_wait3A_604] : memref<10240x128xf32, #tpu.memory_space<vmem_shared>> -> memref<10240x128xf32, #tpu.memory_space<vmem_shared>>
      tpu.wait_indirect_dma semaphore(%arg52 : memref<!tpu.dma_semaphore, #tpu.memory_space<semaphore_mem>>) src(%arg32 : memref<20x128xf32, #tpu.memory_space<vmem>>) dst(%dma_wait3A_605 : memref<10240x128xf32, #tpu.memory_space<vmem_shared>>)
      %lt3A_606 = arith.constant 49 : i32
      %lt3A_607 = arith.cmpi slt, %scan3A_396, %lt3A_606 : i32
      %convert_element_type3A_608 = arith.extui %lt3A_607 : i1 to i32
      %cond3A_609 = arith.constant 0 : i32
      %cond3A_610 = arith.cmpi ne, %convert_element_type3A_608, %cond3A_609 : i32
      scf.if %cond3A_610 {
        %add3A_629 = arith.constant 8 : i32
        %add3A_630 = arith.addi %add3A_596, %add3A_629 : i32
        %mul3A_631 = arith.constant 20 : i32
        %mul3A_632 = arith.muli %add3A_630, %mul3A_631 : i32
        %add3A_633 = arith.constant 0 : i32
        %add3A_634 = arith.addi %mul3A_632, %add3A_633 : i32
        %add3A_635 = vector.broadcast %add3A_634 : i32 to vector<16xi32>
        %add3A_636 = arith.addi %add3A_635, %iota3A : vector<16xi32>
        %gather3A_637 = tpu.vector_load_idx %arg5[%add3A_636] : memref<10000xi32, #tpu.memory_space<vmem>>[vector<16xi32>], vector<16xi32>,
        %and3A_638 = arith.constant 65535 : i32
        %and3A_639 = vector.broadcast %and3A_638 : i32 to vector<16xi32>
        %and3A_640 = arith.andi %gather3A_637, %and3A_639 : vector<16xi32>
        %swap3A_641 = arith.constant 0 : index
        %swap3A_642 = tpu.vector_load %arg12[%swap3A_641] {strides = array<i32>} : memref<20xi32, #tpu.memory_space<vmem>>, vector<16xi32>,
        tpu.vector_store %arg12[%swap3A_641], %and3A_640 {strides = array<i32>} : memref<20xi32, #tpu.memory_space<vmem>>, vector<16xi32>,
        %shift_right_logical3A_643 = arith.constant 16 : i32
        %shift_right_logical3A_644 = vector.broadcast %shift_right_logical3A_643 : i32 to vector<16xi32>
        %shift_right_logical3A_645 = arith.shrui %gather3A_637, %shift_right_logical3A_644 : vector<16xi32>
        %swap3A_646 = arith.constant 0 : index
        %swap3A_647 = tpu.vector_load %arg22[%swap3A_646] {strides = array<i32>} : memref<20xi32, #tpu.memory_space<vmem>>, vector<16xi32>,
        tpu.vector_store %arg22[%swap3A_646], %shift_right_logical3A_645 {strides = array<i32>} : memref<20xi32, #tpu.memory_space<vmem>>, vector<16xi32>,
        %add3A_648 = vector.broadcast %mul3A_632 : i32 to vector<16xi32>
        %add3A_649 = arith.addi %add3A_648, %add3A_168 : vector<16xi32>
        %gather3A_650 = tpu.vector_load_idx %arg5[%add3A_649] : memref<10000xi32, #tpu.memory_space<vmem>>[vector<16xi32>], vector<16xi32>,
        %and3A_651 = arith.constant 65535 : i32
        %and3A_652 = vector.broadcast %and3A_651 : i32 to vector<16xi32>
        %and3A_653 = arith.andi %gather3A_650, %and3A_652 : vector<16xi32>
        tpu.vector_store_idx %arg12[%add3A_168], %and3A_653 : memref<20xi32, #tpu.memory_space<vmem>>[vector<16xi32>], vector<16xi32>,
        %shift_right_logical3A_654 = arith.constant 16 : i32
        %shift_right_logical3A_655 = vector.broadcast %shift_right_logical3A_654 : i32 to vector<16xi32>
        %shift_right_logical3A_656 = arith.shrui %gather3A_650, %shift_right_logical3A_655 : vector<16xi32>
        tpu.vector_store_idx %arg22[%add3A_168], %shift_right_logical3A_656 : memref<20xi32, #tpu.memory_space<vmem>>[vector<16xi32>], vector<16xi32>,
        %dma_start3A_657 = arith.constant 0 : i32
        %dma_start3A_658 = arith.constant 0 : i32
        %dma_start3A_659 = tpu.memref_slice %arg2[%dma_start3A_657, %dma_start3A_658] : memref<10240x128xf32, #tpu.memory_space<hbm>> -> memref<10240x128xf32, #tpu.memory_space<hbm>>
        tpu.enqueue_indirect_dma source(%dma_start3A_659 : memref<10240x128xf32, #tpu.memory_space<hbm>>) target(%arg32 : memref<20x128xf32, #tpu.memory_space<vmem>>) offsets(%arg12 : memref<20xi32, #tpu.memory_space<vmem>>) semaphore(%arg42 : memref<!tpu.dma_semaphore, #tpu.memory_space<semaphore_mem>>)
      } else {
      }
      %mul3A_611 = arith.constant 10 : i32
      %mul3A_612 = arith.muli %mul3A_611, %scan3A_396 : i32
      %add3A_613 = arith.constant 9 : i32
      %add3A_614 = arith.addi %mul3A_612, %add3A_613 : i32
      %dma_wait3A_615 = arith.constant 0 : i32
      %dma_wait3A_616 = arith.constant 0 : i32
      %dma_wait3A_617 = tpu.memref_slice %arg2[%dma_wait3A_615, %dma_wait3A_616] : memref<10240x128xf32, #tpu.memory_space<hbm>> -> memref<10240x128xf32, #tpu.memory_space<hbm>>
      tpu.wait_indirect_dma semaphore(%arg45 : memref<!tpu.dma_semaphore, #tpu.memory_space<semaphore_mem>>) src(%dma_wait3A_617 : memref<10240x128xf32, #tpu.memory_space<hbm>>) dst(%arg35 : memref<20x128xf32, #tpu.memory_space<vmem>>)
      %dma_start3A_618 = arith.constant 0 : i32
      %dma_start3A_619 = arith.constant 0 : i32
      %dma_start3A_620 = tpu.memref_slice %arg56[%dma_start3A_618, %dma_start3A_619] : memref<10240x128xf32, #tpu.memory_space<vmem_shared>> -> memref<10240x128xf32, #tpu.memory_space<vmem_shared>>
      tpu.enqueue_indirect_dma source(%arg35 : memref<20x128xf32, #tpu.memory_space<vmem>>) target(%dma_start3A_620 : memref<10240x128xf32, #tpu.memory_space<vmem_shared>>) offsets(%arg25 : memref<20xi32, #tpu.memory_space<vmem>>) semaphore(%arg55 : memref<!tpu.dma_semaphore, #tpu.memory_space<semaphore_mem>>) {add = true}
      %dma_wait3A_621 = arith.constant 0 : i32
      %dma_wait3A_622 = arith.constant 0 : i32
      %dma_wait3A_623 = tpu.memref_slice %arg56[%dma_wait3A_621, %dma_wait3A_622] : memref<10240x128xf32, #tpu.memory_space<vmem_shared>> -> memref<10240x128xf32, #tpu.memory_space<vmem_shared>>
      tpu.wait_indirect_dma semaphore(%arg53 : memref<!tpu.dma_semaphore, #tpu.memory_space<semaphore_mem>>) src(%arg33 : memref<20x128xf32, #tpu.memory_space<vmem>>) dst(%dma_wait3A_623 : memref<10240x128xf32, #tpu.memory_space<vmem_shared>>)
      %lt3A_624 = arith.constant 49 : i32
      %lt3A_625 = arith.cmpi slt, %scan3A_396, %lt3A_624 : i32
      %convert_element_type3A_626 = arith.extui %lt3A_625 : i1 to i32
      %cond3A_627 = arith.constant 0 : i32
      %cond3A_628 = arith.cmpi ne, %convert_element_type3A_626, %cond3A_627 : i32
      scf.if %cond3A_628 {
        %add3A_629 = arith.constant 8 : i32
        %add3A_630 = arith.addi %add3A_614, %add3A_629 : i32
        %mul3A_631 = arith.constant 20 : i32
        %mul3A_632 = arith.muli %add3A_630, %mul3A_631 : i32
        %add3A_633 = arith.constant 0 : i32
        %add3A_634 = arith.addi %mul3A_632, %add3A_633 : i32
        %add3A_635 = vector.broadcast %add3A_634 : i32 to vector<16xi32>
        %add3A_636 = arith.addi %add3A_635, %iota3A : vector<16xi32>
        %gather3A_637 = tpu.vector_load_idx %arg5[%add3A_636] : memref<10000xi32, #tpu.memory_space<vmem>>[vector<16xi32>], vector<16xi32>,
        %and3A_638 = arith.constant 65535 : i32
        %and3A_639 = vector.broadcast %and3A_638 : i32 to vector<16xi32>
        %and3A_640 = arith.andi %gather3A_637, %and3A_639 : vector<16xi32>
        %swap3A_641 = arith.constant 0 : index
        %swap3A_642 = tpu.vector_load %arg13[%swap3A_641] {strides = array<i32>} : memref<20xi32, #tpu.memory_space<vmem>>, vector<16xi32>,
        tpu.vector_store %arg13[%swap3A_641], %and3A_640 {strides = array<i32>} : memref<20xi32, #tpu.memory_space<vmem>>, vector<16xi32>,
        %shift_right_logical3A_643 = arith.constant 16 : i32
        %shift_right_logical3A_644 = vector.broadcast %shift_right_logical3A_643 : i32 to vector<16xi32>
        %shift_right_logical3A_645 = arith.shrui %gather3A_637, %shift_right_logical3A_644 : vector<16xi32>
        %swap3A_646 = arith.constant 0 : index
        %swap3A_647 = tpu.vector_load %arg23[%swap3A_646] {strides = array<i32>} : memref<20xi32, #tpu.memory_space<vmem>>, vector<16xi32>,
        tpu.vector_store %arg23[%swap3A_646], %shift_right_logical3A_645 {strides = array<i32>} : memref<20xi32, #tpu.memory_space<vmem>>, vector<16xi32>,
        %add3A_648 = vector.broadcast %mul3A_632 : i32 to vector<16xi32>
        %add3A_649 = arith.addi %add3A_648, %add3A_168 : vector<16xi32>
        %gather3A_650 = tpu.vector_load_idx %arg5[%add3A_649] : memref<10000xi32, #tpu.memory_space<vmem>>[vector<16xi32>], vector<16xi32>,
        %and3A_651 = arith.constant 65535 : i32
        %and3A_652 = vector.broadcast %and3A_651 : i32 to vector<16xi32>
        %and3A_653 = arith.andi %gather3A_650, %and3A_652 : vector<16xi32>
        tpu.vector_store_idx %arg13[%add3A_168], %and3A_653 : memref<20xi32, #tpu.memory_space<vmem>>[vector<16xi32>], vector<16xi32>,
        %shift_right_logical3A_654 = arith.constant 16 : i32
        %shift_right_logical3A_655 = vector.broadcast %shift_right_logical3A_654 : i32 to vector<16xi32>
        %shift_right_logical3A_656 = arith.shrui %gather3A_650, %shift_right_logical3A_655 : vector<16xi32>
        tpu.vector_store_idx %arg23[%add3A_168], %shift_right_logical3A_656 : memref<20xi32, #tpu.memory_space<vmem>>[vector<16xi32>], vector<16xi32>,
        %dma_start3A_657 = arith.constant 0 : i32
        %dma_start3A_658 = arith.constant 0 : i32
        %dma_start3A_659 = tpu.memref_slice %arg2[%dma_start3A_657, %dma_start3A_658] : memref<10240x128xf32, #tpu.memory_space<hbm>> -> memref<10240x128xf32, #tpu.memory_space<hbm>>
        tpu.enqueue_indirect_dma source(%dma_start3A_659 : memref<10240x128xf32, #tpu.memory_space<hbm>>) target(%arg33 : memref<20x128xf32, #tpu.memory_space<vmem>>) offsets(%arg13 : memref<20xi32, #tpu.memory_space<vmem>>) semaphore(%arg43 : memref<!tpu.dma_semaphore, #tpu.memory_space<semaphore_mem>>)
      } else {
      }
    }
    %scan3A_385 = arith.constant 50 : i32
    %dma_wait3A = arith.constant 0 : i32
    %dma_wait3A_386 = arith.constant 0 : i32
    %dma_wait3A_387 = tpu.memref_slice %arg56[%dma_wait3A, %dma_wait3A_386] : memref<10240x128xf32, #tpu.memory_space<vmem_shared>> -> memref<10240x128xf32, #tpu.memory_space<vmem_shared>>
    tpu.wait_indirect_dma semaphore(%arg54 : memref<!tpu.dma_semaphore, #tpu.memory_space<semaphore_mem>>) src(%arg34 : memref<20x128xf32, #tpu.memory_space<vmem>>) dst(%dma_wait3A_387 : memref<10240x128xf32, #tpu.memory_space<vmem_shared>>)
    %dma_wait3A_388 = arith.constant 0 : i32
    %dma_wait3A_389 = arith.constant 0 : i32
    %dma_wait3A_390 = tpu.memref_slice %arg56[%dma_wait3A_388, %dma_wait3A_389] : memref<10240x128xf32, #tpu.memory_space<vmem_shared>> -> memref<10240x128xf32, #tpu.memory_space<vmem_shared>>
    tpu.wait_indirect_dma semaphore(%arg55 : memref<!tpu.dma_semaphore, #tpu.memory_space<semaphore_mem>>) src(%arg35 : memref<20x128xf32, #tpu.memory_space<vmem>>) dst(%dma_wait3A_390 : memref<10240x128xf32, #tpu.memory_space<vmem_shared>>)
    %barrier3A_391 = arith.constant 0 : index
    tpu.barrier barrier_id(%barrier3A_391)
    %mul3A_392 = arith.constant 640 : i32
    %mul3A_393 = arith.muli %arg1, %mul3A_392 : i32
    %mul3A_394 = arith.constant 640 : i32
    %mul3A_395 = arith.muli %arg1, %mul3A_394 : i32
    "tpu.region"() ({
      %run_scoped3A = tpu.sem_alloc : memref<!tpu.dma_semaphore, #tpu.memory_space<semaphore_mem>>
      %dma_start3A_396 = arith.constant 0 : i32
      %dma_start3A_397 = tpu.memref_slice %arg4[%arg0, %mul3A_395, %dma_start3A_396] : memref<2x10240x128xf32, #tpu.memory_space<hbm>> -> memref<1x640x128xf32, #tpu.memory_space<hbm>>
      %dma_start3A_398 = tpu.memref_squeeze %dma_start3A_397 : memref<1x640x128xf32, #tpu.memory_space<hbm>> -> memref<640x128xf32, #tpu.memory_space<hbm>>
      %dma_start3A_399 = arith.constant 0 : i32
      %dma_start3A_400 = tpu.memref_slice %arg56[%mul3A_393, %dma_start3A_399] : memref<10240x128xf32, #tpu.memory_space<vmem_shared>> -> memref<640x128xf32, #tpu.memory_space<vmem_shared>>
      tpu.enqueue_dma source(%dma_start3A_400 : memref<640x128xf32, #tpu.memory_space<vmem_shared>>) target(%dma_start3A_398 : memref<640x128xf32, #tpu.memory_space<hbm>>) target_semaphore(%run_scoped3A : memref<!tpu.dma_semaphore, #tpu.memory_space<semaphore_mem>>)
      %dma_wait3A_401 = arith.constant 0 : i32
      %dma_wait3A_402 = tpu.memref_slice %arg4[%arg0, %mul3A_395, %dma_wait3A_401] : memref<2x10240x128xf32, #tpu.memory_space<hbm>> -> memref<1x640x128xf32, #tpu.memory_space<hbm>>
      %dma_wait3A_403 = tpu.memref_squeeze %dma_wait3A_402 : memref<1x640x128xf32, #tpu.memory_space<hbm>> -> memref<640x128xf32, #tpu.memory_space<hbm>>
      %dma_wait3A_404 = arith.constant 0 : i32
      %dma_wait3A_405 = tpu.memref_slice %arg56[%mul3A_393, %dma_wait3A_404] : memref<10240x128xf32, #tpu.memory_space<vmem_shared>> -> memref<640x128xf32, #tpu.memory_space<vmem_shared>>
      tpu.wait_dma2 semaphore(%run_scoped3A : memref<!tpu.dma_semaphore, #tpu.memory_space<semaphore_mem>>) src(%dma_wait3A_405 : memref<640x128xf32, #tpu.memory_space<vmem_shared>>) dst(%dma_wait3A_403 : memref<640x128xf32, #tpu.memory_space<hbm>>)
      tpu.yield
    }) : () -> ()
    return
  }
}

module attributes {stable_mosaic.version = 14 : i64} {
  func.func @_tc_transform_body(%arg0: i32, %arg1: memref<32x512xf32, #tpu.memory_space<vmem>>, %arg2: memref<512x128xf32, #tpu.memory_space<vmem>>, %arg3: memref<128x128xf32, #tpu.memory_space<vmem>>, %arg4: memref<512x128xf32, #tpu.memory_space<vmem>>) attributes {dimension_semantics = [#tpu.dimension_semantics<arbitrary>], iteration_bounds = array<i64: 20>, scalar_prefetch = 0 : i64, scratch_operands = 0 : i64, tpu.core_type = #tpu.core_type<tc>, window_params = [{transform_indices = @transform_0, window_bounds = array<i64: 32, 512>}, {transform_indices = @transform_1, window_bounds = array<i64: 512, 128>}, {pipeline_mode = #tpu.pipeline_mode<synchronous>, transform_indices = @transform_2, window_bounds = array<i64: 128, 128>}, {transform_indices = @transform_3, window_bounds = array<i64: 512, 128>}]} {
    %get3A = arith.constant 0 : index
    %get3A_0 = arith.constant 0 : index
    %get3A_1 = vector.load %arg1[%get3A, %get3A_0] : memref<32x512xf32, #tpu.memory_space<vmem>>, vector<32x512xf32>
    %reduce_sum3A = arith.constant dense<0.000000e+00> : vector<512xf32>
    %reduce_sum3A_2 = vector.multi_reduction <add>, %get3A_1, %reduce_sum3A [0] : vector<32x512xf32> to vector<512xf32>
    %add3A = arith.constant 1.000000e+00 : f32
    %add3A_3 = vector.broadcast %add3A : f32 to vector<512xf32>
    %add3A_4 = arith.addf %reduce_sum3A_2, %add3A_3 : vector<512xf32>
    %rsqrt3A = math.rsqrt %add3A_4 : vector<512xf32>
    %get3A_5 = arith.constant 0 : index
    %get3A_6 = arith.constant 0 : index
    %get3A_7 = vector.load %arg2[%get3A_5, %get3A_6] : memref<512x128xf32, #tpu.memory_space<vmem>>, vector<512x128xf32>
    %get3A_8 = arith.constant 0 : index
    %get3A_9 = arith.constant 0 : index
    %get3A_10 = vector.load %arg3[%get3A_8, %get3A_9] : memref<128x128xf32, #tpu.memory_space<vmem>>, vector<128x128xf32>
    %dot_general3A = arith.constant dense<0.000000e+00> : vector<512x128xf32>
    %dot_general3A_11 = tpu.matmul %get3A_7, %get3A_10, %dot_general3A {dimension_numbers = #tpu.dot_dimension_numbers<[1], [0], [0], [1], [0, 0, 1, 1], [], []>, transpose_lhs_hint = false} : vector<512x128xf32>, vector<128x128xf32>, vector<512x128xf32> -> vector<512x128xf32>
    %broadcast_in_dim3A = vector.shape_cast %rsqrt3A : vector<512xf32> to vector<512x1xf32>
    %mul3A = vector.broadcast %broadcast_in_dim3A : vector<512x1xf32> to vector<512x128xf32>
    %mul3A_12 = arith.mulf %dot_general3A_11, %mul3A : vector<512x128xf32>
    %swap3A = arith.constant 0 : index
    %swap3A_13 = arith.constant 0 : index
    %swap3A_14 = vector.load %arg4[%swap3A, %swap3A_13] : memref<512x128xf32, #tpu.memory_space<vmem>>, vector<512x128xf32>
    tpu.vector_store %arg4[%swap3A, %swap3A_13], %mul3A_12 {strides = array<i32>} : memref<512x128xf32, #tpu.memory_space<vmem>>, vector<512x128xf32>,
    return
  }
  func.func @transform_0(%arg0: i32) -> (i32, i32) {
    %c0_i32 = arith.constant 0 : i32
    %c0_i32_0 = arith.constant 0 : i32
    return %c0_i32, %arg0 : i32, i32
  }
  func.func @transform_1(%arg0: i32) -> (i32, i32) {
    %c0_i32 = arith.constant 0 : i32
    %c0_i32_0 = arith.constant 0 : i32
    return %arg0, %c0_i32 : i32, i32
  }
  func.func @transform_2(%arg0: i32) -> (i32, i32) {
    %c0_i32 = arith.constant 0 : i32
    %c0_i32_0 = arith.constant 0 : i32
    %c0_i32_1 = arith.constant 0 : i32
    return %c0_i32, %c0_i32_0 : i32, i32
  }
  func.func @transform_3(%arg0: i32) -> (i32, i32) {
    %c0_i32 = arith.constant 0 : i32
    %c0_i32_0 = arith.constant 0 : i32
    return %arg0, %c0_i32 : i32, i32
  }
}

module attributes {stable_mosaic.version = 14 : i64} {
  func.func @_tc_combine_body(%arg0: i32, %arg1: memref<32x512xf32, #tpu.memory_space<vmem>>, %arg2: memref<1x512x128xf32, #tpu.memory_space<vmem>>, %arg3: memref<1x512x128xf32, #tpu.memory_space<vmem>>, %arg4: memref<512x128xf32, #tpu.memory_space<vmem>>, %arg5: memref<1x128xf32, #tpu.memory_space<vmem>>, %arg6: memref<512x128xf32, #tpu.memory_space<vmem>>) attributes {dimension_semantics = [#tpu.dimension_semantics<arbitrary>], iteration_bounds = array<i64: 20>, scalar_prefetch = 0 : i64, scratch_operands = 0 : i64, tpu.core_type = #tpu.core_type<tc>, window_params = [{transform_indices = @transform_0, window_bounds = array<i64: 32, 512>}, {transform_indices = @transform_1, window_bounds = array<i64: 1, 512, 128>}, {transform_indices = @transform_2, window_bounds = array<i64: 1, 512, 128>}, {transform_indices = @transform_3, window_bounds = array<i64: 512, 128>}, {pipeline_mode = #tpu.pipeline_mode<synchronous>, transform_indices = @transform_4, window_bounds = array<i64: 1, 128>}, {transform_indices = @transform_5, window_bounds = array<i64: 512, 128>}]} {
    %get3A = arith.constant 0 : index
    %get3A_0 = arith.constant 0 : index
    %get3A_1 = vector.load %arg1[%get3A, %get3A_0] : memref<32x512xf32, #tpu.memory_space<vmem>>, vector<32x512xf32>
    %reduce_sum3A = arith.constant dense<0.000000e+00> : vector<512xf32>
    %reduce_sum3A_2 = vector.multi_reduction <add>, %get3A_1, %reduce_sum3A [0] : vector<32x512xf32> to vector<512xf32>
    %add3A = arith.constant 1.000000e+00 : f32
    %add3A_3 = vector.broadcast %add3A : f32 to vector<512xf32>
    %add3A_4 = arith.addf %reduce_sum3A_2, %add3A_3 : vector<512xf32>
    %rsqrt3A = math.rsqrt %add3A_4 : vector<512xf32>
    %get3A_5 = arith.constant 0 : index
    %get3A_6 = arith.constant 0 : index
    %get3A_7 = arith.constant 0 : index
    %get3A_8 = vector.load %arg2[%get3A_5, %get3A_6, %get3A_7] : memref<1x512x128xf32, #tpu.memory_space<vmem>>, vector<1x512x128xf32>
    %get3A_9 = vector.shape_cast %get3A_8 : vector<1x512x128xf32> to vector<512x128xf32>
    %get3A_10 = arith.constant 0 : index
    %get3A_11 = arith.constant 0 : index
    %get3A_12 = arith.constant 0 : index
    %get3A_13 = vector.load %arg3[%get3A_10, %get3A_11, %get3A_12] : memref<1x512x128xf32, #tpu.memory_space<vmem>>, vector<1x512x128xf32>
    %get3A_14 = vector.shape_cast %get3A_13 : vector<1x512x128xf32> to vector<512x128xf32>
    %add3A_15 = arith.addf %get3A_9, %get3A_14 : vector<512x128xf32>
    %get3A_16 = arith.constant 0 : index
    %get3A_17 = arith.constant 0 : index
    %get3A_18 = vector.load %arg4[%get3A_16, %get3A_17] : memref<512x128xf32, #tpu.memory_space<vmem>>, vector<512x128xf32>
    %add3A_19 = arith.addf %add3A_15, %get3A_18 : vector<512x128xf32>
    %broadcast_in_dim3A = vector.shape_cast %rsqrt3A : vector<512xf32> to vector<512x1xf32>
    %mul3A = vector.broadcast %broadcast_in_dim3A : vector<512x1xf32> to vector<512x128xf32>
    %mul3A_20 = arith.mulf %mul3A, %add3A_19 : vector<512x128xf32>
    %get3A_21 = arith.constant 0 : index
    %get3A_22 = arith.constant 0 : index
    %get3A_23 = vector.load %arg5[%get3A_21, %get3A_22] : memref<1x128xf32, #tpu.memory_space<vmem>>, vector<1x128xf32>
    %add3A_24 = vector.broadcast %get3A_23 : vector<1x128xf32> to vector<512x128xf32>
    %add3A_25 = arith.addf %mul3A_20, %add3A_24 : vector<512x128xf32>
    %swap3A = arith.constant 0 : index
    %swap3A_26 = arith.constant 0 : index
    %swap3A_27 = vector.load %arg6[%swap3A, %swap3A_26] : memref<512x128xf32, #tpu.memory_space<vmem>>, vector<512x128xf32>
    tpu.vector_store %arg6[%swap3A, %swap3A_26], %add3A_25 {strides = array<i32>} : memref<512x128xf32, #tpu.memory_space<vmem>>, vector<512x128xf32>,
    return
  }
  func.func @transform_0(%arg0: i32) -> (i32, i32) {
    %c0_i32 = arith.constant 0 : i32
    %c0_i32_0 = arith.constant 0 : i32
    return %c0_i32, %arg0 : i32, i32
  }
  func.func @transform_1(%arg0: i32) -> (i32, i32, i32) {
    %c0_i32 = arith.constant 0 : i32
    %c0_i32_0 = arith.constant 0 : i32
    %c0_i32_1 = arith.constant 0 : i32
    return %c0_i32, %arg0, %c0_i32_0 : i32, i32, i32
  }
  func.func @transform_2(%arg0: i32) -> (i32, i32, i32) {
    %c1_i32 = arith.constant 1 : i32
    %c0_i32 = arith.constant 0 : i32
    %c0_i32_0 = arith.constant 0 : i32
    return %c1_i32, %arg0, %c0_i32 : i32, i32, i32
  }
  func.func @transform_3(%arg0: i32) -> (i32, i32) {
    %c0_i32 = arith.constant 0 : i32
    %c0_i32_0 = arith.constant 0 : i32
    return %arg0, %c0_i32 : i32, i32
  }
  func.func @transform_4(%arg0: i32) -> (i32, i32) {
    %c0_i32 = arith.constant 0 : i32
    %c0_i32_0 = arith.constant 0 : i32
    %c0_i32_1 = arith.constant 0 : i32
    return %c0_i32, %c0_i32_0 : i32, i32
  }
  func.func @transform_5(%arg0: i32) -> (i32, i32) {
    %c0_i32 = arith.constant 0 : i32
    %c0_i32_0 = arith.constant 0 : i32
    return %arg0, %c0_i32 : i32, i32
  }
}

</mosaic_0001>

<sc_bundles>
// kernel: kernel.6.cloned.1.call-start
scs
__scs_entry_jumppad:
0x0: {  	(pc) =	sbr.rel $0x88, $3  }
0x1: {  	(tag) =	ssettag $0x0;
	lr =	simm.s32 $0x1  }
0x2: {  	[smem:$0x3F9D] =	sst lr;
	_ =	strace $0xD0000000  }
0x3: {  	_ = 	snop  }
0x4: {  	_ = 	snop  }
0x5: {  	_ = 	snop  }
0x6: {  	_ = 	snop  }
0x7: {  	_ = 	snop  }
__scs_overlays_trampoline_lowered:
0x8: {  	[smem:$0x3FAC] =	sst s0  }
0x9: {  	[smem:$0x3FAD] =	sst s1  }
0xa: {  	[smem:$0x3FAE] =	sst s2  }
0xb: {  	[smem:$0x3FAF] =	sst s3  }
0xc: {  	[smem:$0x3FB0] =	sst s4  }
0xd: {  	[smem:$0x3FB1] =	sst s5  }
0xe: {  	[smem:$0x3FB2] =	sst s6  }
0xf: {  	[smem:$0x3FB3] =	sst s7  }
0x10: {  	[smem:$0x3FB4] =	sst s8  }
0x11: {  	[smem:$0x3FB5] =	sst s9;
	s0 =	simm.s32 @!p0 $0x0  }
0x12: {  	s1 =	sld [smem:$0x3F9B];
	s0 =	simm.s32 @p0 $0x1  }
0x13: {  	[smem:$0x3FB6] =	sst s0;
	s0 =	simm.s32 @!p1 $0x0  }
0x14: {  	s2 =	sld [smem:$0x3F9A];
	s0 =	simm.s32 @p1 $0x1  }
0x15: {  	[smem:$0x3FB7] =	sst s0;
	s0 =	simm.s32 @!p2 $0x0  }
0x16: {  	s3 =	sld [smem:$0x3FDB];
	s0 =	simm.s32 @p2 $0x1  }
0x17: {  	s4 =	simm.s32 $0x1BF5;
	[smem:$0x3FB9] =	sst s0  }
0x18: {  	s0 =	sld [smem:$0x3F9C];
	_ =	swait.ge [sflag:s4], $0x0  }
0x19: {  	s7 =	sld [smem:$0x3F9D]  }
0x1a: {  	s8 =	sadd.s32 $0xFFFFE003, lr  }
0x1b: {  	s9 =	sadd.s32 $0xFFFFFEF7, lr;
	s5 =	simm.s32 $0xFFFFFFFF;
	p2 =	slt.u32 s8, $0xFFFFF086  }
0x1c: {  	p1 =	slt.u32 s9, $0xF7A;
	s5 =	simm.s32 @!p2 $0x0  }
0x1d: {  	s5 =	simm.s32 @p1 $0x1;
	p0 =	seq.s32 s7, s2  }
0x1e: {  	s7 =	smul.u32 @!p0 $0xF7A, s2;
	p2 =	seq.s32 @!p0 s5, $0x0  }
0x1f: {  	s9 =	smul.u32 $0xF7A, s1;
	s8 =	simm.s32 @!p0 $0x1BF5;
	p2 =	por !p2, p0  }
0x20: {  	[sflag:s8] =	ssyncset.s32 @!p0 $0xFFFFF086;
	s6 =	sadd.s32 @!p0 s3, s7;
	s7 =	simm.s32 @!p0 $0x108  }
0x21: {  	s3 =	sadd.s32 s3, s9;
	s6 =	sadd.s32 @!p0 $0x88, s6;
	s7 =	simm.s32 @p2 $0x1082  }
0x22: {  	[simem:s7], [sflag:s8] =	dma.local @!p0 [hbm:s6], $0xF7A  }
0x23: {  	s9 =	sor.u32 $0xD0000000, s2;
	s6 =	simm.s32 $0x108;
	_ =	swait.ge @!p0 [sflag:s8], $0x0  }
0x24: {  	s3 =	sadd.s32 $0x88, s3;
	s6 =	simm.s32 @!p1 $0x1082;
	[sflag:s4] =	ssyncset.s32 $0xFFFFF086  }
0x25: {  	[simem:s6], [sflag:s4] =	dma.local [hbm:s3], $0xF7A  }
0x26: {  	[smem:$0x3F9D] =	sst s1;
	(tag) =	ssettag s2;
	_ =	strace s9  }
0x27: {  	s1 =	sld [smem:$0x3FAD]  }
0x28: {  	s2 =	sld [smem:$0x3FAE]  }
0x29: {  	s4 =	sld [smem:$0x3FB0]  }
0x2a: {  	p0 =	seq.s32 s5, $0x0;
	s5 =	sld [smem:$0x3FB1]  }
0x2b: {  	s6 =	sld [smem:$0x3FB2]  }
0x2c: {  	s7 =	sld [smem:$0x3FB3]  }
0x2d: {  	s3 =	simm.s32 $0x108;
	s8 =	sld [smem:$0x3FB4]  }
0x2e: {  	s3 =	simm.s32 @!p0 $0x1082;
	s9 =	sld [smem:$0x3FB5]  }
0x2f: {  	lr =	sadd.s32 s0, s3;
	s0 =	sld [smem:$0x3FAC]  }
0x30: {  	s3 =	sld [smem:$0x3FAF]  }
0x31: {  	[smem:$0x3FB8] =	sst s10  }
0x32: {  	s10 =	sld [smem:$0x3FB6];
	_ =	sdelay $0x3  }
0x33: {  	p0 =	seq.s32 s10, $0x1;
	s10 =	sld [smem:$0x3FB8];
	_ =	sdelay $0x3  }
0x34: {  	[smem:$0x3FB8] =	sst s10  }
0x35: {  	s10 =	sld [smem:$0x3FB7];
	_ =	sdelay $0x3  }
0x36: {  	p1 =	seq.s32 s10, $0x1;
	s10 =	sld [smem:$0x3FB8];
	_ =	sdelay $0x3  }
0x37: {  	[smem:$0x3FB8] =	sst s10  }
0x38: {  	s10 =	sld [smem:$0x3FB9]  }
0x39: {  	_ = 	snop;
	(pc) =	sbr.ind lr, $3  }
0x3a: {  	_ = 	snop  }
0x3b: {  	_ = 	snop  }
0x3c: {  	p2 =	seq.s32 s10, $0x1;
	s10 =	sld [smem:$0x3FB8]  }
0x3d: {  	_ =	shalt  }
0x3e: {  	_ =	shalt  }
0x3f: {  	_ =	shalt  }
0x40: {  	_ =	shalt  }
0x41: {  	_ =	shalt  }
0x42: {  	_ =	shalt  }
0x43: {  	_ =	shalt  }
0x44: {  	_ =	shalt  }
0x45: {  	_ =	shalt  }
0x46: {  	_ =	shalt  }
0x47: {  	_ =	shalt  }
0x48: {  	_ =	shalt  }
0x49: {  	_ =	shalt  }
0x4a: {  	_ =	shalt  }
0x4b: {  	_ =	shalt  }
0x4c: {  	_ =	shalt  }
0x4d: {  	_ =	shalt  }
0x4e: {  	_ =	shalt  }
0x4f: {  	_ =	shalt  }
0x50: {  	_ =	shalt  }
0x51: {  	_ =	shalt  }
0x52: {  	_ =	shalt  }
0x53: {  	_ =	shalt  }
0x54: {  	_ =	shalt  }
0x55: {  	_ =	shalt  }
0x56: {  	_ =	shalt  }
0x57: {  	_ =	shalt  }
0x58: {  	_ =	shalt  }
0x59: {  	_ =	shalt  }
0x5a: {  	_ =	shalt  }
0x5b: {  	_ =	shalt  }
0x5c: {  	_ =	shalt  }
0x5d: {  	_ =	shalt  }
0x5e: {  	_ =	shalt  }
0x5f: {  	_ =	shalt  }
0x60: {  	_ =	shalt  }
0x61: {  	_ =	shalt  }
0x62: {  	_ =	shalt  }
0x63: {  	_ =	shalt  }
0x64: {  	_ =	shalt  }
0x65: {  	_ =	shalt  }
0x66: {  	_ =	shalt  }
0x67: {  	_ =	shalt  }
0x68: {  	_ =	shalt  }
0x69: {  	_ =	shalt  }
0x6a: {  	_ =	shalt  }
0x6b: {  	_ =	shalt  }
0x6c: {  	_ =	shalt  }
0x6d: {  	_ =	shalt  }
0x6e: {  	_ =	shalt  }
0x6f: {  	_ =	shalt  }
0x70: {  	_ =	shalt  }
0x71: {  	_ =	shalt  }
0x72: {  	_ =	shalt  }
0x73: {  	_ =	shalt  }
0x74: {  	_ =	shalt  }
0x75: {  	_ =	shalt  }
0x76: {  	_ =	shalt  }
0x77: {  	_ =	shalt  }
0x78: {  	_ =	shalt  }
0x79: {  	_ =	shalt  }
0x7a: {  	_ =	shalt  }
0x7b: {  	_ =	shalt  }
0x7c: {  	_ =	shalt  }
0x7d: {  	_ =	shalt  }
0x7e: {  	_ =	shalt  }
0x7f: {  	_ =	shalt  }
0x80: {  	_ =	shalt  }
0x81: {  	_ =	shalt  }
0x82: {  	_ =	shalt  }
0x83: {  	_ =	shalt  }
0x84: {  	_ =	shalt  }
0x85: {  	_ =	shalt  }
0x86: {  	_ =	shalt  }
0x87: {  	_ =	shalt  }
.Lfunc_end0:
.L_simem_size_0:
called_computation_lowered:
.L_overlay_start_0:
0x88: {  	s2 =	sld [smem:$0x3FD9]  }
0x89: {  	s3 =	sld [smem:$0x3FFE];
	_ =	sdelay $0x1  }
0x8a: {  	s1 =	srdreg.scid  }
0x8b: {  	s0 =	sand.u32 $0x1, s1  }
0x8c: {  	s17 =	sshll.u32 s0, $0xA;
	s2 =	sadd.s32 s3, s2  }
0x8d: {  	s2 =	sadd.s32 s2, s17  }
0x8e: {  	[smem:$0x3FC4] =	sst s2  }
0x8f: {  	_ = 	snop  }
0x90: {  	s2 =	sld [smem:$0x3FD0];
	(tm) =	ssettm $0x1  }
0x91: {  	s18 =	sld [smem:$0x3FFB];
	_ =	sdelay $0x3  }
0x92: {  	_ =	strace s18  }
0x93: {  	s3 =	sld [smem:$0x3FFC];
	_ =	sdelay $0x3  }
0x94: {  	_ =	strace s3  }
0x95: {  	s3 =	sld [smem:$0x3FFD];
	_ =	sdelay $0x3  }
0x96: {  	_ =	strace s3  }
0x97: {  	_ =	strace $0x8FFFFFFF  }
0x98: {  	s19 =	sld [smem:$0x3FDB];
	_ =	sdelay $0x1  }
0x99: {  	s4 =	simm.s32 $_scs_section_size  }
0x9a: {  	s5 =	simm.s32 $_size__tile_overlayer_lowered;
	s6 =	simm.s32 $_tile_overlayer_lowered  }
0x9b: {  	s22 =	simm.s32 $0x1BFF;
	s21 =	sshll.u32 s6, $0x1;
	s3 =	sadd.s32 s4, s19  }
0x9c: {  	s7 =	simm.s32 $0x0;
	s20 =	sshll.u32 s5, $0x1;
	s5 =	sadd.s32 s21, s3  }
0x9d: {  	[timem:s7], [sflag:s22] =	dma.local [hbm:s5], s20  }
0x9e: {  	_ =	swait.ge [sflag:s22], s20  }
0x9f: {  	s4 =	ssub.s32 $0x0, s20;
	[sflag:s22] =	ssyncset.done $0x0  }
0xa0: {  	[sflag:s22] =	ssyncadd.s32 s4;
	_ =	sdelay $0x1  }
0xa1: {  	s23 =	simm.s32 $0x1B8B  }
0xa2: {  	_ =	swait.ge [sflag:s23], $0x1  }
0xa3: {  	[sflag:s23] =	ssyncset.done $0x0  }
0xa4: {  	s25 =	simm.s32 $0x1B8E;
	s24 =	sld [smem:$0x3FFE];
	[sflag:s23] =	ssyncadd.s32 $0xFFFFFFFF  }
0xa5: {  	s26 =	simm.s32 $execute0_lowered;
	[smem:$0x3FD2] =	sst s25  }
0xa6: {  	s5 =	sshll.u32 s26, $0x1;
	_ =	strace $0x80000046;
	[dreg:$0x1] =	wrdreg $0xFFFFFFFF  }
0xa7: {  	s28 =	simm.s32 $_size_execute0_lowered;
	s3 =	sadd.s32 s3, s5;
	[dreg:$0x0] =	wrdreg $0x0  }
0xa8: {  	s5 =	sshll.u32 s28, $0x1;
	[dreg:$0x2] =	wrdreg s3  }
0xa9: {  	[dreg:$0x3] =	wrdreg s5  }
0xaa: {  	[dreg:$0x4] =	wrdreg $0xC0  }
0xab: {  	_ =	task [dreg:s7], $0x5FFFF  }
0xac: {  	[dreg:$0x1] =	wrdreg $0xFFFFFFFF  }
0xad: {  	[dreg:$0x0] =	wrdreg $0x60  }
0xae: {  	[dreg:$0x2] =	wrdreg s2  }
0xaf: {  	[dreg:$0x3] =	wrdreg s24  }
0xb0: {  	[dreg:$0x4] =	wrdreg $0x9  }
0xb1: {  	_ =	task.clear_ibuf [dreg:s7], $0x5FFFF;
	_ =	strace $0x90000046  }
0xb2: {  	s29 =	simm.s32 $0x9;
	_ =	strace $0x80000048  }
0xb3: {  	_ =	swait.ge [sflag:s29], $0x1  }
0xb4: {  	[sflag:s29] =	ssyncadd.s32 $0xFFFFFFFF  }
0xb5: {  	_ =	strace $0x90000048  }
0xb6: {  	_ =	sfence  }
0xb7: {  	s30 =	sld [smem:$0x0];
	_ =	sdelay $0x2  }
0xb8: {  	s31 =	sshll.u32 s1, $0xD;
	s1 =	sshrl.u32 s1, $0x2  }
0xb9: {  	s3 =	sand.u32 $0x4000, s31;
	s1 =	sadd.s32 s1, s30  }
0xba: {  	s0 =	sor.u32 s3, s0;
	s1 =	sshll.u32 s1, $0x11  }
0xbb: {  	s0 =	sor.u32 s1, s0  }
0xbc: {  	s0 =	sadd.s32 $0x8F2B, s0  }
0xbd: {  	[sflag:s0] =	ssyncadd.remote.s32 $0x1  }
0xbe: {  	_ =	sfence.sel $0xFFFF  }
0xbf: {  	[dreg:$0x0] =	wrdreg $0xFFFFFFFF;
	(pc) =	sbr.abs _section_cstart, $3  }
0xc0: {  	[dreg:$0x1] =	wrdreg $0xFFFFFFFF  }
0xc1: {  	_ =	task.clear_ibuf [dreg:s7], $0x2FFFF;
	_ =	strace $0x9FFFFFFF  }
0xc2: {  	(tm) =	ssettm $0x7FFFFFFF  }
0xc3: {  	_ =	shalt  }
tec
execute0_lowered:
.L_overlay_start_1:
0x0: {  	(tag) =	ssettag $0x1  }
0x1: {  	s5 =	rddreg [dreg:$0x0]  }
0x2: {  	s0 =	srdreg.scid;
	s7 =	rddreg [dreg:$0x1]  }
0x3: {  	s10 =	simm.s32 $0x7680;
	s11 =	simm.s32 $0x80;
	s12 =	simm.s32 $0x400  }
0x4: {  	s13 =	simm.s32 $0x4F00;
	s3 =	sand.u32 $0x1, s0;
	s0 =	stileid.u32  }
0x5: {  	s14 =	simm.s32 $0x0;
	s1 =	sshll.u32 s3, $0x4;
	s2 =	sshll.u32 s0, $0x7  }
0x6: {  	s28 =	ssub.s32 $0x2, s3;
	s4 =	sor.u32 s0, s1;
	s1 =	rddreg [dreg:$0x2]  }
0x7: {  	s9 =	sand.u32 $0x380, s2;
	s6 =	sshrl.u32 s4, $0x3;
	s4 =	smul.u32 $0x2710, s4  }
0x8: {  	s2 =	simm.s32 $0x0;
	s30 =	sshrl.u32 s28, $0x1;
	s8 =	smul.u32 $0x14000, s6  }
0x9: {  	[smem:$0x7FF] =	sst s2;
	s31 =	ssub.s32 s28, s30;
	s6 =	smul.u32 $0x13C00, s6  }
0xa: {  	_ =	strace $0x80000047;
	s29 =	sshrl.u32 s4, $0x3;
	s8 =	sor.u32 s9, s8  }
0xb: {  	s6 =	sor.u32 s9, s6;
	s3 =	sadd.s32 s5, s29;
	s9 =	simm.s32 $0x2780  }
0xc: {  	s8 =	sshrl.u32 s8, $0x3;
	s6 =	sshrl.u32 s6, $0x3;
	s4 =	sadd.s32 $0x9C40, s3  }
0xd: {  	s8 =	sadd.s32 s8, s7;
	s6 =	sadd.s32 s6, s7;
	s7 =	smax.u32 s31, $0x1  }
0xe: {  	v0 =	vimm.f32 $0.0e+00;
	v1 =	vimm.f32 $1.000000000e+00;
	s5 =	sadd.s32 $0x2000, s8;
	s6 =	sadd.s32 $0xC000, s6;
	s8 =	simm.s32 $0x1  }
.LBB2_1:
0xf: {  	[tilespmem:s2], [sflag:$0x1] =	stream.linear.gather [hbm4b:s3+s2], $0x2710, $0x38;
	[tilespmem:$0x9E80] =	vst v63  }
0x10: {  	_ =	swait.ge [sflag:s8], $0x2710  }
0x11: {  	[sflag:s8] =	ssyncset.done $0x0  }
0x12: {  	[sflag:s8] =	ssyncadd.s32 $0xFFFFD8F0  }
0x13: {  	[tilespmem:s9], [sflag:$0x1] =	stream.linear.gather [hbm4b:s4+s2], $0x2710, $0x38;
	[tilespmem:$0x9E80] =	vst v63  }
0x14: {  	_ =	swait.ge [sflag:s8], $0x2710  }
0x15: {  	[sflag:s8] =	ssyncset.done $0x0  }
0x16: {  	s15 =	simm.s32 $0x0;
	[sflag:s8] =	ssyncadd.s32 $0xFFFFD8F0  }
.LBB2_2:
0x17: {  	p0 =	sne.s32 s15, $0x9FC0  }
.Ltmp0:
0x18: {  	_ = 	snop;
	(pc) =	sbr.rel @p0 .LBB2_2-.Ltmp0, $3  }
0x19: {  	_ =	sdelay $0x1  }
0x1a: {  	s16 =	sshra.s32 s15, $0x2  }
0x1b: {  	s15 =	sadd.s32 $0x40, s15;
	[tilespmem:s16+$0x7680] =	vst v0  }
0x1c: {  	s15 =	simm.s32 $0x0;
	s16 =	simm.s32 $0x40  }
.LBB2_4:
0x1d: {  	p0 =	sne.s32 s16, $0x9C00;
	v2 =	vld [tilespmem:s15+$0x2780]  }
0x1e: {  	v3 =	vld [tilespmem:s15+$0x0];
	_ =	sdelay $0x2  }
.Ltmp1:
0x1f: {  	(pc) =	sbr.rel @p0 .LBB2_4-.Ltmp1, $4  }
0x20: {  	v4 =	vshll.u32 v2, $0x10  }
0x21: {  	v3 =	vor.u32 v4, v3  }
0x22: {  	[tilespmem:s15+$0x4F00] =	vst v3  }
0x23: {  	s15 =	sshra.s32 s16, $0x2;
	s16 =	sadd.s32 $0x40, s16;
	[tilespmem:v2+s10+$0x0] =	vst.idx.add.f32.msk $0xffff, v1  }
0x24: {  	v2 =	vld [tilespmem:s15+$0x2780]  }
0x25: {  	v3 =	vld [tilespmem:s15+$0x0];
	_ =	sdelay $0x3  }
0x26: {  	v4 =	vshll.u32 v2, $0x10  }
0x27: {  	v3 =	vor.u32 v4, v3  }
0x28: {  	[tilespmem:s15+$0x4F00] =	vst v3  }
0x29: {  	[tilespmem:v2+s10+$0x0] =	vst.idx.add.f32.msk $0xffff, v1  }
0x2a: {  	[hbm4b:s5+s11] =	stream.strided.scatter [tilespmem:s10], [sflag:$0x1], $0x2800, s12, s11, $0x38;
	[tilespmem:$0x9E80] =	vst v63  }
0x2b: {  	s14 =	sadd.s32 $0x1, s14;
	_ =	swait.ge [sflag:s8], $0x2800  }
0x2c: {  	p0 =	sne.s32 s14, s7;
	[sflag:s8] =	ssyncset.done $0x0  }
.Ltmp2:
0x2d: {  	[sflag:s8] =	ssyncadd.s32 $0xFFFFD800;
	(pc) =	sbr.rel @p0 .LBB2_1-.Ltmp2, $4  }
0x2e: {  	[hbm4b:s6+s11] =	stream.strided.scatter [tilespmem:s13], [sflag:$0x1], $0x2780, s12, s11, $0x38;
	[tilespmem:$0x9E80] =	vst v63  }
0x2f: {  	_ =	swait.ge [sflag:s8], $0x2780  }
0x30: {  	[sflag:s8] =	ssyncset.done $0x0  }
0x31: {  	[sflag:s8] =	ssyncadd.s32 $0xFFFFD880  }
0x32: {  	_ =	sfence.sel $0x180000  }
0x33: {  	[bflag:$0x0] =	sbarrier.arrive $0xFFFF  }
0x34: {  	p0 =	sne.s32 s0, $0x0;
	_ =	strace $0x90000047  }
0x35: {  	s0 =	sadd.s32 @!p0 $0x100000, s1;
	[bflag:$0x2] =	sbarrier.arrive $0xFFFF  }
0x36: {  	[sflag:s0] =	ssyncadd.tile.s32 @!p0 $0x1;
	_ =	shalt  }
.Lfunc_end2:
_tile_overlayer_lowered:
.L_overlay_start_2:
0x37: {  	(tag) =	ssettag $0x2  }
0x38: {  	s0 =	rddreg [dreg:$0x0];
	s2 =	stileid.u32  }
0x39: {  	s1 =	rddreg [dreg:$0x1];
	p0 =	sne.s32 s2, $0x0  }
0x3a: {  	s3 =	rddreg [dreg:$0x2];
	[bflag:$0x3] =	sbarrier.arrive $0xFFFF;
	s2 =	simm.s32 @!p0 $0x1C01  }
0x3b: {  	[timem:s3], [sflag:s2] =	dma.local @!p0 [hbm:s0], s1  }
0x3c: {  	s0 =	simm.s32 @!p0 $0x1  }
0x3d: {  	_ =	swait.ge @!p0 [sflag:s0], s1  }
0x3e: {  	s1 =	ssub.s32 @!p0 $0x0, s1;
	[sflag:s0] =	ssyncset.done @!p0 $0x0  }
0x3f: {  	[sflag:s0] =	ssyncadd.s32 @!p0 s1  }
0x40: {  	[bflag:$0x3] =	sbarrier.arrive $0xFFFF  }
0x41: {  	_ =	shalt  }

// kernel: kernel.9.cloned.1.call-start
scs
__scs_entry_jumppad:
0x0: {  	(pc) =	sbr.rel $0x88, $3  }
0x1: {  	(tag) =	ssettag $0x0;
	lr =	simm.s32 $0x1  }
0x2: {  	[smem:$0x3F9D] =	sst lr;
	_ =	strace $0xD0000000  }
0x3: {  	_ = 	snop  }
0x4: {  	_ = 	snop  }
0x5: {  	_ = 	snop  }
0x6: {  	_ = 	snop  }
0x7: {  	_ = 	snop  }
__scs_overlays_trampoline_lowered:
0x8: {  	[smem:$0x3FAC] =	sst s0  }
0x9: {  	[smem:$0x3FAD] =	sst s1  }
0xa: {  	[smem:$0x3FAE] =	sst s2  }
0xb: {  	[smem:$0x3FAF] =	sst s3  }
0xc: {  	[smem:$0x3FB0] =	sst s4  }
0xd: {  	[smem:$0x3FB1] =	sst s5  }
0xe: {  	[smem:$0x3FB2] =	sst s6  }
0xf: {  	[smem:$0x3FB3] =	sst s7  }
0x10: {  	[smem:$0x3FB4] =	sst s8  }
0x11: {  	[smem:$0x3FB5] =	sst s9;
	s0 =	simm.s32 @!p0 $0x0  }
0x12: {  	s1 =	sld [smem:$0x3F9B];
	s0 =	simm.s32 @p0 $0x1  }
0x13: {  	[smem:$0x3FB6] =	sst s0;
	s0 =	simm.s32 @!p1 $0x0  }
0x14: {  	s2 =	sld [smem:$0x3F9A];
	s0 =	simm.s32 @p1 $0x1  }
0x15: {  	[smem:$0x3FB7] =	sst s0;
	s0 =	simm.s32 @!p2 $0x0  }
0x16: {  	s3 =	sld [smem:$0x3FDB];
	s0 =	simm.s32 @p2 $0x1  }
0x17: {  	s4 =	simm.s32 $0x1BF5;
	[smem:$0x3FB9] =	sst s0  }
0x18: {  	s0 =	sld [smem:$0x3F9C];
	_ =	swait.ge [sflag:s4], $0x0  }
0x19: {  	s7 =	sld [smem:$0x3F9D]  }
0x1a: {  	s8 =	sadd.s32 $0xFFFFE003, lr  }
0x1b: {  	s9 =	sadd.s32 $0xFFFFFEF7, lr;
	s5 =	simm.s32 $0xFFFFFFFF;
	p2 =	slt.u32 s8, $0xFFFFF086  }
0x1c: {  	p1 =	slt.u32 s9, $0xF7A;
	s5 =	simm.s32 @!p2 $0x0  }
0x1d: {  	s5 =	simm.s32 @p1 $0x1;
	p0 =	seq.s32 s7, s2  }
0x1e: {  	s7 =	smul.u32 @!p0 $0xF7A, s2;
	p2 =	seq.s32 @!p0 s5, $0x0  }
0x1f: {  	s9 =	smul.u32 $0xF7A, s1;
	s8 =	simm.s32 @!p0 $0x1BF5;
	p2 =	por !p2, p0  }
0x20: {  	[sflag:s8] =	ssyncset.s32 @!p0 $0xFFFFF086;
	s6 =	sadd.s32 @!p0 s3, s7;
	s7 =	simm.s32 @!p0 $0x108  }
0x21: {  	s3 =	sadd.s32 s3, s9;
	s6 =	sadd.s32 @!p0 $0x88, s6;
	s7 =	simm.s32 @p2 $0x1082  }
0x22: {  	[simem:s7], [sflag:s8] =	dma.local @!p0 [hbm:s6], $0xF7A  }
0x23: {  	s9 =	sor.u32 $0xD0000000, s2;
	s6 =	simm.s32 $0x108;
	_ =	swait.ge @!p0 [sflag:s8], $0x0  }
0x24: {  	s3 =	sadd.s32 $0x88, s3;
	s6 =	simm.s32 @!p1 $0x1082;
	[sflag:s4] =	ssyncset.s32 $0xFFFFF086  }
0x25: {  	[simem:s6], [sflag:s4] =	dma.local [hbm:s3], $0xF7A  }
0x26: {  	[smem:$0x3F9D] =	sst s1;
	(tag) =	ssettag s2;
	_ =	strace s9  }
0x27: {  	s1 =	sld [smem:$0x3FAD]  }
0x28: {  	s2 =	sld [smem:$0x3FAE]  }
0x29: {  	s4 =	sld [smem:$0x3FB0]  }
0x2a: {  	p0 =	seq.s32 s5, $0x0;
	s5 =	sld [smem:$0x3FB1]  }
0x2b: {  	s6 =	sld [smem:$0x3FB2]  }
0x2c: {  	s7 =	sld [smem:$0x3FB3]  }
0x2d: {  	s3 =	simm.s32 $0x108;
	s8 =	sld [smem:$0x3FB4]  }
0x2e: {  	s3 =	simm.s32 @!p0 $0x1082;
	s9 =	sld [smem:$0x3FB5]  }
0x2f: {  	lr =	sadd.s32 s0, s3;
	s0 =	sld [smem:$0x3FAC]  }
0x30: {  	s3 =	sld [smem:$0x3FAF]  }
0x31: {  	[smem:$0x3FB8] =	sst s10  }
0x32: {  	s10 =	sld [smem:$0x3FB6];
	_ =	sdelay $0x3  }
0x33: {  	p0 =	seq.s32 s10, $0x1;
	s10 =	sld [smem:$0x3FB8];
	_ =	sdelay $0x3  }
0x34: {  	[smem:$0x3FB8] =	sst s10  }
0x35: {  	s10 =	sld [smem:$0x3FB7];
	_ =	sdelay $0x3  }
0x36: {  	p1 =	seq.s32 s10, $0x1;
	s10 =	sld [smem:$0x3FB8];
	_ =	sdelay $0x3  }
0x37: {  	[smem:$0x3FB8] =	sst s10  }
0x38: {  	s10 =	sld [smem:$0x3FB9]  }
0x39: {  	_ = 	snop;
	(pc) =	sbr.ind lr, $3  }
0x3a: {  	_ = 	snop  }
0x3b: {  	_ = 	snop  }
0x3c: {  	p2 =	seq.s32 s10, $0x1;
	s10 =	sld [smem:$0x3FB8]  }
0x3d: {  	_ =	shalt  }
0x3e: {  	_ =	shalt  }
0x3f: {  	_ =	shalt  }
0x40: {  	_ =	shalt  }
0x41: {  	_ =	shalt  }
0x42: {  	_ =	shalt  }
0x43: {  	_ =	shalt  }
0x44: {  	_ =	shalt  }
0x45: {  	_ =	shalt  }
0x46: {  	_ =	shalt  }
0x47: {  	_ =	shalt  }
0x48: {  	_ =	shalt  }
0x49: {  	_ =	shalt  }
0x4a: {  	_ =	shalt  }
0x4b: {  	_ =	shalt  }
0x4c: {  	_ =	shalt  }
0x4d: {  	_ =	shalt  }
0x4e: {  	_ =	shalt  }
0x4f: {  	_ =	shalt  }
0x50: {  	_ =	shalt  }
0x51: {  	_ =	shalt  }
0x52: {  	_ =	shalt  }
0x53: {  	_ =	shalt  }
0x54: {  	_ =	shalt  }
0x55: {  	_ =	shalt  }
0x56: {  	_ =	shalt  }
0x57: {  	_ =	shalt  }
0x58: {  	_ =	shalt  }
0x59: {  	_ =	shalt  }
0x5a: {  	_ =	shalt  }
0x5b: {  	_ =	shalt  }
0x5c: {  	_ =	shalt  }
0x5d: {  	_ =	shalt  }
0x5e: {  	_ =	shalt  }
0x5f: {  	_ =	shalt  }
0x60: {  	_ =	shalt  }
0x61: {  	_ =	shalt  }
0x62: {  	_ =	shalt  }
0x63: {  	_ =	shalt  }
0x64: {  	_ =	shalt  }
0x65: {  	_ =	shalt  }
0x66: {  	_ =	shalt  }
0x67: {  	_ =	shalt  }
0x68: {  	_ =	shalt  }
0x69: {  	_ =	shalt  }
0x6a: {  	_ =	shalt  }
0x6b: {  	_ =	shalt  }
0x6c: {  	_ =	shalt  }
0x6d: {  	_ =	shalt  }
0x6e: {  	_ =	shalt  }
0x6f: {  	_ =	shalt  }
0x70: {  	_ =	shalt  }
0x71: {  	_ =	shalt  }
0x72: {  	_ =	shalt  }
0x73: {  	_ =	shalt  }
0x74: {  	_ =	shalt  }
0x75: {  	_ =	shalt  }
0x76: {  	_ =	shalt  }
0x77: {  	_ =	shalt  }
0x78: {  	_ =	shalt  }
0x79: {  	_ =	shalt  }
0x7a: {  	_ =	shalt  }
0x7b: {  	_ =	shalt  }
0x7c: {  	_ =	shalt  }
0x7d: {  	_ =	shalt  }
0x7e: {  	_ =	shalt  }
0x7f: {  	_ =	shalt  }
0x80: {  	_ =	shalt  }
0x81: {  	_ =	shalt  }
0x82: {  	_ =	shalt  }
0x83: {  	_ =	shalt  }
0x84: {  	_ =	shalt  }
0x85: {  	_ =	shalt  }
0x86: {  	_ =	shalt  }
0x87: {  	_ =	shalt  }
.Lfunc_end0:
.L_simem_size_0:
called_computation.1_lowered:
.L_overlay_start_0:
0x88: {  	s2 =	sld [smem:$0x3FD9]  }
0x89: {  	s3 =	sld [smem:$0x3FFE];
	_ =	sdelay $0x1  }
0x8a: {  	s1 =	srdreg.scid  }
0x8b: {  	s0 =	sand.u32 $0x1, s1  }
0x8c: {  	s16 =	sshll.u32 s0, $0xA;
	s2 =	sadd.s32 s3, s2  }
0x8d: {  	s2 =	sadd.s32 s2, s16  }
0x8e: {  	[smem:$0x3FC4] =	sst s2  }
0x8f: {  	_ = 	snop  }
0x90: {  	(tm) =	ssettm $0x1  }
0x91: {  	s17 =	sld [smem:$0x3FFB];
	_ =	sdelay $0x3  }
0x92: {  	_ =	strace s17  }
0x93: {  	s2 =	sld [smem:$0x3FFC];
	_ =	sdelay $0x3  }
0x94: {  	_ =	strace s2  }
0x95: {  	s2 =	sld [smem:$0x3FFD];
	_ =	sdelay $0x3  }
0x96: {  	_ =	strace s2  }
0x97: {  	_ =	strace $0x8FFFFFFF  }
0x98: {  	s18 =	sld [smem:$0x3FDB];
	_ =	sdelay $0x1  }
0x99: {  	s19 =	simm.s32 $_scs_section_size  }
0x9a: {  	s4 =	simm.s32 $_size__tile_overlayer_lowered;
	s5 =	simm.s32 $_tile_overlayer_lowered  }
0x9b: {  	s22 =	simm.s32 $0x1BFF;
	s21 =	sshll.u32 s5, $0x1;
	s2 =	sadd.s32 s19, s18  }
0x9c: {  	s6 =	simm.s32 $0x0;
	s20 =	sshll.u32 s4, $0x1;
	s4 =	sadd.s32 s21, s2  }
0x9d: {  	[timem:s6], [sflag:s22] =	dma.local [hbm:s4], s20  }
0x9e: {  	_ =	swait.ge [sflag:s22], s20  }
0x9f: {  	s3 =	ssub.s32 $0x0, s20;
	[sflag:s22] =	ssyncset.done $0x0  }
0xa0: {  	[sflag:s22] =	ssyncadd.s32 s3;
	_ =	sdelay $0x1  }
0xa1: {  	s23 =	simm.s32 $0x1B8B  }
0xa2: {  	_ =	swait.ge [sflag:s23], $0x1  }
0xa3: {  	[sflag:s23] =	ssyncset.done $0x0  }
0xa4: {  	s25 =	simm.s32 $0x1B8E;
	s24 =	sld [smem:$0x3FFE];
	[sflag:s23] =	ssyncadd.s32 $0xFFFFFFFF  }
0xa5: {  	s26 =	simm.s32 $execute0_lowered;
	[smem:$0x3FD2] =	sst s25  }
0xa6: {  	s4 =	sshll.u32 s26, $0x1;
	_ =	strace $0x80000049;
	[dreg:$0x1] =	wrdreg $0xFFFFFFFF  }
0xa7: {  	s28 =	simm.s32 $_size_execute0_lowered;
	s2 =	sadd.s32 s2, s4;
	[dreg:$0x0] =	wrdreg $0x0  }
0xa8: {  	s4 =	sshll.u32 s28, $0x1;
	[dreg:$0x2] =	wrdreg s2  }
0xa9: {  	[dreg:$0x3] =	wrdreg s4  }
0xaa: {  	[dreg:$0x4] =	wrdreg $0xC0  }
0xab: {  	_ =	task [dreg:s6], $0x5FFFF  }
0xac: {  	[dreg:$0x1] =	wrdreg $0xFFFFFFFF  }
0xad: {  	[dreg:$0x0] =	wrdreg $0x60  }
0xae: {  	[dreg:$0x2] =	wrdreg s24  }
0xaf: {  	[dreg:$0x3] =	wrdreg $0xA9800  }
0xb0: {  	[dreg:$0x4] =	wrdreg $0x9  }
0xb1: {  	_ =	task.clear_ibuf [dreg:s6], $0x5FFFF;
	_ =	strace $0x90000049  }
0xb2: {  	s29 =	simm.s32 $0x9;
	_ =	strace $0x8000004B  }
0xb3: {  	_ =	swait.ge [sflag:s29], $0x1  }
0xb4: {  	[sflag:s29] =	ssyncadd.s32 $0xFFFFFFFF  }
0xb5: {  	_ =	strace $0x9000004B  }
0xb6: {  	_ =	sfence  }
0xb7: {  	s30 =	sld [smem:$0x0];
	_ =	sdelay $0x2  }
0xb8: {  	s31 =	sshll.u32 s1, $0xD;
	s1 =	sshrl.u32 s1, $0x2  }
0xb9: {  	s3 =	sand.u32 $0x4000, s31;
	s1 =	sadd.s32 s1, s30  }
0xba: {  	s0 =	sor.u32 s3, s0;
	s1 =	sshll.u32 s1, $0x11  }
0xbb: {  	s0 =	sor.u32 s1, s0  }
0xbc: {  	s0 =	sadd.s32 $0x8F2B, s0  }
0xbd: {  	[sflag:s0] =	ssyncadd.remote.s32 $0x1  }
0xbe: {  	_ =	sfence.sel $0xFFFF  }
0xbf: {  	[dreg:$0x0] =	wrdreg $0xFFFFFFFF;
	(pc) =	sbr.abs _section_cstart, $3  }
0xc0: {  	[dreg:$0x1] =	wrdreg $0xFFFFFFFF  }
0xc1: {  	_ =	task.clear_ibuf [dreg:s6], $0x2FFFF;
	_ =	strace $0x9FFFFFFF  }
0xc2: {  	(tm) =	ssettm $0x7FFFFFFF  }
0xc3: {  	_ =	shalt  }
tec
execute0_lowered:
.L_overlay_start_1:
0x0: {  	(tag) =	ssettag $0x1  }
0x1: {  	s0 =	srdreg.scid;
	s1 =	rddreg [dreg:$0x0]  }
0x2: {  	s8 =	stileid.u32;
	s2 =	rddreg [dreg:$0x1]  }
0x3: {  	s0 =	sand.u32 $0x1, s0;
	s5 =	sshll.u32 s8, $0x7;
	s7 =	smul.u32 $0x14000, s8  }
0x4: {  	s3 =	sshll.u32 s0, $0x4;
	s6 =	smul.u32 $0x140000, s0;
	s0 =	ssub.s32 $0x2, s0  }
0x5: {  	s3 =	sor.u32 s8, s3;
	s8 =	smul.u32 $0x50000, s8;
	s9 =	sshrl.u32 s0, $0x1  }
0x6: {  	s4 =	sshrl.u32 s3, $0x3;
	s3 =	simm.s32 $0x0;
	s0 =	ssub.s32 s0, s9  }
0x7: {  	[smem:$0x7FF] =	sst s3;
	s8 =	sshrl.u32 s8, $0x2;
	s0 =	smax.u32 s0, $0x1  }
0x8: {  	_ =	strace $0x8000004A;
	s8 =	sadd.s32 s8, s2;
	[dreg:$0x17] =	wrdreg s0  }
0x9: {  	s10 =	sadd.s32 $0x800, s8;
	[dreg:$0x3] =	wrdreg s8  }
0xa: {  	s11 =	sadd.s32 $0x1000, s8;
	[dreg:$0x5] =	wrdreg s10  }
0xb: {  	s12 =	sadd.s32 $0x1800, s8;
	[dreg:$0x6] =	wrdreg s11  }
0xc: {  	s13 =	sadd.s32 $0x2000, s8;
	[dreg:$0x7] =	wrdreg s12  }
0xd: {  	s14 =	sadd.s32 $0x2800, s8;
	[dreg:$0x8] =	wrdreg s13  }
0xe: {  	s15 =	sadd.s32 $0x3000, s8;
	[dreg:$0x9] =	wrdreg s14  }
0xf: {  	s16 =	sadd.s32 $0x3800, s8;
	[dreg:$0xa] =	wrdreg s15  }
0x10: {  	s17 =	sadd.s32 $0x4000, s8;
	[dreg:$0xb] =	wrdreg s16  }
0x11: {  	s18 =	sadd.s32 $0x4800, s8;
	[dreg:$0xc] =	wrdreg s17  }
0x12: {  	s19 =	sadd.s32 $0x5000, s8;
	[dreg:$0xd] =	wrdreg s18  }
0x13: {  	s20 =	sadd.s32 $0x5800, s8;
	[dreg:$0xe] =	wrdreg s19  }
0x14: {  	s21 =	sadd.s32 $0x6000, s8;
	[dreg:$0xf] =	wrdreg s20  }
0x15: {  	s22 =	sadd.s32 $0x6800, s8;
	[dreg:$0x10] =	wrdreg s21  }
0x16: {  	s23 =	sadd.s32 $0x7000, s8;
	[dreg:$0x11] =	wrdreg s22  }
0x17: {  	s24 =	sadd.s32 $0x7800, s8;
	[dreg:$0x12] =	wrdreg s23  }
0x18: {  	s25 =	sadd.s32 $0x8000, s8;
	[dreg:$0x13] =	wrdreg s24  }
0x19: {  	s26 =	sadd.s32 $0x8800, s8;
	[dreg:$0x14] =	wrdreg s25  }
0x1a: {  	s6 =	sadd.s32 s7, s6;
	s7 =	sadd.s32 $0xA800, s8;
	[dreg:$0x15] =	wrdreg s26  }
0x1b: {  	s9 =	sadd.s32 $0xB000, s8;
	[dreg:$0x1b] =	wrdreg s7  }
0x1c: {  	[dreg:$0x1c] =	wrdreg s9;
	s10 =	sadd.s32 $0xB800, s8  }
0x1d: {  	s28 =	simm.s32 $0x11;
	s11 =	sadd.s32 $0xC000, s8;
	[dreg:$0x1d] =	wrdreg s10  }
0x1e: {  	s29 =	simm.s32 $0xA;
	s12 =	sadd.s32 $0xC800, s8;
	[dreg:$0x1e] =	wrdreg s11  }
0x1f: {  	s31 =	simm.s32 $0x12;
	s13 =	sadd.s32 $0xD000, s8;
	[dreg:$0x1f] =	wrdreg s12  }
0x20: {  	s30 =	simm.s32 $0x3080;
	s14 =	sadd.s32 $0xD800, s8;
	[smem:$0x7F0] =	sst s13  }
0x21: {  	s5 =	sand.u32 $0x380, s5;
	s15 =	sadd.s32 $0xE000, s8;
	[smem:$0x7F1] =	sst s14  }
0x22: {  	s4 =	smul.u32 $0x13C00, s4;
	s16 =	sadd.s32 $0xE800, s8;
	[smem:$0x7F2] =	sst s15  }
0x23: {  	s6 =	sshrl.u32 s6, $0x3;
	s17 =	sadd.s32 $0xF000, s8;
	[smem:$0x7F3] =	sst s16  }
0x24: {  	s0 =	simm.s32 $0x3;
	s18 =	sadd.s32 $0xF800, s8;
	[smem:$0x7F4] =	sst s17  }
0x25: {  	s5 =	sor.u32 s5, s4;
	s19 =	sadd.s32 $0x10000, s8;
	[smem:$0x7F5] =	sst s18  }
0x26: {  	s4 =	sadd.s32 $0x15E00, s1;
	s20 =	sadd.s32 $0x10800, s8;
	[smem:$0x7F6] =	sst s19  }
0x27: {  	s5 =	sshrl.u32 s5, $0x3;
	s21 =	sadd.s32 $0x11000, s8;
	[smem:$0x7F7] =	sst s20  }
0x28: {  	s22 =	sadd.s32 $0x11800, s8;
	s23 =	sadd.s32 $0x12000, s8;
	[smem:$0x7F8] =	sst s21  }
0x29: {  	s24 =	sadd.s32 $0x12800, s8;
	s25 =	sadd.s32 $0x13000, s8;
	[smem:$0x7F9] =	sst s22  }
0x2a: {  	s26 =	sadd.s32 $0x13800, s8;
	s9 =	simm.s32 $0x5;
	[smem:$0x7FA] =	sst s23  }
0x2b: {  	s7 =	simm.s32 $0x0;
	s5 =	sadd.s32 s5, s1;
	[smem:$0x7FB] =	sst s24  }
0x2c: {  	s1 =	sadd.s32 s6, s1;
	s6 =	sadd.s32 $0xA000, s8;
	[smem:$0x7FC] =	sst s25  }
0x2d: {  	[smem:$0x7FD] =	sst s26;
	s21 =	simm.s32 $0x15;
	s25 =	simm.s32 $0x14  }
0x2e: {  	s11 =	simm.s32 $0x2F80;
	s12 =	simm.s32 $0x7980;
	s13 =	simm.s32 $0x3100  }
0x2f: {  	v0 =	vimm.f32 $0.0e+00;
	v1 =	vlaneseq.u32;
	s15 =	simm.s32 $0x9D80;
	s24 =	simm.s32 $0x7;
	s14 =	simm.s32 $0xF  }
.Ltmp0:
0x30: {  	v2 =	vadd.s32 $0x4, v1;
	v3 =	vadd.s32 $0x14, v1;
	v4 =	vadd.s32 $0x18, v1;
	s5 =	sadd.s32 $0xC000, s5;
	[dreg:$0x1a] =	wrdreg s6;
	(pc) =	sbr.rel .LBB2_1-.Ltmp0, $4  }
0x31: {  	v5 =	vadd.s32 $0x28, v1;
	v6 =	vadd.s32 $0x2C, v1;
	v7 =	vadd.s32 $0x3C, v1;
	s23 =	simm.s32 $0x9;
	s1 =	sadd.s32 $0x3DE00, s1;
	[dreg:$0x4] =	wrdreg s5  }
0x32: {  	v8 =	vor.u32 $0x40, v1;
	v9 =	vor.u32 $0x50, v1;
	v10 =	vadd.s32 $0x54, v1;
	s22 =	simm.s32 $0x9180;
	[dreg:$0x16] =	wrdreg s1;
	s1 =	sadd.s32 $0x9000, s8  }
0x33: {  	v11 =	vadd.s32 $0x64, v1;
	v12 =	vadd.s32 $0x68, v1;
	v13 =	vadd.s32 $0x78, v1;
	s18 =	simm.s32 $0x9D80;
	s5 =	sadd.s32 $0x9800, s8;
	[dreg:$0x18] =	wrdreg s1  }
0x34: {  	v14 =	vadd.s32 $0x7C, v1;
	v15 =	vadd.s32 $0x8C, v1;
	v16 =	vor.u32 $0x90, v1;
	s6 =	simm.s32 $0xB;
	[dreg:$0x19] =	wrdreg s5;
	s5 =	simm.s32 $0xD  }
.LBB2_6:
0x35: {  	_ =	swait.ge [sflag:s29], $0xA00  }
0x36: {  	[sflag:s29] =	ssyncset.done $0x0  }
0x37: {  	[sflag:s29] =	ssyncadd.s32 $0xFFFFF600  }
0x38: {  	[spmem:s2] =	stream.indirect.scatter.add.f32 [tilespmem:s18], [sflag:$0x14], $0x80, s15, s25, $0xb8;
	[tilespmem:$0x1E980] =	vst v63  }
0x39: {  	_ =	swait.ge [sflag:s31], $0xA00  }
0x3a: {  	[sflag:s31] =	ssyncset.done $0x0  }
0x3b: {  	s1 =	simm.s32 $0x13;
	[sflag:s31] =	ssyncadd.s32 $0xFFFFF600  }
0x3c: {  	_ =	swait.ge [sflag:s1], $0xA00  }
0x3d: {  	[sflag:s1] =	ssyncset.done $0x0  }
0x3e: {  	[sflag:s1] =	ssyncadd.s32 $0xFFFFF600  }
0x3f: {  	_ =	swait.ge [sflag:s25], $0xA00  }
0x40: {  	[sflag:s25] =	ssyncset.done $0x0  }
0x41: {  	[sflag:s25] =	ssyncadd.s32 $0xFFFFF600  }
0x42: {  	s19 =	stileid.u32;
	[bflag:$0x0] =	sbarrier.arrive $0xFFFF  }
0x43: {  	s1 =	sshll.u32 s19, $0x6;
	s8 =	rddreg [dreg:$0x3]  }
0x44: {  	s1 =	sor.u32 $0x1C15, s1;
	s10 =	rddreg [dreg:$0x16];
	s7 =	sshrl.u32 s8, $0x3  }
0x45: {  	[hbm:s10], [sflag:s1] =	dma.local [spmem:s7], $0x2800  }
0x46: {  	_ =	swait.ge [sflag:s21], $0x2800  }
0x47: {  	s20 =	sld [smem:$0x7EF];
	_ =	sdelay $0x2  }
0x48: {  	s26 =	rddreg [dreg:$0x17];
	s7 =	sadd.s32 $0x1, s20  }
0x49: {  	p0 =	sne.s32 s7, s26  }
.Ltmp1:
0x4a: {  	_ = 	snop;
	(pc) =	sbr.rel @!p0 .LBB2_7-.Ltmp1, $3  }
0x4b: {  	_ =	sdelay $0x1  }
0x4c: {  	[sflag:s21] =	ssyncset.done $0x0  }
0x4d: {  	s13 =	simm.s32 $0x3100;
	s15 =	simm.s32 $0x9D80;
	[sflag:s21] =	ssyncadd.s32 $0xFFFFD800  }
.LBB2_1:
0x4e: {  	[smem:$0x7EF] =	sst s7  }
0x4f: {  	s1 =	rddreg [dreg:$0x4];
	s26 =	simm.s32 $0x80;
	s10 =	simm.s32 $0x400  }
0x50: {  	[tilespmem:s3], [sflag:$0x15] =	stream.strided.gather [hbm4b:s1+s26], $0x2780, s10, s26, $0x38;
	[tilespmem:$0x1E980] =	vst v63  }
0x51: {  	_ =	swait.ge [sflag:s21], $0x2780  }
0x52: {  	[sflag:s21] =	ssyncset.done $0x0  }
0x53: {  	s7 =	simm.s32 $0x200;
	s1 =	simm.s32 $0x0;
	[sflag:s21] =	ssyncadd.s32 $0xFFFFD880  }
.LBB2_2:
0x54: {  	p0 =	sne.s32 s7, $0x1E00;
	[tilespmem:s1+$0x31F0] =	vst v0  }
0x55: {  	[tilespmem:s1+$0x3180] =	vst v0  }
0x56: {  	[tilespmem:s1+$0x3190] =	vst v0  }
.Ltmp2:
0x57: {  	[tilespmem:s1+$0x31A0] =	vst v0;
	(pc) =	sbr.rel @p0 .LBB2_2-.Ltmp2, $4  }
0x58: {  	[tilespmem:s1+$0x31B0] =	vst v0  }
0x59: {  	[tilespmem:s1+$0x31C0] =	vst v0  }
0x5a: {  	[tilespmem:s1+$0x31D0] =	vst v0  }
0x5b: {  	[tilespmem:s1+$0x31E0] =	vst v0;
	s1 =	sshra.s32 s7, $0x2;
	s7 =	sadd.s32 $0x200, s7  }
0x5c: {  	[tilespmem:s1+$0x31F0] =	vst v0  }
0x5d: {  	[tilespmem:s1+$0x3180] =	vst v0  }
0x5e: {  	[tilespmem:s1+$0x3190] =	vst v0  }
0x5f: {  	[tilespmem:s1+$0x31A0] =	vst v0  }
0x60: {  	[tilespmem:s1+$0x31B0] =	vst v0  }
0x61: {  	[tilespmem:s1+$0x31C0] =	vst v0  }
0x62: {  	[tilespmem:s1+$0x31D0] =	vst v0  }
0x63: {  	[tilespmem:s1+$0x31E0] =	vst v0;
	s10 =	simm.s32 $0x3180  }
0x64: {  	[spmem:s8] =	stream.linear.scatter [tilespmem:s10], [sflag:$0x15], $0x800, $0x38;
	[tilespmem:$0x1E980] =	vst v63  }
0x65: {  	_ =	swait.ge [sflag:s21], $0x800  }
0x66: {  	[sflag:s21] =	ssyncset.done $0x0  }
0x67: {  	s19 =	rddreg [dreg:$0x5];
	[sflag:s21] =	ssyncadd.s32 $0xFFFFF800  }
0x68: {  	[spmem:s19] =	stream.linear.scatter [tilespmem:s10], [sflag:$0x15], $0x800, $0x38;
	[tilespmem:$0x1E980] =	vst v63  }
0x69: {  	_ =	swait.ge [sflag:s21], $0x800  }
0x6a: {  	[sflag:s21] =	ssyncset.done $0x0  }
0x6b: {  	s20 =	rddreg [dreg:$0x6];
	[sflag:s21] =	ssyncadd.s32 $0xFFFFF800  }
0x6c: {  	[spmem:s20] =	stream.linear.scatter [tilespmem:s10], [sflag:$0x15], $0x800, $0x38;
	[tilespmem:$0x1E980] =	vst v63  }
0x6d: {  	_ =	swait.ge [sflag:s21], $0x800  }
0x6e: {  	[sflag:s21] =	ssyncset.done $0x0  }
0x6f: {  	s26 =	rddreg [dreg:$0x7];
	[sflag:s21] =	ssyncadd.s32 $0xFFFFF800  }
0x70: {  	[spmem:s26] =	stream.linear.scatter [tilespmem:s10], [sflag:$0x15], $0x800, $0x38;
	[tilespmem:$0x1E980] =	vst v63  }
0x71: {  	_ =	swait.ge [sflag:s21], $0x800  }
0x72: {  	[sflag:s21] =	ssyncset.done $0x0  }
0x73: {  	s7 =	rddreg [dreg:$0x8];
	[sflag:s21] =	ssyncadd.s32 $0xFFFFF800  }
0x74: {  	[spmem:s7] =	stream.linear.scatter [tilespmem:s10], [sflag:$0x15], $0x800, $0x38;
	[tilespmem:$0x1E980] =	vst v63  }
0x75: {  	_ =	swait.ge [sflag:s21], $0x800  }
0x76: {  	[sflag:s21] =	ssyncset.done $0x0  }
0x77: {  	s8 =	rddreg [dreg:$0x9];
	[sflag:s21] =	ssyncadd.s32 $0xFFFFF800  }
0x78: {  	[spmem:s8] =	stream.linear.scatter [tilespmem:s10], [sflag:$0x15], $0x800, $0x38;
	[tilespmem:$0x1E980] =	vst v63  }
0x79: {  	_ =	swait.ge [sflag:s21], $0x800  }
0x7a: {  	[sflag:s21] =	ssyncset.done $0x0  }
0x7b: {  	s16 =	rddreg [dreg:$0xa];
	[sflag:s21] =	ssyncadd.s32 $0xFFFFF800  }
0x7c: {  	[spmem:s16] =	stream.linear.scatter [tilespmem:s10], [sflag:$0x15], $0x800, $0x38;
	[tilespmem:$0x1E980] =	vst v63  }
0x7d: {  	_ =	swait.ge [sflag:s21], $0x800  }
0x7e: {  	[sflag:s21] =	ssyncset.done $0x0  }
0x7f: {  	s17 =	rddreg [dreg:$0xb];
	[sflag:s21] =	ssyncadd.s32 $0xFFFFF800  }
0x80: {  	[spmem:s17] =	stream.linear.scatter [tilespmem:s10], [sflag:$0x15], $0x800, $0x38;
	[tilespmem:$0x1E980] =	vst v63  }
0x81: {  	_ =	swait.ge [sflag:s21], $0x800  }
0x82: {  	[sflag:s21] =	ssyncset.done $0x0  }
0x83: {  	s19 =	rddreg [dreg:$0xc];
	[sflag:s21] =	ssyncadd.s32 $0xFFFFF800  }
0x84: {  	[spmem:s19] =	stream.linear.scatter [tilespmem:s10], [sflag:$0x15], $0x800, $0x38;
	[tilespmem:$0x1E980] =	vst v63  }
0x85: {  	_ =	swait.ge [sflag:s21], $0x800  }
0x86: {  	[sflag:s21] =	ssyncset.done $0x0  }
0x87: {  	s20 =	rddreg [dreg:$0xd];
	[sflag:s21] =	ssyncadd.s32 $0xFFFFF800  }
0x88: {  	[spmem:s20] =	stream.linear.scatter [tilespmem:s10], [sflag:$0x15], $0x800, $0x38;
	[tilespmem:$0x1E980] =	vst v63  }
0x89: {  	_ =	swait.ge [sflag:s21], $0x800  }
0x8a: {  	[sflag:s21] =	ssyncset.done $0x0  }
0x8b: {  	s26 =	rddreg [dreg:$0xe];
	[sflag:s21] =	ssyncadd.s32 $0xFFFFF800  }
0x8c: {  	[spmem:s26] =	stream.linear.scatter [tilespmem:s10], [sflag:$0x15], $0x800, $0x38;
	[tilespmem:$0x1E980] =	vst v63  }
0x8d: {  	_ =	swait.ge [sflag:s21], $0x800  }
0x8e: {  	[sflag:s21] =	ssyncset.done $0x0  }
0x8f: {  	s7 =	rddreg [dreg:$0xf];
	[sflag:s21] =	ssyncadd.s32 $0xFFFFF800  }
0x90: {  	[spmem:s7] =	stream.linear.scatter [tilespmem:s10], [sflag:$0x15], $0x800, $0x38;
	[tilespmem:$0x1E980] =	vst v63  }
0x91: {  	_ =	swait.ge [sflag:s21], $0x800  }
0x92: {  	[sflag:s21] =	ssyncset.done $0x0  }
0x93: {  	s8 =	rddreg [dreg:$0x10];
	[sflag:s21] =	ssyncadd.s32 $0xFFFFF800  }
0x94: {  	[spmem:s8] =	stream.linear.scatter [tilespmem:s10], [sflag:$0x15], $0x800, $0x38;
	[tilespmem:$0x1E980] =	vst v63  }
0x95: {  	_ =	swait.ge [sflag:s21], $0x800  }
0x96: {  	[sflag:s21] =	ssyncset.done $0x0  }
0x97: {  	s16 =	rddreg [dreg:$0x11];
	[sflag:s21] =	ssyncadd.s32 $0xFFFFF800  }
0x98: {  	[spmem:s16] =	stream.linear.scatter [tilespmem:s10], [sflag:$0x15], $0x800, $0x38;
	[tilespmem:$0x1E980] =	vst v63  }
0x99: {  	_ =	swait.ge [sflag:s21], $0x800  }
0x9a: {  	[sflag:s21] =	ssyncset.done $0x0  }
0x9b: {  	s17 =	rddreg [dreg:$0x12];
	[sflag:s21] =	ssyncadd.s32 $0xFFFFF800  }
0x9c: {  	[spmem:s17] =	stream.linear.scatter [tilespmem:s10], [sflag:$0x15], $0x800, $0x38;
	[tilespmem:$0x1E980] =	vst v63  }
0x9d: {  	_ =	swait.ge [sflag:s21], $0x800  }
0x9e: {  	[sflag:s21] =	ssyncset.done $0x0  }
0x9f: {  	s19 =	rddreg [dreg:$0x13];
	[sflag:s21] =	ssyncadd.s32 $0xFFFFF800  }
0xa0: {  	[spmem:s19] =	stream.linear.scatter [tilespmem:s10], [sflag:$0x15], $0x800, $0x38;
	[tilespmem:$0x1E980] =	vst v63  }
0xa1: {  	_ =	swait.ge [sflag:s21], $0x800  }
0xa2: {  	[sflag:s21] =	ssyncset.done $0x0  }
0xa3: {  	s20 =	rddreg [dreg:$0x14];
	[sflag:s21] =	ssyncadd.s32 $0xFFFFF800  }
0xa4: {  	[spmem:s20] =	stream.linear.scatter [tilespmem:s10], [sflag:$0x15], $0x800, $0x38;
	[tilespmem:$0x1E980] =	vst v63  }
0xa5: {  	_ =	swait.ge [sflag:s21], $0x800  }
0xa6: {  	[sflag:s21] =	ssyncset.done $0x0  }
0xa7: {  	s26 =	rddreg [dreg:$0x15];
	[sflag:s21] =	ssyncadd.s32 $0xFFFFF800  }
0xa8: {  	[spmem:s26] =	stream.linear.scatter [tilespmem:s10], [sflag:$0x15], $0x800, $0x38;
	[tilespmem:$0x1E980] =	vst v63  }
0xa9: {  	_ =	swait.ge [sflag:s21], $0x800  }
0xaa: {  	[sflag:s21] =	ssyncset.done $0x0  }
0xab: {  	s7 =	rddreg [dreg:$0x18];
	[sflag:s21] =	ssyncadd.s32 $0xFFFFF800  }
0xac: {  	[spmem:s7] =	stream.linear.scatter [tilespmem:s10], [sflag:$0x15], $0x800, $0x38;
	[tilespmem:$0x1E980] =	vst v63  }
0xad: {  	_ =	swait.ge [sflag:s21], $0x800  }
0xae: {  	[sflag:s21] =	ssyncset.done $0x0  }
0xaf: {  	s8 =	rddreg [dreg:$0x19];
	[sflag:s21] =	ssyncadd.s32 $0xFFFFF800  }
0xb0: {  	[spmem:s8] =	stream.linear.scatter [tilespmem:s10], [sflag:$0x15], $0x800, $0x38;
	[tilespmem:$0x1E980] =	vst v63  }
0xb1: {  	_ =	swait.ge [sflag:s21], $0x800  }
0xb2: {  	[sflag:s21] =	ssyncset.done $0x0  }
0xb3: {  	s16 =	rddreg [dreg:$0x1a];
	[sflag:s21] =	ssyncadd.s32 $0xFFFFF800  }
0xb4: {  	[spmem:s16] =	stream.linear.scatter [tilespmem:s10], [sflag:$0x15], $0x800, $0x38;
	[tilespmem:$0x1E980] =	vst v63  }
0xb5: {  	_ =	swait.ge [sflag:s21], $0x800  }
0xb6: {  	[sflag:s21] =	ssyncset.done $0x0  }
0xb7: {  	s17 =	rddreg [dreg:$0x1b];
	[sflag:s21] =	ssyncadd.s32 $0xFFFFF800  }
0xb8: {  	[spmem:s17] =	stream.linear.scatter [tilespmem:s10], [sflag:$0x15], $0x800, $0x38;
	[tilespmem:$0x1E980] =	vst v63  }
0xb9: {  	_ =	swait.ge [sflag:s21], $0x800  }
0xba: {  	[sflag:s21] =	ssyncset.done $0x0  }
0xbb: {  	s19 =	rddreg [dreg:$0x1c];
	[sflag:s21] =	ssyncadd.s32 $0xFFFFF800  }
0xbc: {  	[spmem:s19] =	stream.linear.scatter [tilespmem:s10], [sflag:$0x15], $0x800, $0x38;
	[tilespmem:$0x1E980] =	vst v63  }
0xbd: {  	_ =	swait.ge [sflag:s21], $0x800  }
0xbe: {  	[sflag:s21] =	ssyncset.done $0x0  }
0xbf: {  	s20 =	rddreg [dreg:$0x1d];
	[sflag:s21] =	ssyncadd.s32 $0xFFFFF800  }
0xc0: {  	[spmem:s20] =	stream.linear.scatter [tilespmem:s10], [sflag:$0x15], $0x800, $0x38;
	[tilespmem:$0x1E980] =	vst v63  }
0xc1: {  	_ =	swait.ge [sflag:s21], $0x800  }
0xc2: {  	[sflag:s21] =	ssyncset.done $0x0  }
0xc3: {  	s26 =	rddreg [dreg:$0x1e];
	[sflag:s21] =	ssyncadd.s32 $0xFFFFF800  }
0xc4: {  	[spmem:s26] =	stream.linear.scatter [tilespmem:s10], [sflag:$0x15], $0x800, $0x38;
	[tilespmem:$0x1E980] =	vst v63  }
0xc5: {  	_ =	swait.ge [sflag:s21], $0x800  }
0xc6: {  	[sflag:s21] =	ssyncset.done $0x0  }
0xc7: {  	s7 =	rddreg [dreg:$0x1f];
	[sflag:s21] =	ssyncadd.s32 $0xFFFFF800  }
0xc8: {  	[spmem:s7] =	stream.linear.scatter [tilespmem:s10], [sflag:$0x15], $0x800, $0x38;
	[tilespmem:$0x1E980] =	vst v63  }
0xc9: {  	_ =	swait.ge [sflag:s21], $0x800  }
0xca: {  	s8 =	sld [smem:$0x7F0]  }
0xcb: {  	[sflag:s21] =	ssyncset.done $0x0  }
0xcc: {  	[sflag:s21] =	ssyncadd.s32 $0xFFFFF800  }
0xcd: {  	[spmem:s8] =	stream.linear.scatter [tilespmem:s10], [sflag:$0x15], $0x800, $0x38;
	[tilespmem:$0x1E980] =	vst v63  }
0xce: {  	_ =	swait.ge [sflag:s21], $0x800  }
0xcf: {  	s16 =	sld [smem:$0x7F1]  }
0xd0: {  	[sflag:s21] =	ssyncset.done $0x0  }
0xd1: {  	[sflag:s21] =	ssyncadd.s32 $0xFFFFF800  }
0xd2: {  	[spmem:s16] =	stream.linear.scatter [tilespmem:s10], [sflag:$0x15], $0x800, $0x38;
	[tilespmem:$0x1E980] =	vst v63  }
0xd3: {  	_ =	swait.ge [sflag:s21], $0x800  }
0xd4: {  	s17 =	sld [smem:$0x7F2]  }
0xd5: {  	[sflag:s21] =	ssyncset.done $0x0  }
0xd6: {  	[sflag:s21] =	ssyncadd.s32 $0xFFFFF800  }
0xd7: {  	[spmem:s17] =	stream.linear.scatter [tilespmem:s10], [sflag:$0x15], $0x800, $0x38;
	[tilespmem:$0x1E980] =	vst v63  }
0xd8: {  	_ =	swait.ge [sflag:s21], $0x800  }
0xd9: {  	s19 =	sld [smem:$0x7F3]  }
0xda: {  	[sflag:s21] =	ssyncset.done $0x0  }
0xdb: {  	[sflag:s21] =	ssyncadd.s32 $0xFFFFF800  }
0xdc: {  	[spmem:s19] =	stream.linear.scatter [tilespmem:s10], [sflag:$0x15], $0x800, $0x38;
	[tilespmem:$0x1E980] =	vst v63  }
0xdd: {  	_ =	swait.ge [sflag:s21], $0x800  }
0xde: {  	s20 =	sld [smem:$0x7F4]  }
0xdf: {  	[sflag:s21] =	ssyncset.done $0x0  }
0xe0: {  	[sflag:s21] =	ssyncadd.s32 $0xFFFFF800  }
0xe1: {  	[spmem:s20] =	stream.linear.scatter [tilespmem:s10], [sflag:$0x15], $0x800, $0x38;
	[tilespmem:$0x1E980] =	vst v63  }
0xe2: {  	_ =	swait.ge [sflag:s21], $0x800  }
0xe3: {  	s26 =	sld [smem:$0x7F5]  }
0xe4: {  	[sflag:s21] =	ssyncset.done $0x0  }
0xe5: {  	[sflag:s21] =	ssyncadd.s32 $0xFFFFF800  }
0xe6: {  	[spmem:s26] =	stream.linear.scatter [tilespmem:s10], [sflag:$0x15], $0x800, $0x38;
	[tilespmem:$0x1E980] =	vst v63  }
0xe7: {  	_ =	swait.ge [sflag:s21], $0x800  }
0xe8: {  	s7 =	sld [smem:$0x7F6]  }
0xe9: {  	[sflag:s21] =	ssyncset.done $0x0  }
0xea: {  	[sflag:s21] =	ssyncadd.s32 $0xFFFFF800  }
0xeb: {  	[spmem:s7] =	stream.linear.scatter [tilespmem:s10], [sflag:$0x15], $0x800, $0x38;
	[tilespmem:$0x1E980] =	vst v63  }
0xec: {  	_ =	swait.ge [sflag:s21], $0x800  }
0xed: {  	s8 =	sld [smem:$0x7F7]  }
0xee: {  	[sflag:s21] =	ssyncset.done $0x0  }
0xef: {  	[sflag:s21] =	ssyncadd.s32 $0xFFFFF800  }
0xf0: {  	[spmem:s8] =	stream.linear.scatter [tilespmem:s10], [sflag:$0x15], $0x800, $0x38;
	[tilespmem:$0x1E980] =	vst v63  }
0xf1: {  	_ =	swait.ge [sflag:s21], $0x800  }
0xf2: {  	s16 =	sld [smem:$0x7F8]  }
0xf3: {  	[sflag:s21] =	ssyncset.done $0x0  }
0xf4: {  	[sflag:s21] =	ssyncadd.s32 $0xFFFFF800  }
0xf5: {  	[spmem:s16] =	stream.linear.scatter [tilespmem:s10], [sflag:$0x15], $0x800, $0x38;
	[tilespmem:$0x1E980] =	vst v63  }
0xf6: {  	_ =	swait.ge [sflag:s21], $0x800  }
0xf7: {  	s17 =	sld [smem:$0x7F9]  }
0xf8: {  	[sflag:s21] =	ssyncset.done $0x0  }
0xf9: {  	[sflag:s21] =	ssyncadd.s32 $0xFFFFF800  }
0xfa: {  	[spmem:s17] =	stream.linear.scatter [tilespmem:s10], [sflag:$0x15], $0x800, $0x38;
	[tilespmem:$0x1E980] =	vst v63  }
0xfb: {  	_ =	swait.ge [sflag:s21], $0x800  }
0xfc: {  	s19 =	sld [smem:$0x7FA]  }
0xfd: {  	[sflag:s21] =	ssyncset.done $0x0  }
0xfe: {  	[sflag:s21] =	ssyncadd.s32 $0xFFFFF800  }
0xff: {  	[spmem:s19] =	stream.linear.scatter [tilespmem:s10], [sflag:$0x15], $0x800, $0x38;
	[tilespmem:$0x1E980] =	vst v63  }
0x100: {  	_ =	swait.ge [sflag:s21], $0x800  }
0x101: {  	s20 =	sld [smem:$0x7FB]  }
0x102: {  	[sflag:s21] =	ssyncset.done $0x0  }
0x103: {  	[sflag:s21] =	ssyncadd.s32 $0xFFFFF800  }
0x104: {  	[spmem:s20] =	stream.linear.scatter [tilespmem:s10], [sflag:$0x15], $0x800, $0x38;
	[tilespmem:$0x1E980] =	vst v63  }
0x105: {  	_ =	swait.ge [sflag:s21], $0x800  }
0x106: {  	s26 =	sld [smem:$0x7FC]  }
0x107: {  	[sflag:s21] =	ssyncset.done $0x0  }
0x108: {  	[sflag:s21] =	ssyncadd.s32 $0xFFFFF800  }
0x109: {  	[spmem:s26] =	stream.linear.scatter [tilespmem:s10], [sflag:$0x15], $0x800, $0x38;
	[tilespmem:$0x1E980] =	vst v63  }
0x10a: {  	_ =	swait.ge [sflag:s21], $0x800  }
0x10b: {  	s7 =	sld [smem:$0x7FD]  }
0x10c: {  	[sflag:s21] =	ssyncset.done $0x0  }
0x10d: {  	[sflag:s21] =	ssyncadd.s32 $0xFFFFF800  }
0x10e: {  	[spmem:s7] =	stream.linear.scatter [tilespmem:s10], [sflag:$0x15], $0x800, $0x38;
	[tilespmem:$0x1E980] =	vst v63  }
0x10f: {  	_ =	swait.ge [sflag:s21], $0x800  }
0x110: {  	[sflag:s21] =	ssyncset.done $0x0  }
0x111: {  	[sflag:s21] =	ssyncadd.s32 $0xFFFFF800  }
0x112: {  	[bflag:$0x0] =	sbarrier.arrive $0xFFFF  }
0x113: {  	v17 =	vld.idx.msk [tilespmem:v1+s3+$0x0], $0xffff;
	_ =	sdelay $0x4  }
0x114: {  	v18 =	vand.u32 $0xFFFF, v17  }
0x115: {  	v17 =	vshrl.u32 v17, $0x10;
	[tilespmem:$0x2780] =	vst v18  }
0x116: {  	[tilespmem:$0x2C80] =	vst v17  }
0x117: {  	v17 =	vld.idx.msk [tilespmem:v2+s3+$0x0], $0xffff;
	_ =	sdelay $0x4  }
0x118: {  	s8 =	simm.s32 $0x2780;
	v18 =	vand.u32 $0xFFFF, v17  }
0x119: {  	s7 =	simm.s32 $0x2C80;
	v17 =	vshrl.u32 v17, $0x10;
	[tilespmem:v2+s8+$0x0] =	vst.idx.msk $0xffff, v18  }
0x11a: {  	[tilespmem:v2+s7+$0x0] =	vst.idx.msk $0xffff, v17  }
0x11b: {  	[tilespmem:s10], [sflag:$0x1] =	stream.indirect.gather [hbm4b:s4+s25], $0x80, s8, s25, $0xb8;
	[tilespmem:$0x1E980] =	vst v63  }
0x11c: {  	v17 =	vld.idx.msk [tilespmem:v3+s3+$0x0], $0xffff;
	_ =	sdelay $0x4  }
0x11d: {  	v18 =	vand.u32 $0xFFFF, v17  }
0x11e: {  	v17 =	vshrl.u32 v17, $0x10;
	[tilespmem:$0x2800] =	vst v18  }
0x11f: {  	[tilespmem:$0x2D00] =	vst v17  }
0x120: {  	v17 =	vld.idx.msk [tilespmem:v4+s3+$0x0], $0xffff;
	_ =	sdelay $0x4  }
0x121: {  	s16 =	simm.s32 $0x2800;
	v18 =	vand.u32 $0xFFFF, v17  }
0x122: {  	s17 =	simm.s32 $0x2D00;
	v17 =	vshrl.u32 v17, $0x10;
	[tilespmem:v2+s16+$0x0] =	vst.idx.msk $0xffff, v18  }
0x123: {  	s19 =	simm.s32 $0x3D80;
	[tilespmem:v2+s17+$0x0] =	vst.idx.msk $0xffff, v17  }
0x124: {  	[tilespmem:s19], [sflag:$0x2] =	stream.indirect.gather [hbm4b:s4+s25], $0x80, s16, s25, $0xb8;
	[tilespmem:$0x1E980] =	vst v63  }
0x125: {  	v17 =	vld.idx.msk [tilespmem:v5+s3+$0x0], $0xffff;
	_ =	sdelay $0x4  }
0x126: {  	v18 =	vand.u32 $0xFFFF, v17  }
0x127: {  	v17 =	vshrl.u32 v17, $0x10;
	[tilespmem:$0x2880] =	vst v18  }
0x128: {  	[tilespmem:$0x2D80] =	vst v17  }
0x129: {  	v17 =	vld.idx.msk [tilespmem:v6+s3+$0x0], $0xffff;
	_ =	sdelay $0x4  }
0x12a: {  	s20 =	simm.s32 $0x2880;
	v18 =	vand.u32 $0xFFFF, v17  }
0x12b: {  	s26 =	simm.s32 $0x2D80;
	v17 =	vshrl.u32 v17, $0x10;
	[tilespmem:v2+s20+$0x0] =	vst.idx.msk $0xffff, v18  }
0x12c: {  	s8 =	simm.s32 $0x4980;
	[tilespmem:v2+s26+$0x0] =	vst.idx.msk $0xffff, v17  }
0x12d: {  	[tilespmem:s8], [sflag:$0x3] =	stream.indirect.gather [hbm4b:s4+s25], $0x80, s20, s25, $0xb8;
	[tilespmem:$0x1E980] =	vst v63  }
0x12e: {  	v17 =	vld.idx.msk [tilespmem:v7+s3+$0x0], $0xffff;
	_ =	sdelay $0x4  }
0x12f: {  	v18 =	vand.u32 $0xFFFF, v17  }
0x130: {  	v17 =	vshrl.u32 v17, $0x10;
	[tilespmem:$0x2900] =	vst v18  }
0x131: {  	[tilespmem:$0x2E00] =	vst v17  }
0x132: {  	v17 =	vld.idx.msk [tilespmem:v8+s3+$0x0], $0xffff;
	_ =	sdelay $0x4  }
0x133: {  	s10 =	simm.s32 $0x2900;
	v18 =	vand.u32 $0xFFFF, v17  }
0x134: {  	s16 =	simm.s32 $0x2E00;
	v17 =	vshrl.u32 v17, $0x10;
	[tilespmem:v2+s10+$0x0] =	vst.idx.msk $0xffff, v18  }
0x135: {  	s17 =	simm.s32 $0x5580;
	[tilespmem:v2+s16+$0x0] =	vst.idx.msk $0xffff, v17  }
0x136: {  	[tilespmem:s17], [sflag:$0x4] =	stream.indirect.gather [hbm4b:s4+s25], $0x80, s10, s25, $0xb8;
	[tilespmem:$0x1E980] =	vst v63  }
0x137: {  	v17 =	vld.idx.msk [tilespmem:v9+s3+$0x0], $0xffff;
	_ =	sdelay $0x4  }
0x138: {  	v18 =	vand.u32 $0xFFFF, v17  }
0x139: {  	v17 =	vshrl.u32 v17, $0x10;
	[tilespmem:$0x2980] =	vst v18  }
0x13a: {  	[tilespmem:$0x2E80] =	vst v17  }
0x13b: {  	v17 =	vld.idx.msk [tilespmem:v10+s3+$0x0], $0xffff;
	_ =	sdelay $0x4  }
0x13c: {  	s19 =	simm.s32 $0x2980;
	v18 =	vand.u32 $0xFFFF, v17  }
0x13d: {  	s20 =	simm.s32 $0x2E80;
	v17 =	vshrl.u32 v17, $0x10;
	[tilespmem:v2+s19+$0x0] =	vst.idx.msk $0xffff, v18  }
0x13e: {  	s26 =	simm.s32 $0x6180;
	[tilespmem:v2+s20+$0x0] =	vst.idx.msk $0xffff, v17  }
0x13f: {  	[tilespmem:s26], [sflag:$0x5] =	stream.indirect.gather [hbm4b:s4+s25], $0x80, s19, s25, $0xb8;
	[tilespmem:$0x1E980] =	vst v63  }
0x140: {  	v17 =	vld.idx.msk [tilespmem:v11+s3+$0x0], $0xffff;
	_ =	sdelay $0x4  }
0x141: {  	v18 =	vand.u32 $0xFFFF, v17  }
0x142: {  	v17 =	vshrl.u32 v17, $0x10;
	[tilespmem:$0x2A00] =	vst v18  }
0x143: {  	[tilespmem:$0x2F00] =	vst v17  }
0x144: {  	v17 =	vld.idx.msk [tilespmem:v12+s3+$0x0], $0xffff;
	_ =	sdelay $0x4  }
0x145: {  	s8 =	simm.s32 $0x2A00;
	v18 =	vand.u32 $0xFFFF, v17  }
0x146: {  	s10 =	simm.s32 $0x2F00;
	v17 =	vshrl.u32 v17, $0x10;
	[tilespmem:v2+s8+$0x0] =	vst.idx.msk $0xffff, v18  }
0x147: {  	s16 =	simm.s32 $0x6D80;
	[tilespmem:v2+s10+$0x0] =	vst.idx.msk $0xffff, v17  }
0x148: {  	[tilespmem:s16], [sflag:$0x6] =	stream.indirect.gather [hbm4b:s4+s25], $0x80, s8, s25, $0xb8;
	[tilespmem:$0x1E980] =	vst v63  }
0x149: {  	v17 =	vld.idx.msk [tilespmem:v13+s3+$0x0], $0xffff;
	_ =	sdelay $0x4  }
0x14a: {  	v18 =	vand.u32 $0xFFFF, v17  }
0x14b: {  	v17 =	vshrl.u32 v17, $0x10;
	[tilespmem:$0x2A80] =	vst v18  }
0x14c: {  	[tilespmem:$0x2F80] =	vst v17  }
0x14d: {  	v17 =	vld.idx.msk [tilespmem:v14+s3+$0x0], $0xffff;
	_ =	sdelay $0x4  }
0x14e: {  	s17 =	simm.s32 $0x2A80;
	v18 =	vand.u32 $0xFFFF, v17  }
0x14f: {  	v17 =	vshrl.u32 v17, $0x10;
	[tilespmem:v2+s17+$0x0] =	vst.idx.msk $0xffff, v18  }
0x150: {  	[tilespmem:v2+s11+$0x0] =	vst.idx.msk $0xffff, v17  }
0x151: {  	[tilespmem:s12], [sflag:$0x7] =	stream.indirect.gather [hbm4b:s4+s25], $0x80, s17, s25, $0xb8;
	[tilespmem:$0x1E980] =	vst v63  }
0x152: {  	v17 =	vld.idx.msk [tilespmem:v15+s3+$0x0], $0xffff;
	_ =	sdelay $0x4  }
0x153: {  	v18 =	vand.u32 $0xFFFF, v17  }
0x154: {  	v17 =	vshrl.u32 v17, $0x10;
	[tilespmem:$0x2B00] =	vst v18  }
0x155: {  	[tilespmem:$0x3000] =	vst v17  }
0x156: {  	v17 =	vld.idx.msk [tilespmem:v16+s3+$0x0], $0xffff;
	_ =	sdelay $0x4  }
0x157: {  	s19 =	simm.s32 $0x2B00;
	v18 =	vand.u32 $0xFFFF, v17  }
0x158: {  	s20 =	simm.s32 $0x3000;
	v17 =	vshrl.u32 v17, $0x10;
	[tilespmem:v2+s19+$0x0] =	vst.idx.msk $0xffff, v18  }
0x159: {  	s26 =	simm.s32 $0x8580;
	[tilespmem:v2+s20+$0x0] =	vst.idx.msk $0xffff, v17  }
0x15a: {  	[tilespmem:s26], [sflag:$0x8] =	stream.indirect.gather [hbm4b:s4+s25], $0x80, s19, s25, $0xb8;
	[tilespmem:$0x1E980] =	vst v63  }
0x15b: {  	s1 =	simm.s32 $0x154;
	s20 =	simm.s32 $0x7980;
	s19 =	simm.s32 $0x2F80  }
.LBB2_4:
0x15c: {  	s7 =	simm.s32 $0x1  }
0x15d: {  	_ =	swait.ge [sflag:s7], $0xA00  }
0x15e: {  	s11 =	simm.s32 $0x2C80;
	s8 =	simm.s32 $0x3180;
	[sflag:s7] =	ssyncset.done $0x0  }
0x15f: {  	s12 =	sadd.s32 $0xFFFFFF4C, s1;
	p0 =	seq.s32 s1, $0x154;
	[sflag:s7] =	ssyncadd.s32 $0xFFFFF600  }
0x160: {  	v17 =	vadd.s32 s12, v1;
	[spmem:s2] =	stream.indirect.scatter.add.f32 [tilespmem:s8], [sflag:$0xB], $0x80, s11, s25, $0xb8;
	[tilespmem:$0x1E980] =	vst v63  }
0x161: {  	s8 =	simm.s32 @!p0 $0x13  }
0x162: {  	_ =	swait.ge @!p0 [sflag:s8], $0xA00  }
0x163: {  	[sflag:s8] =	ssyncset.done @!p0 $0x0  }
0x164: {  	[sflag:s8] =	ssyncadd.s32 @!p0 $0xFFFFF600  }
0x165: {  	v17 =	vld.idx.msk [tilespmem:v17+s3+$0x0], $0xffff;
	_ =	sdelay $0x2  }
0x166: {  	v18 =	vadd.s32 s12, v2;
	_ =	sdelay $0x1  }
0x167: {  	v19 =	vand.u32 $0xFFFF, v17  }
0x168: {  	v17 =	vshrl.u32 v17, $0x10;
	[tilespmem:$0x2B80] =	vst v19  }
0x169: {  	[tilespmem:$0x3080] =	vst v17  }
0x16a: {  	v17 =	vld.idx.msk [tilespmem:v18+s3+$0x0], $0xffff;
	_ =	sdelay $0x4  }
0x16b: {  	s16 =	simm.s32 $0x2B80;
	v18 =	vand.u32 $0xFFFF, v17  }
0x16c: {  	v17 =	vshrl.u32 v17, $0x10;
	[tilespmem:v2+s16+$0x0] =	vst.idx.msk $0xffff, v18  }
0x16d: {  	s17 =	simm.s32 $0x2;
	[tilespmem:v2+s30+$0x0] =	vst.idx.msk $0xffff, v17  }
0x16e: {  	[tilespmem:s22], [sflag:$0x9] =	stream.indirect.gather [hbm4b:s4+s25], $0x80, s16, s25, $0xb8;
	[tilespmem:$0x1E980] =	vst v63  }
0x16f: {  	_ =	swait.ge [sflag:s17], $0xA00  }
0x170: {  	s26 =	sadd.s32 $0xFFFFFF60, s1;
	s10 =	simm.s32 $0x3D80;
	[sflag:s17] =	ssyncset.done $0x0  }
0x171: {  	s11 =	simm.s32 $0x2D00;
	s8 =	simm.s32 @!p0 $0x14;
	v17 =	vadd.s32 s26, v1;
	[sflag:s17] =	ssyncadd.s32 $0xFFFFF600  }
0x172: {  	[spmem:s2] =	stream.indirect.scatter.add.f32 [tilespmem:s10], [sflag:$0xC], $0x80, s11, s25, $0xb8;
	[tilespmem:$0x1E980] =	vst v63  }
0x173: {  	_ =	swait.ge @!p0 [sflag:s8], $0xA00  }
0x174: {  	[sflag:s8] =	ssyncset.done @!p0 $0x0  }
0x175: {  	[sflag:s8] =	ssyncadd.s32 @!p0 $0xFFFFF600  }
0x176: {  	v17 =	vld.idx.msk [tilespmem:v17+s3+$0x0], $0xffff;
	_ =	sdelay $0x2  }
0x177: {  	v18 =	vadd.s32 s26, v2;
	_ =	sdelay $0x1  }
0x178: {  	v19 =	vand.u32 $0xFFFF, v17  }
0x179: {  	v17 =	vshrl.u32 v17, $0x10;
	[tilespmem:$0x2C00] =	vst v19  }
0x17a: {  	[tilespmem:$0x3100] =	vst v17  }
0x17b: {  	v17 =	vld.idx.msk [tilespmem:v18+s3+$0x0], $0xffff;
	_ =	sdelay $0x4  }
0x17c: {  	s12 =	simm.s32 $0x2C00;
	v18 =	vand.u32 $0xFFFF, v17  }
0x17d: {  	v17 =	vshrl.u32 v17, $0x10;
	[tilespmem:v2+s12+$0x0] =	vst.idx.msk $0xffff, v18  }
0x17e: {  	[tilespmem:v2+s13+$0x0] =	vst.idx.msk $0xffff, v17  }
0x17f: {  	[tilespmem:s15], [sflag:$0xA] =	stream.indirect.gather [hbm4b:s4+s25], $0x80, s12, s25, $0xb8;
	[tilespmem:$0x1E980] =	vst v63  }
0x180: {  	_ =	swait.ge [sflag:s0], $0xA00  }
0x181: {  	[sflag:s0] =	ssyncset.done $0x0  }
0x182: {  	s16 =	simm.s32 $0x4980;
	s15 =	simm.s32 $0x2D80;
	[sflag:s0] =	ssyncadd.s32 $0xFFFFF600  }
0x183: {  	[spmem:s2] =	stream.indirect.scatter.add.f32 [tilespmem:s16], [sflag:$0xD], $0x80, s15, s25, $0xb8;
	[tilespmem:$0x1E980] =	vst v63  }
0x184: {  	_ =	swait.ge [sflag:s6], $0xA00  }
0x185: {  	p0 =	seq.s32 s1, $0x279C;
	[sflag:s6] =	ssyncset.done $0x0  }
0x186: {  	s7 =	simm.s32 @p0 $0x4;
	[sflag:s6] =	ssyncadd.s32 $0xFFFFF600  }
0x187: {  	_ =	swait.ge @p0 [sflag:s7], $0xA00  }
0x188: {  	s10 =	simm.s32 @p0 $0x14;
	s8 =	simm.s32 @p0 $0x5580;
	[sflag:s7] =	ssyncset.done @p0 $0x0  }
0x189: {  	s11 =	sadd.s32 @!p0 $0xFFFFFF74, s1;
	v18 =	vlaneseq.u32 @!p0;
	[sflag:s7] =	ssyncadd.s32 @p0 $0xFFFFF600;
	s7 =	simm.s32 @p0 $0x2E00  }
0x18a: {  	v17 =	vadd.s32 @!p0 s11, v18;
	[spmem:s2] =	stream.indirect.scatter.add.f32 @p0 [tilespmem:s8], [sflag:$0xE], $0x80, s7, s10, $0xb8;
	[tilespmem:$0x1E980] =	vst v63  }
0x18b: {  	s7 =	simm.s32 @p0 $0xC  }
0x18c: {  	_ =	swait.ge @p0 [sflag:s7], $0xA00  }
0x18d: {  	[sflag:s7] =	ssyncset.done @p0 $0x0  }
0x18e: {  	[sflag:s7] =	ssyncadd.s32 @p0 $0xFFFFF600;
	s7 =	simm.s32 @!p0 $0x0  }
0x18f: {  	v19 =	vld.idx.msk @!p0 [tilespmem:v17+s7+$0x0], $0xffff;
	_ =	sdelay $0x1  }
0x190: {  	v17 =	vadd.s32 @!p0 $0x4, v18  }
0x191: {  	v20 =	vadd.s32 @!p0 s11, v17;
	_ =	sdelay $0x1  }
0x192: {  	v21 =	vand.u32 @!p0 $0xFFFF, v19  }
0x193: {  	v19 =	vshrl.u32 @!p0 v19, $0x10;
	[tilespmem:$0x2780] =	vst @!p0 v21  }
0x194: {  	[tilespmem:$0x2C80] =	vst @!p0 v19  }
0x195: {  	v19 =	vld.idx.msk @!p0 [tilespmem:v20+s7+$0x0], $0xffff;
	_ =	sdelay $0x4  }
0x196: {  	s11 =	simm.s32 @!p0 $0x2780;
	v20 =	vand.u32 @!p0 $0xFFFF, v19  }
0x197: {  	s8 =	simm.s32 @!p0 $0x2C80;
	v19 =	vshrl.u32 @!p0 v19, $0x10;
	[tilespmem:v17+s11+$0x0] =	vst.idx.msk @!p0 $0xffff, v20  }
0x198: {  	s12 =	simm.s32 @!p0 $0x3180;
	[tilespmem:v17+s8+$0x0] =	vst.idx.msk @!p0 $0xffff, v19;
	s8 =	simm.s32 @!p0 $0x14  }
0x199: {  	[tilespmem:s12], [sflag:$0x1] =	stream.indirect.gather @!p0 [hbm4b:s4+s8], $0x80, s11, s8, $0xb8;
	[tilespmem:$0x1E980] =	vst v63  }
0x19a: {  	s11 =	simm.s32 @!p0 $0x4  }
0x19b: {  	_ =	swait.ge @!p0 [sflag:s11], $0xA00  }
0x19c: {  	s13 =	sadd.s32 @!p0 $0xFFFFFF88, s1;
	s16 =	simm.s32 @!p0 $0xC;
	[sflag:s11] =	ssyncset.done @!p0 $0x0  }
0x19d: {  	v19 =	vadd.s32 @!p0 s13, v18;
	s12 =	simm.s32 @!p0 $0x5580;
	[sflag:s11] =	ssyncadd.s32 @!p0 $0xFFFFF600;
	s11 =	simm.s32 @!p0 $0x2E00  }
0x19e: {  	[spmem:s2] =	stream.indirect.scatter.add.f32 @!p0 [tilespmem:s12], [sflag:$0xE], $0x80, s11, s8, $0xb8;
	[tilespmem:$0x1E980] =	vst v63  }
0x19f: {  	_ =	swait.ge @!p0 [sflag:s16], $0xA00  }
0x1a0: {  	[sflag:s16] =	ssyncset.done @!p0 $0x0  }
0x1a1: {  	[sflag:s16] =	ssyncadd.s32 @!p0 $0xFFFFF600  }
0x1a2: {  	v19 =	vld.idx.msk @!p0 [tilespmem:v19+s7+$0x0], $0xffff;
	_ =	sdelay $0x2  }
0x1a3: {  	v20 =	vadd.s32 @!p0 s13, v17;
	_ =	sdelay $0x1  }
0x1a4: {  	v21 =	vand.u32 @!p0 $0xFFFF, v19  }
0x1a5: {  	v19 =	vshrl.u32 @!p0 v19, $0x10;
	[tilespmem:$0x2800] =	vst @!p0 v21  }
0x1a6: {  	[tilespmem:$0x2D00] =	vst @!p0 v19  }
0x1a7: {  	v19 =	vld.idx.msk @!p0 [tilespmem:v20+s7+$0x0], $0xffff;
	_ =	sdelay $0x4  }
0x1a8: {  	s13 =	simm.s32 @!p0 $0x2800;
	v20 =	vand.u32 @!p0 $0xFFFF, v19  }
0x1a9: {  	s16 =	simm.s32 @!p0 $0x2D00;
	v19 =	vshrl.u32 @!p0 v19, $0x10;
	[tilespmem:v17+s13+$0x0] =	vst.idx.msk @!p0 $0xffff, v20  }
0x1aa: {  	[tilespmem:v17+s16+$0x0] =	vst.idx.msk @!p0 $0xffff, v19;
	s16 =	simm.s32 @!p0 $0x3D80  }
0x1ab: {  	[tilespmem:s16], [sflag:$0x2] =	stream.indirect.gather @!p0 [hbm4b:s4+s8], $0x80, s13, s8, $0xb8;
	[tilespmem:$0x1E980] =	vst v63  }
0x1ac: {  	_ =	swait.ge [sflag:s9], $0xA00  }
0x1ad: {  	[sflag:s9] =	ssyncset.done $0x0  }
0x1ae: {  	s26 =	simm.s32 $0x6180;
	s17 =	simm.s32 $0x2E80;
	[sflag:s9] =	ssyncadd.s32 $0xFFFFF600  }
0x1af: {  	[spmem:s2] =	stream.indirect.scatter.add.f32 [tilespmem:s26], [sflag:$0xF], $0x80, s17, s25, $0xb8;
	[tilespmem:$0x1E980] =	vst v63  }
0x1b0: {  	_ =	swait.ge [sflag:s5], $0xA00  }
0x1b1: {  	[sflag:s5] =	ssyncset.done $0x0  }
0x1b2: {  	s13 =	simm.s32 @p0 $0x6;
	[sflag:s5] =	ssyncadd.s32 $0xFFFFF600  }
0x1b3: {  	_ =	swait.ge @p0 [sflag:s13], $0xA00  }
0x1b4: {  	s16 =	simm.s32 @p0 $0x6D80;
	[sflag:s13] =	ssyncset.done @p0 $0x0  }
0x1b5: {  	s17 =	sadd.s32 @!p0 $0xFFFFFF9C, s1;
	[sflag:s13] =	ssyncadd.s32 @p0 $0xFFFFF600;
	s13 =	simm.s32 @p0 $0x2F00  }
0x1b6: {  	v19 =	vadd.s32 @!p0 s17, v18;
	[spmem:s2] =	stream.indirect.scatter.add.f32 @p0 [tilespmem:s16], [sflag:$0x10], $0x80, s13, s10, $0xb8;
	[tilespmem:$0x1E980] =	vst v63  }
0x1b7: {  	s13 =	simm.s32 @p0 $0xE  }
0x1b8: {  	_ =	swait.ge @p0 [sflag:s13], $0xA00  }
0x1b9: {  	[sflag:s13] =	ssyncset.done @p0 $0x0  }
0x1ba: {  	[sflag:s13] =	ssyncadd.s32 @p0 $0xFFFFF600  }
0x1bb: {  	v19 =	vld.idx.msk @!p0 [tilespmem:v19+s7+$0x0], $0xffff;
	_ =	sdelay $0x2  }
0x1bc: {  	v20 =	vadd.s32 @!p0 s17, v17;
	_ =	sdelay $0x1  }
0x1bd: {  	v21 =	vand.u32 @!p0 $0xFFFF, v19  }
0x1be: {  	v19 =	vshrl.u32 @!p0 v19, $0x10;
	[tilespmem:$0x2880] =	vst @!p0 v21  }
0x1bf: {  	[tilespmem:$0x2D80] =	vst @!p0 v19  }
0x1c0: {  	v19 =	vld.idx.msk @!p0 [tilespmem:v20+s7+$0x0], $0xffff;
	_ =	sdelay $0x4  }
0x1c1: {  	s13 =	simm.s32 @!p0 $0x2880;
	v20 =	vand.u32 @!p0 $0xFFFF, v19  }
0x1c2: {  	s16 =	simm.s32 @!p0 $0x2D80;
	v19 =	vshrl.u32 @!p0 v19, $0x10;
	[tilespmem:v17+s13+$0x0] =	vst.idx.msk @!p0 $0xffff, v20  }
0x1c3: {  	[tilespmem:v17+s16+$0x0] =	vst.idx.msk @!p0 $0xffff, v19;
	s16 =	simm.s32 @!p0 $0x4980  }
0x1c4: {  	[tilespmem:s16], [sflag:$0x3] =	stream.indirect.gather @!p0 [hbm4b:s4+s8], $0x80, s13, s8, $0xb8;
	[tilespmem:$0x1E980] =	vst v63  }
0x1c5: {  	s13 =	simm.s32 @!p0 $0x6  }
0x1c6: {  	_ =	swait.ge @!p0 [sflag:s13], $0xA00  }
0x1c7: {  	s26 =	simm.s32 @!p0 $0xE;
	s17 =	sadd.s32 @!p0 $0xFFFFFFB0, s1;
	[sflag:s13] =	ssyncset.done @!p0 $0x0  }
0x1c8: {  	v19 =	vadd.s32 @!p0 s17, v18;
	s16 =	simm.s32 @!p0 $0x6D80;
	[sflag:s13] =	ssyncadd.s32 @!p0 $0xFFFFF600;
	s13 =	simm.s32 @!p0 $0x2F00  }
0x1c9: {  	[spmem:s2] =	stream.indirect.scatter.add.f32 @!p0 [tilespmem:s16], [sflag:$0x10], $0x80, s13, s8, $0xb8;
	[tilespmem:$0x1E980] =	vst v63  }
0x1ca: {  	_ =	swait.ge @!p0 [sflag:s26], $0xA00  }
0x1cb: {  	[sflag:s26] =	ssyncset.done @!p0 $0x0  }
0x1cc: {  	[sflag:s26] =	ssyncadd.s32 @!p0 $0xFFFFF600  }
0x1cd: {  	v19 =	vld.idx.msk @!p0 [tilespmem:v19+s7+$0x0], $0xffff;
	_ =	sdelay $0x2  }
0x1ce: {  	v20 =	vadd.s32 @!p0 s17, v17;
	_ =	sdelay $0x1  }
0x1cf: {  	v21 =	vand.u32 @!p0 $0xFFFF, v19  }
0x1d0: {  	v19 =	vshrl.u32 @!p0 v19, $0x10;
	[tilespmem:$0x2900] =	vst @!p0 v21  }
0x1d1: {  	[tilespmem:$0x2E00] =	vst @!p0 v19  }
0x1d2: {  	v19 =	vld.idx.msk @!p0 [tilespmem:v20+s7+$0x0], $0xffff;
	_ =	sdelay $0x4  }
0x1d3: {  	s17 =	simm.s32 @!p0 $0x2900;
	v20 =	vand.u32 @!p0 $0xFFFF, v19  }
0x1d4: {  	v19 =	vshrl.u32 @!p0 v19, $0x10;
	[tilespmem:v17+s17+$0x0] =	vst.idx.msk @!p0 $0xffff, v20  }
0x1d5: {  	[tilespmem:v17+s11+$0x0] =	vst.idx.msk @!p0 $0xffff, v19  }
0x1d6: {  	[tilespmem:s12], [sflag:$0x4] =	stream.indirect.gather @!p0 [hbm4b:s4+s8], $0x80, s17, s8, $0xb8;
	[tilespmem:$0x1E980] =	vst v63  }
0x1d7: {  	_ =	swait.ge [sflag:s24], $0xA00  }
0x1d8: {  	[sflag:s24] =	ssyncset.done $0x0  }
0x1d9: {  	[sflag:s24] =	ssyncadd.s32 $0xFFFFF600  }
0x1da: {  	[spmem:s2] =	stream.indirect.scatter.add.f32 [tilespmem:s20], [sflag:$0x11], $0x80, s19, s25, $0xb8;
	[tilespmem:$0x1E980] =	vst v63  }
0x1db: {  	_ =	swait.ge [sflag:s14], $0xA00  }
0x1dc: {  	[sflag:s14] =	ssyncset.done $0x0  }
0x1dd: {  	s11 =	simm.s32 @p0 $0x8;
	[sflag:s14] =	ssyncadd.s32 $0xFFFFF600  }
0x1de: {  	_ =	swait.ge @p0 [sflag:s11], $0xA00  }
0x1df: {  	s12 =	simm.s32 @p0 $0x8580;
	[sflag:s11] =	ssyncset.done @p0 $0x0  }
0x1e0: {  	s17 =	sadd.s32 @!p0 $0xFFFFFFC4, s1;
	[sflag:s11] =	ssyncadd.s32 @p0 $0xFFFFF600;
	s11 =	simm.s32 @p0 $0x3000  }
0x1e1: {  	v19 =	vadd.s32 @!p0 s17, v18;
	[spmem:s2] =	stream.indirect.scatter.add.f32 @p0 [tilespmem:s12], [sflag:$0x12], $0x80, s11, s10, $0xb8;
	[tilespmem:$0x1E980] =	vst v63  }
0x1e2: {  	s10 =	simm.s32 @p0 $0x10  }
0x1e3: {  	_ =	swait.ge @p0 [sflag:s10], $0xA00  }
0x1e4: {  	[sflag:s10] =	ssyncset.done @p0 $0x0  }
0x1e5: {  	[sflag:s10] =	ssyncadd.s32 @p0 $0xFFFFF600  }
0x1e6: {  	v19 =	vld.idx.msk @!p0 [tilespmem:v19+s7+$0x0], $0xffff;
	_ =	sdelay $0x2  }
0x1e7: {  	v20 =	vadd.s32 @!p0 s17, v17;
	_ =	sdelay $0x1  }
0x1e8: {  	v21 =	vand.u32 @!p0 $0xFFFF, v19  }
0x1e9: {  	v19 =	vshrl.u32 @!p0 v19, $0x10;
	[tilespmem:$0x2980] =	vst @!p0 v21  }
0x1ea: {  	[tilespmem:$0x2E80] =	vst @!p0 v19  }
0x1eb: {  	v19 =	vld.idx.msk @!p0 [tilespmem:v20+s7+$0x0], $0xffff;
	_ =	sdelay $0x4  }
0x1ec: {  	s10 =	simm.s32 @!p0 $0x2980;
	v20 =	vand.u32 @!p0 $0xFFFF, v19  }
0x1ed: {  	s11 =	simm.s32 @!p0 $0x2E80;
	v19 =	vshrl.u32 @!p0 v19, $0x10;
	[tilespmem:v17+s10+$0x0] =	vst.idx.msk @!p0 $0xffff, v20  }
0x1ee: {  	[tilespmem:v17+s11+$0x0] =	vst.idx.msk @!p0 $0xffff, v19;
	s11 =	simm.s32 @!p0 $0x6180  }
0x1ef: {  	[tilespmem:s11], [sflag:$0x5] =	stream.indirect.gather @!p0 [hbm4b:s4+s8], $0x80, s10, s8, $0xb8;
	[tilespmem:$0x1E980] =	vst v63  }
0x1f0: {  	s10 =	simm.s32 @!p0 $0x8  }
0x1f1: {  	_ =	swait.ge @!p0 [sflag:s10], $0xA00  }
0x1f2: {  	s12 =	sadd.s32 @!p0 $0xFFFFFFD8, s1;
	[sflag:s10] =	ssyncset.done @!p0 $0x0  }
0x1f3: {  	s11 =	simm.s32 @!p0 $0x8580;
	[sflag:s10] =	ssyncadd.s32 @!p0 $0xFFFFF600;
	s10 =	simm.s32 @!p0 $0x3000  }
0x1f4: {  	v18 =	vadd.s32 @!p0 s12, v18;
	[spmem:s2] =	stream.indirect.scatter.add.f32 @!p0 [tilespmem:s11], [sflag:$0x12], $0x80, s10, s8, $0xb8;
	[tilespmem:$0x1E980] =	vst v63  }
0x1f5: {  	s10 =	simm.s32 @!p0 $0x10  }
0x1f6: {  	_ =	swait.ge @!p0 [sflag:s10], $0xA00  }
0x1f7: {  	[sflag:s10] =	ssyncset.done @!p0 $0x0  }
0x1f8: {  	[sflag:s10] =	ssyncadd.s32 @!p0 $0xFFFFF600  }
0x1f9: {  	v18 =	vld.idx.msk @!p0 [tilespmem:v18+s7+$0x0], $0xffff;
	_ =	sdelay $0x2  }
0x1fa: {  	v19 =	vadd.s32 @!p0 s12, v17;
	_ =	sdelay $0x1  }
0x1fb: {  	v20 =	vand.u32 @!p0 $0xFFFF, v18  }
0x1fc: {  	v18 =	vshrl.u32 @!p0 v18, $0x10;
	[tilespmem:$0x2A00] =	vst @!p0 v20  }
0x1fd: {  	[tilespmem:$0x2F00] =	vst @!p0 v18  }
0x1fe: {  	v18 =	vld.idx.msk @!p0 [tilespmem:v19+s7+$0x0], $0xffff;
	_ =	sdelay $0x4  }
0x1ff: {  	s7 =	simm.s32 @!p0 $0x2A00;
	v19 =	vand.u32 @!p0 $0xFFFF, v18  }
0x200: {  	v18 =	vshrl.u32 @!p0 v18, $0x10;
	[tilespmem:v17+s7+$0x0] =	vst.idx.msk @!p0 $0xffff, v19  }
0x201: {  	[tilespmem:v17+s13+$0x0] =	vst.idx.msk @!p0 $0xffff, v18  }
0x202: {  	[tilespmem:s16], [sflag:$0x6] =	stream.indirect.gather @!p0 [hbm4b:s4+s8], $0x80, s7, s8, $0xb8;
	[tilespmem:$0x1E980] =	vst v63  }
0x203: {  	_ =	swait.ge [sflag:s23], $0xA00  }
0x204: {  	[sflag:s23] =	ssyncset.done $0x0  }
.Ltmp3:
0x205: {  	[sflag:s23] =	ssyncadd.s32 $0xFFFFF600;
	(pc) =	sbr.rel @p0 .LBB2_6-.Ltmp3, $4  }
0x206: {  	[spmem:s2] =	stream.indirect.scatter.add.f32 [tilespmem:s22], [sflag:$0x13], $0x80, s30, s25, $0xb8;
	[tilespmem:$0x1E980] =	vst v63  }
0x207: {  	_ =	swait.ge [sflag:s28], $0xA00  }
0x208: {  	s15 =	simm.s32 $0x3100;
	[sflag:s28] =	ssyncset.done $0x0  }
0x209: {  	s12 =	simm.s32 $0x7980;
	s11 =	simm.s32 $0x2F80;
	[sflag:s28] =	ssyncadd.s32 $0xFFFFF600  }
0x20a: {  	s7 =	sadd.s32 $0xFFFFFFEC, s1  }
0x20b: {  	v17 =	vadd.s32 s7, v1;
	_ =	sdelay $0x4  }
0x20c: {  	v17 =	vld.idx.msk [tilespmem:v17+s3+$0x0], $0xffff;
	_ =	sdelay $0x2  }
0x20d: {  	v18 =	vadd.s32 s7, v2;
	_ =	sdelay $0x1  }
0x20e: {  	v19 =	vand.u32 $0xFFFF, v17  }
0x20f: {  	v17 =	vshrl.u32 v17, $0x10;
	[tilespmem:$0x2A80] =	vst v19  }
0x210: {  	[tilespmem:$0x2F80] =	vst v17  }
0x211: {  	v17 =	vld.idx.msk [tilespmem:v18+s3+$0x0], $0xffff;
	_ =	sdelay $0x4  }
0x212: {  	s19 =	simm.s32 $0x2A80;
	v18 =	vand.u32 $0xFFFF, v17  }
0x213: {  	v17 =	vshrl.u32 v17, $0x10;
	[tilespmem:v2+s19+$0x0] =	vst.idx.msk $0xffff, v18  }
0x214: {  	[tilespmem:v2+s11+$0x0] =	vst.idx.msk $0xffff, v17  }
0x215: {  	[tilespmem:s12], [sflag:$0x7] =	stream.indirect.gather [hbm4b:s4+s25], $0x80, s19, s25, $0xb8;
	[tilespmem:$0x1E980] =	vst v63  }
0x216: {  	_ =	swait.ge [sflag:s29], $0xA00  }
0x217: {  	[sflag:s29] =	ssyncset.done $0x0  }
0x218: {  	v17 =	vadd.s32 s1, v1;
	[sflag:s29] =	ssyncadd.s32 $0xFFFFF600  }
0x219: {  	[spmem:s2] =	stream.indirect.scatter.add.f32 [tilespmem:s18], [sflag:$0x14], $0x80, s15, s25, $0xb8;
	[tilespmem:$0x1E980] =	vst v63  }
0x21a: {  	_ =	swait.ge [sflag:s31], $0xA00  }
0x21b: {  	[sflag:s31] =	ssyncset.done $0x0  }
0x21c: {  	[sflag:s31] =	ssyncadd.s32 $0xFFFFF600  }
0x21d: {  	v17 =	vld.idx.msk [tilespmem:v17+s3+$0x0], $0xffff;
	_ =	sdelay $0x2  }
0x21e: {  	v18 =	vadd.s32 s1, v2;
	_ =	sdelay $0x1  }
0x21f: {  	v19 =	vand.u32 $0xFFFF, v17  }
0x220: {  	v17 =	vshrl.u32 v17, $0x10;
	[tilespmem:$0x2B00] =	vst v19  }
0x221: {  	[tilespmem:$0x3000] =	vst v17  }
0x222: {  	v17 =	vld.idx.msk [tilespmem:v18+s3+$0x0], $0xffff;
	_ =	sdelay $0x4  }
.Ltmp4:
0x223: {  	s20 =	simm.s32 $0x2B00;
	v18 =	vand.u32 $0xFFFF, v17;
	(pc) =	sbr.rel .LBB2_4-.Ltmp4, $4  }
0x224: {  	s8 =	simm.s32 $0x3000;
	v17 =	vshrl.u32 v17, $0x10;
	[tilespmem:v2+s20+$0x0] =	vst.idx.msk $0xffff, v18  }
0x225: {  	s26 =	simm.s32 $0x8580;
	s13 =	simm.s32 $0x3100;
	s1 =	sadd.s32 $0xC8, s1;
	[tilespmem:v2+s8+$0x0] =	vst.idx.msk $0xffff, v17  }
0x226: {  	[tilespmem:s26], [sflag:$0x8] =	stream.indirect.gather [hbm4b:s4+s25], $0x80, s20, s25, $0xb8;
	[tilespmem:$0x1E980] =	vst v63  }
0x227: {  	s19 =	simm.s32 $0x2F80;
	s15 =	simm.s32 $0x9D80;
	s20 =	simm.s32 $0x7980  }
.LBB2_7:
0x228: {  	_ =	sfence.sel $0x180000  }
0x229: {  	[bflag:$0x0] =	sbarrier.arrive $0xFFFF  }
0x22a: {  	_ =	strace $0x9000004A  }
0x22b: {  	s0 =	stileid.u32;
	[bflag:$0x2] =	sbarrier.arrive $0xFFFF  }
0x22c: {  	p0 =	sne.s32 s0, $0x0;
	s0 =	rddreg [dreg:$0x2]  }
0x22d: {  	s0 =	sadd.s32 @!p0 $0x100000, s0  }
0x22e: {  	[sflag:s0] =	ssyncadd.tile.s32 @!p0 $0x1;
	_ =	shalt  }
.Lfunc_end2:
_tile_overlayer_lowered:
.L_overlay_start_2:
0x22f: {  	(tag) =	ssettag $0x2  }
0x230: {  	s0 =	rddreg [dreg:$0x0];
	s2 =	stileid.u32  }
0x231: {  	s1 =	rddreg [dreg:$0x1];
	p0 =	sne.s32 s2, $0x0  }
0x232: {  	s3 =	rddreg [dreg:$0x2];
	[bflag:$0x3] =	sbarrier.arrive $0xFFFF;
	s2 =	simm.s32 @!p0 $0x1C15  }
0x233: {  	[timem:s3], [sflag:s2] =	dma.local @!p0 [hbm:s0], s1  }
0x234: {  	s0 =	simm.s32 @!p0 $0x15  }
0x235: {  	_ =	swait.ge @!p0 [sflag:s0], s1  }
0x236: {  	s1 =	ssub.s32 @!p0 $0x0, s1;
	[sflag:s0] =	ssyncset.done @!p0 $0x0  }
0x237: {  	[sflag:s0] =	ssyncadd.s32 @!p0 s1  }
0x238: {  	[bflag:$0x3] =	sbarrier.arrive $0xFFFF  }
0x239: {  	_ =	shalt  }

</sc_bundles>
